<compile_context>
chip_gen: v7x
topology: tpu7x:2x2x1
jax: 0.10.2.dev20260603
libtpu: 0.0.44.dev20260713+nightly
codegen_flags: <defaults>
</compile_context>

<pallas_src>
import jax
import jax.numpy as jnp
from jax import lax
from jax.experimental import pallas as pl
from jax.experimental.pallas import tpu as pltpu
from jax.experimental.pallas import tpu_sc as plsc

NC = 2
NS = 16
NW = NC * NS
LANES = 16
G = 64


def _fill_f32(ref, rows, cols, val):
    zv = jnp.full((LANES,), val, jnp.float32)

    def bi(i, carry):
        def bj(j, c):
            ref[i, pl.ds(j * LANES, LANES)] = zv
            return c

        return lax.fori_loop(0, cols // LANES, bj, carry)

    lax.fori_loop(0, rows, bi, 0)


def _strided_chunks(s, nzch, fn):

    def step(i, carry):
        k = s + i * NS

        @pl.when(k < nzch)
        def _():
            fn(k)

        return carry

    lax.fori_loop(0, (nzch + NS - 1) // NS, step, 0)


def _make_agg(N, H, K, NCH):
    assert N % K == 0 and K == 80
    nzch = N // K
    mesh = plsc.VectorSubcoreMesh(core_axis_name="c", subcore_axis_name="s")

    def body(h_hbm, src_hbm, dst_hbm, part_hbm, src_v, dst_v, rows0,
             acc_sh, rows1, sem0, sem1):
        c = lax.axis_index("c")
        s = lax.axis_index("s")
        w = c * NS + s

        a_src = pltpu.async_copy(src_hbm.at[w], src_v, sem0)
        a_dst = pltpu.async_copy(dst_hbm.at[w], dst_v, sem1)

        _fill_f32(rows0, K, H, 0.0)
        _strided_chunks(
            s, nzch,
            lambda k: pltpu.sync_copy(rows0, acc_sh.at[pl.ds(k * K, K)]))
        a_src.wait()
        a_dst.wait()
        plsc.subcore_barrier()

        def gath(j, buf, sem):
            for off, ln in ((0, 24), (24, 24), (48, 16), (64, 16)):
                pltpu.async_copy(h_hbm.at[src_v.at[pl.ds(j * K + off, ln)]],
                                 buf.at[pl.ds(off, ln)], sem)

        def gwait(buf, sem):
            pltpu.make_async_copy(h_hbm.at[pl.ds(0, K)], buf, sem).wait()

        gath(0, rows0, sem0)

        def dbody(t, carry):
            jj = 2 * t
            gath(jj + 1, rows1, sem1)
            gwait(rows0, sem0)
            pltpu.sync_copy(rows0, acc_sh.at[dst_v.at[jj]], add=True)

            @pl.when(jj + 2 < NCH)
            def _():
                gath(jj + 2, rows0, sem0)

            gwait(rows1, sem1)
            pltpu.sync_copy(rows1, acc_sh.at[dst_v.at[jj + 1]], add=True)
            return carry

        lax.fori_loop(0, NCH // 2, dbody, 0)
        if NCH % 2 == 1:
            gwait(rows0, sem0)
            pltpu.sync_copy(rows0, acc_sh.at[dst_v.at[NCH - 1]], add=True)
        plsc.subcore_barrier()

        _strided_chunks(
            s, nzch,
            lambda k: pltpu.sync_copy(acc_sh.at[pl.ds(k * K, K)],
                                      part_hbm.at[c].at[pl.ds(k * K, K)]))

    return pl.kernel(
        body,
        out_type=[jax.ShapeDtypeStruct((NC, N, H), jnp.float32)],
        mesh=mesh,
        scratch_types=[
            pltpu.VMEM((NCH * K,), jnp.int32),
            pltpu.VMEM((NCH, K), jnp.int32),
            pltpu.VMEM((K, H), jnp.float32),
            pltpu.VMEM_SHARED((N, H), jnp.float32),
            pltpu.VMEM((K, H), jnp.float32),
            pltpu.SemaphoreType.DMA,
            pltpu.SemaphoreType.DMA,
        ])


def _make_deghist(NBLK, BE, NA):

    def body(d_ref, o_ref, acc):
        i = pl.program_id(0)

        @pl.when(i == 0)
        def _():
            acc[...] = jnp.zeros_like(acc)

        d = d_ref[0, 0, :]
        a = lax.shift_right_logical(d, 7)
        b = jnp.bitwise_and(d, 127)
        oa = (lax.broadcasted_iota(jnp.int32, (NA, BE), 0)
              == a[None, :]).astype(jnp.bfloat16)
        ob = (lax.broadcasted_iota(jnp.int32, (BE, 128), 1)
              == b[:, None]).astype(jnp.bfloat16)
        acc[...] += jnp.dot(oa, ob, preferred_element_type=jnp.float32)

        @pl.when(i == NBLK - 1)
        def _():
            o_ref[...] = acc[...]

    return pl.pallas_call(
        body,
        grid=(NBLK,),
        in_specs=[pl.BlockSpec((1, 1, BE), lambda i: (i, 0, 0))],
        out_specs=pl.BlockSpec((NA, 128), lambda i: (0, 0)),
        out_shape=jax.ShapeDtypeStruct((NA, 128), jnp.float32),
        scratch_shapes=[pltpu.VMEM((NA, 128), jnp.float32)],
    )


def _make_update0(N, H, BN):
    grid = (N // BN,)

    def body(part_ref, deg_ref, h_ref, wl_ref, wr_ref, b_ref, o_ref,
             rdeg_ref):
        rdeg = 1.0 / jnp.maximum(deg_ref[...], 1.0)
        rdeg_ref[...] = jnp.broadcast_to(rdeg, rdeg_ref.shape)
        agg = (part_ref[0] + part_ref[1]) * rdeg
        acc = jnp.dot(agg, wl_ref[...], preferred_element_type=jnp.float32)
        acc = acc + jnp.dot(h_ref[...], wr_ref[...],
                            preferred_element_type=jnp.float32)
        o_ref[...] = jnp.maximum(acc + b_ref[...], 0.0)

    return pl.pallas_call(
        body,
        grid=grid,
        in_specs=[
            pl.BlockSpec((NC, BN, H), lambda i: (0, i, 0)),
            pl.BlockSpec((BN, 1), lambda i: (i, 0)),
            pl.BlockSpec((BN, H), lambda i: (i, 0)),
            pl.BlockSpec((H, H), lambda i: (0, 0)),
            pl.BlockSpec((H, H), lambda i: (0, 0)),
            pl.BlockSpec((1, H), lambda i: (0, 0)),
        ],
        out_specs=[
            pl.BlockSpec((BN, H), lambda i: (i, 0)),
            pl.BlockSpec((BN, H), lambda i: (i, 0)),
        ],
        out_shape=[
            jax.ShapeDtypeStruct((N, H), jnp.float32),
            jax.ShapeDtypeStruct((N, H), jnp.float32),
        ],
    )


def _make_update(N, H, BN):
    grid = (N // BN,)

    def body(part_ref, rdeg_ref, h_ref, wl_ref, wr_ref, b_ref, o_ref):
        agg = (part_ref[0] + part_ref[1]) * rdeg_ref[:, :1]
        acc = jnp.dot(agg, wl_ref[...], preferred_element_type=jnp.float32)
        acc = acc + jnp.dot(h_ref[...], wr_ref[...],
                            preferred_element_type=jnp.float32)
        o_ref[...] = jnp.maximum(acc + b_ref[...], 0.0)

    return pl.pallas_call(
        body,
        grid=grid,
        in_specs=[
            pl.BlockSpec((NC, BN, H), lambda i: (0, i, 0)),
            pl.BlockSpec((BN, H), lambda i: (i, 0)),
            pl.BlockSpec((BN, H), lambda i: (i, 0)),
            pl.BlockSpec((H, H), lambda i: (0, 0)),
            pl.BlockSpec((H, H), lambda i: (0, 0)),
            pl.BlockSpec((1, H), lambda i: (0, 0)),
        ],
        out_specs=pl.BlockSpec((BN, H), lambda i: (i, 0)),
        out_shape=jax.ShapeDtypeStruct((N, H), jnp.float32),
    )


def _make_update_pool(N, H, C, BN):
    nb = N // BN

    def body(part_ref, rdeg_ref, h_ref, wl_ref, wr_ref, b_ref, bt_ref,
             w1_ref, b1_ref, w2_ref, b2_ref, o_ref, sums, cnts):
        i = pl.program_id(0)

        @pl.when(i == 0)
        def _():
            sums[...] = jnp.zeros_like(sums)
            cnts[...] = jnp.zeros_like(cnts)

        agg = (part_ref[0] + part_ref[1]) * rdeg_ref[:, :1]
        acc = jnp.dot(agg, wl_ref[...], preferred_element_type=jnp.float32)
        acc = acc + jnp.dot(h_ref[...], wr_ref[...],
                            preferred_element_type=jnp.float32)
        h3 = jnp.maximum(acc + b_ref[...], 0.0)

        bt = bt_ref[...][:, 0]
        onehot = (lax.broadcasted_iota(jnp.int32, (G, BN), 0)
                  == bt[None, :]).astype(jnp.float32)
        sums[...] += jnp.dot(onehot, h3, preferred_element_type=jnp.float32)
        cnts[...] += jnp.sum(onehot, axis=1, keepdims=True)

        @pl.when(i == nb - 1)
        def _():
            pooled = sums[...] / jnp.maximum(cnts[...], 1.0)
            t = jnp.maximum(
                jnp.dot(pooled, w1_ref[...],
                        preferred_element_type=jnp.float32) + b1_ref[...],
                0.0)
            logits = jnp.dot(t, w2_ref[...],
                             preferred_element_type=jnp.float32) + b2_ref[...]
            m = jnp.max(logits, axis=-1, keepdims=True)
            e = jnp.exp(logits - m)
            o_ref[...] = (logits - m) - jnp.log(
                jnp.sum(e, axis=-1, keepdims=True))

    return pl.pallas_call(
        body,
        grid=(nb,),
        in_specs=[
            pl.BlockSpec((NC, BN, H), lambda i: (0, i, 0)),
            pl.BlockSpec((BN, H), lambda i: (i, 0)),
            pl.BlockSpec((BN, H), lambda i: (i, 0)),
            pl.BlockSpec((H, H), lambda i: (0, 0)),
            pl.BlockSpec((H, H), lambda i: (0, 0)),
            pl.BlockSpec((1, H), lambda i: (0, 0)),
            pl.BlockSpec((BN, 1), lambda i: (i, 0)),
            pl.BlockSpec((H, H), lambda i: (0, 0)),
            pl.BlockSpec((1, H), lambda i: (0, 0)),
            pl.BlockSpec((H, C), lambda i: (0, 0)),
            pl.BlockSpec((1, C), lambda i: (0, 0)),
        ],
        out_specs=pl.BlockSpec((G, C), lambda i: (0, 0)),
        out_shape=jax.ShapeDtypeStruct((G, C), jnp.float32),
        scratch_shapes=[
            pltpu.VMEM((G, H), jnp.float32),
            pltpu.VMEM((G, 1), jnp.float32),
        ],
    )


def kernel(x, edge_index, batch, Wl0, bl0, Wr0, Wl1, bl1, Wr1, Wl2, bl2, Wr2,
           W1, b1, W2, b2):
    N, H = x.shape
    C = W2.shape[1]
    E = edge_index.shape[1]
    K = 80
    assert E % (NW * K) == 0
    NCH = E // (NW * K)

    src = edge_index[0].reshape(NW, NCH * K)
    dst = edge_index[1].reshape(NW, NCH, K)

    agg = _make_agg(N, H, K, NCH)
    BE = 12800
    assert E % BE == 0
    NA = -(-((N + 127) // 128) // 8) * 8
    deghist = _make_deghist(E // BE, BE, NA)
    update0 = _make_update0(N, H, BN=5000)
    update = _make_update(N, H, BN=5000)
    update_pool = _make_update_pool(N, H, C, BN=5000)

    (part,) = agg(x, src, dst)
    dh = deghist(edge_index[1].reshape(E // BE, 1, BE))
    degcol = dh.reshape(-1)[:N].reshape(N, 1)
    h, rdeg = update0(part, degcol, x, Wl0, Wr0, bl0.reshape(1, H))
    (part,) = agg(h, src, dst)
    h = update(part, rdeg, h, Wl1, Wr1, bl1.reshape(1, H))
    (part,) = agg(h, src, dst)
    return update_pool(part, rdeg, h, Wl2, Wr2, bl2.reshape(1, H),
                       batch.reshape(N, 1), W1, b1.reshape(1, H), W2,
                       b2.reshape(1, C))

# --- scband reference (transcript-rebuilt; emitter-appended) ---
"""Pipeline reference for scband-graph-sage-11227044511905 (READ-ONLY COPY).

The authoritative reference and input builder live on the scoring server;
editing this copy changes nothing except your own understanding.
"""

import jax, jax.numpy as jnp
import numpy as np

N = 10000
E = 320000
F_IN = 128
H = 128
C = 16
G = 64


def _glorot(key, shape):
    fan_in = shape[0]
    s = 1.0 / np.sqrt(fan_in)
    return jax.random.uniform(key, shape, dtype=jnp.float32, minval=-s, maxval=s)


def setup_inputs(seed: int = 0) -> dict:
    key = jax.random.key(seed)
    ks = jax.random.split(key, 20)
    inp = {}
    inp['x'] = jax.random.normal(ks[0], (N, F_IN), dtype=jnp.float32)
    inp['edge_index'] = jax.random.randint(ks[1], (2, E), 0, N, dtype=jnp.int32)
    inp['batch'] = jnp.sort(jax.random.randint(ks[2], (N,), 0, G, dtype=jnp.int32))
    dims = [(F_IN, H), (H, H), (H, H)]
    for l, (din, dout) in enumerate(dims):
        inp[f'Wl{l}'] = _glorot(ks[3 + 3 * l], (din, dout))
        inp[f'bl{l}'] = jnp.zeros((dout,), dtype=jnp.float32)
        inp[f'Wr{l}'] = _glorot(ks[4 + 3 * l], (din, dout))
    inp['W1'] = _glorot(ks[12], (H, H))
    inp['b1'] = jnp.zeros((H,), dtype=jnp.float32)
    inp['W2'] = _glorot(ks[13], (H, C))
    inp['b2'] = jnp.zeros((C,), dtype=jnp.float32)
    return inp


def _sage_conv(h, src, dst, Wl, bl, Wr):
    # PyG SAGEConv with mean aggregation: lin_l(mean_j x_j) + lin_r(x_i)
    msg = jnp.take(h, src, axis=0)
    agg = jax.ops.segment_sum(msg, dst, num_segments=N)
    deg = jax.ops.segment_sum(jnp.ones((src.shape[0], 1), dtype=h.dtype), dst, num_segments=N)
    agg = agg / jnp.maximum(deg, 1.0)
    return agg @ Wl + bl + h @ Wr


def reference(x, edge_index, batch, Wl0, bl0, Wr0, Wl1, bl1, Wr1, Wl2, bl2, Wr2, W1, b1, W2, b2):
    src = edge_index[0]
    dst = edge_index[1]
    h = jax.nn.relu(_sage_conv(x, src, dst, Wl0, bl0, Wr0))
    h = jax.nn.relu(_sage_conv(h, src, dst, Wl1, bl1, Wr1))
    h = jax.nn.relu(_sage_conv(h, src, dst, Wl2, bl2, Wr2))
    # global_mean_pool over graph ids
    sums = jax.ops.segment_sum(h, batch, num_segments=G)
    cnts = jax.ops.segment_sum(jnp.ones((N, 1), dtype=h.dtype), batch, num_segments=G)
    pooled = sums / jnp.maximum(cnts, 1.0)
    h = jax.nn.relu(pooled @ W1 + b1)
    # dropout is identity in eval mode
    logits = h @ W2 + b2
    return jax.nn.log_softmax(logits, axis=-1)

if __name__ == "__main__":
    import jax
    _d = setup_inputs()
    print(jax.jit(kernel)(*tuple(_d.values())))

</pallas_src>

<mosaic_0001>
#map = affine_map<(d0, d1) -> (0, 0)>
#map1 = affine_map<(d0, d1) -> (0, 0, 0)>
module attributes {stable_mosaic.version = 14 : i64} {
  func.func @body(%arg0: i32, %arg1: i32, %arg2: memref<10000x128xf32, #tpu.memory_space<hbm>>, %arg3: memref<32x10000xi32, #tpu.memory_space<hbm>>, %arg4: memref<32x125x80xi32, #tpu.memory_space<hbm>>, %arg5: memref<2x10000x128xf32, #tpu.memory_space<hbm>>, %arg6: memref<10000xi32, #tpu.memory_space<vmem>>, %arg7: memref<125x80xi32, #tpu.memory_space<vmem>>, %arg8: memref<80x128xf32, #tpu.memory_space<vmem>>, %arg9: memref<10000x128xf32, #tpu.memory_space<vmem_shared>>, %arg10: memref<80x128xf32, #tpu.memory_space<vmem>>, %arg11: memref<!tpu.dma_semaphore, #tpu.memory_space<semaphore_mem>>, %arg12: memref<!tpu.dma_semaphore, #tpu.memory_space<semaphore_mem>>) attributes {dimension_semantics = [#tpu.dimension_semantics<core_parallel>, #tpu.dimension_semantics<subcore_parallel>], iteration_bounds = array<i64: 2, 16>, scalar_prefetch = 0 : i64, scratch_operands = 7 : i64, tpu.core_type = #tpu.core_type<sc_vector_subcore>, window_params = [{transform_indices = #map}, {transform_indices = #map}, {transform_indices = #map1}, {transform_indices = #map1}]} {
    %mul3A = arith.constant 16 : i32
    %mul3A_0 = arith.muli %arg0, %mul3A : i32
    %add3A = arith.addi %mul3A_0, %arg1 : i32
    %dma_start3A = arith.constant 0 : i32
    %dma_start3A_1 = tpu.memref_slice %arg3[%add3A, %dma_start3A] : memref<32x10000xi32, #tpu.memory_space<hbm>> -> memref<1x10000xi32, #tpu.memory_space<hbm>>
    %dma_start3A_2 = tpu.memref_squeeze %dma_start3A_1 : memref<1x10000xi32, #tpu.memory_space<hbm>> -> memref<10000xi32, #tpu.memory_space<hbm>>
    %dma_start3A_3 = arith.constant 0 : i32
    %dma_start3A_4 = tpu.memref_slice %arg3[%add3A, %dma_start3A_3] : memref<32x10000xi32, #tpu.memory_space<hbm>> -> memref<1x10000xi32, #tpu.memory_space<hbm>>
    %dma_start3A_5 = tpu.memref_squeeze %dma_start3A_4 : memref<1x10000xi32, #tpu.memory_space<hbm>> -> memref<10000xi32, #tpu.memory_space<hbm>>
    tpu.enqueue_dma source(%dma_start3A_5 : memref<10000xi32, #tpu.memory_space<hbm>>) target(%arg6 : memref<10000xi32, #tpu.memory_space<vmem>>) target_semaphore(%arg11 : memref<!tpu.dma_semaphore, #tpu.memory_space<semaphore_mem>>)
    %dma_start3A_6 = arith.constant 0 : i32
    %dma_start3A_7 = arith.constant 0 : i32
    %dma_start3A_8 = tpu.memref_slice %arg4[%add3A, %dma_start3A_6, %dma_start3A_7] : memref<32x125x80xi32, #tpu.memory_space<hbm>> -> memref<1x125x80xi32, #tpu.memory_space<hbm>>
    %dma_start3A_9 = tpu.memref_squeeze %dma_start3A_8 : memref<1x125x80xi32, #tpu.memory_space<hbm>> -> memref<125x80xi32, #tpu.memory_space<hbm>>
    %dma_start3A_10 = arith.constant 0 : i32
    %dma_start3A_11 = arith.constant 0 : i32
    %dma_start3A_12 = tpu.memref_slice %arg4[%add3A, %dma_start3A_10, %dma_start3A_11] : memref<32x125x80xi32, #tpu.memory_space<hbm>> -> memref<1x125x80xi32, #tpu.memory_space<hbm>>
    %dma_start3A_13 = tpu.memref_squeeze %dma_start3A_12 : memref<1x125x80xi32, #tpu.memory_space<hbm>> -> memref<125x80xi32, #tpu.memory_space<hbm>>
    tpu.enqueue_dma source(%dma_start3A_13 : memref<125x80xi32, #tpu.memory_space<hbm>>) target(%arg7 : memref<125x80xi32, #tpu.memory_space<vmem>>) target_semaphore(%arg12 : memref<!tpu.dma_semaphore, #tpu.memory_space<semaphore_mem>>)
    %broadcast_in_dim3A = arith.constant 0.000000e+00 : f32
    %broadcast_in_dim3A_14 = vector.broadcast %broadcast_in_dim3A : f32 to vector<16xf32>
    %scan3A = arith.constant 0 : i32
    %scan3A_15 = arith.constant 0 : i32
    %scan3A_16 = arith.constant 80 : i32
    %scan3A_17 = arith.addi %scan3A_15, %scan3A_16 : i32
    %scan3A_18 = arith.constant 1 : i32
    scf.for %scan3A_90 = %scan3A_15 to %scan3A_17 step %scan3A_18  : i32 {
      %scan3A_91 = arith.constant 0 : i32
      %scan3A_92 = arith.constant 8 : i32
      %scan3A_93 = arith.addi %scan3A_91, %scan3A_92 : i32
      %scan3A_94 = arith.constant 1 : i32
      scf.for %scan3A_96 = %scan3A_91 to %scan3A_93 step %scan3A_94  : i32 {
        %mul3A_97 = arith.constant 16 : i32
        %mul3A_98 = arith.muli %scan3A_96, %mul3A_97 : i32
        %swap3A = arith.index_cast %scan3A_90 : i32 to index
        %swap3A_99 = arith.index_cast %mul3A_98 : i32 to index
        %swap3A_100 = tpu.vector_load %arg8[%swap3A, %swap3A_99] {strides = array<i32>} : memref<80x128xf32, #tpu.memory_space<vmem>>, vector<1x16xf32>,
        %swap3A_101 = vector.shape_cast %swap3A_100 : vector<1x16xf32> to vector<16xf32>
        %swap3A_102 = vector.shape_cast %broadcast_in_dim3A_14 : vector<16xf32> to vector<1x16xf32>
        tpu.vector_store %arg8[%swap3A, %swap3A_99], %swap3A_102 {strides = array<i32>} : memref<80x128xf32, #tpu.memory_space<vmem>>, vector<1x16xf32>,
      }
      %scan3A_95 = arith.constant 8 : i32
    }
    %scan3A_19 = arith.constant 80 : i32
    %scan3A_20 = arith.constant 0 : i32
    %scan3A_21 = arith.constant 0 : i32
    %scan3A_22 = arith.constant 8 : i32
    %scan3A_23 = arith.addi %scan3A_21, %scan3A_22 : i32
    %scan3A_24 = arith.constant 1 : i32
    scf.for %scan3A_90 = %scan3A_21 to %scan3A_23 step %scan3A_24  : i32 {
      %mul3A_91 = arith.constant 16 : i32
      %mul3A_92 = arith.muli %scan3A_90, %mul3A_91 : i32
      %add3A_93 = arith.addi %arg1, %mul3A_92 : i32
      %lt3A = arith.constant 125 : i32
      %lt3A_94 = arith.cmpi slt, %add3A_93, %lt3A : i32
      %convert_element_type3A = arith.extui %lt3A_94 : i1 to i32
      %cond3A = arith.constant 0 : i32
      %cond3A_95 = arith.cmpi ne, %convert_element_type3A, %cond3A : i32
      scf.if %cond3A_95 {
        %mul3A_96 = arith.constant 80 : i32
        %mul3A_97 = arith.muli %add3A_93, %mul3A_96 : i32
        "tpu.region"() ({
          %run_scoped3A_98 = tpu.sem_alloc : memref<!tpu.dma_semaphore, #tpu.memory_space<semaphore_mem>>
          %dma_start3A_99 = arith.constant 0 : i32
          %dma_start3A_100 = tpu.memref_slice %arg9[%mul3A_97, %dma_start3A_99] : memref<10000x128xf32, #tpu.memory_space<vmem_shared>> -> memref<80x128xf32, #tpu.memory_space<vmem_shared>>
          %dma_start3A_101 = arith.constant 0 : i32
          %dma_start3A_102 = tpu.memref_slice %arg9[%mul3A_97, %dma_start3A_101] : memref<10000x128xf32, #tpu.memory_space<vmem_shared>> -> memref<80x128xf32, #tpu.memory_space<vmem_shared>>
          tpu.enqueue_dma source(%arg8 : memref<80x128xf32, #tpu.memory_space<vmem>>) target(%dma_start3A_102 : memref<80x128xf32, #tpu.memory_space<vmem_shared>>) target_semaphore(%run_scoped3A_98 : memref<!tpu.dma_semaphore, #tpu.memory_space<semaphore_mem>>)
          %dma_wait3A_103 = arith.constant 0 : i32
          %dma_wait3A_104 = tpu.memref_slice %arg9[%mul3A_97, %dma_wait3A_103] : memref<10000x128xf32, #tpu.memory_space<vmem_shared>> -> memref<80x128xf32, #tpu.memory_space<vmem_shared>>
          %dma_wait3A_105 = arith.constant 0 : i32
          %dma_wait3A_106 = tpu.memref_slice %arg9[%mul3A_97, %dma_wait3A_105] : memref<10000x128xf32, #tpu.memory_space<vmem_shared>> -> memref<80x128xf32, #tpu.memory_space<vmem_shared>>
          tpu.wait_dma2 semaphore(%run_scoped3A_98 : memref<!tpu.dma_semaphore, #tpu.memory_space<semaphore_mem>>) src(%arg8 : memref<80x128xf32, #tpu.memory_space<vmem>>) dst(%dma_wait3A_106 : memref<80x128xf32, #tpu.memory_space<vmem_shared>>)
          tpu.yield
        }) : () -> ()
      } else {
      }
    }
    %scan3A_25 = arith.constant 8 : i32
    %dma_wait3A = arith.constant 0 : i32
    %dma_wait3A_26 = tpu.memref_slice %arg3[%add3A, %dma_wait3A] : memref<32x10000xi32, #tpu.memory_space<hbm>> -> memref<1x10000xi32, #tpu.memory_space<hbm>>
    %dma_wait3A_27 = tpu.memref_squeeze %dma_wait3A_26 : memref<1x10000xi32, #tpu.memory_space<hbm>> -> memref<10000xi32, #tpu.memory_space<hbm>>
    %dma_wait3A_28 = arith.constant 0 : i32
    %dma_wait3A_29 = tpu.memref_slice %arg3[%add3A, %dma_wait3A_28] : memref<32x10000xi32, #tpu.memory_space<hbm>> -> memref<1x10000xi32, #tpu.memory_space<hbm>>
    %dma_wait3A_30 = tpu.memref_squeeze %dma_wait3A_29 : memref<1x10000xi32, #tpu.memory_space<hbm>> -> memref<10000xi32, #tpu.memory_space<hbm>>
    tpu.wait_dma2 semaphore(%arg11 : memref<!tpu.dma_semaphore, #tpu.memory_space<semaphore_mem>>) src(%dma_wait3A_30 : memref<10000xi32, #tpu.memory_space<hbm>>) dst(%arg6 : memref<10000xi32, #tpu.memory_space<vmem>>)
    %dma_wait3A_31 = arith.constant 0 : i32
    %dma_wait3A_32 = arith.constant 0 : i32
    %dma_wait3A_33 = tpu.memref_slice %arg4[%add3A, %dma_wait3A_31, %dma_wait3A_32] : memref<32x125x80xi32, #tpu.memory_space<hbm>> -> memref<1x125x80xi32, #tpu.memory_space<hbm>>
    %dma_wait3A_34 = tpu.memref_squeeze %dma_wait3A_33 : memref<1x125x80xi32, #tpu.memory_space<hbm>> -> memref<125x80xi32, #tpu.memory_space<hbm>>
    %dma_wait3A_35 = arith.constant 0 : i32
    %dma_wait3A_36 = arith.constant 0 : i32
    %dma_wait3A_37 = tpu.memref_slice %arg4[%add3A, %dma_wait3A_35, %dma_wait3A_36] : memref<32x125x80xi32, #tpu.memory_space<hbm>> -> memref<1x125x80xi32, #tpu.memory_space<hbm>>
    %dma_wait3A_38 = tpu.memref_squeeze %dma_wait3A_37 : memref<1x125x80xi32, #tpu.memory_space<hbm>> -> memref<125x80xi32, #tpu.memory_space<hbm>>
    tpu.wait_dma2 semaphore(%arg12 : memref<!tpu.dma_semaphore, #tpu.memory_space<semaphore_mem>>) src(%dma_wait3A_38 : memref<125x80xi32, #tpu.memory_space<hbm>>) dst(%arg7 : memref<125x80xi32, #tpu.memory_space<vmem>>)
    %barrier3A = arith.constant 0 : index
    tpu.barrier barrier_id(%barrier3A)
    %dma_start3A_39 = arith.constant 0 : i32
    %dma_start3A_40 = arith.constant 0 : i32
    %dma_start3A_41 = tpu.memref_slice %arg8[%dma_start3A_39, %dma_start3A_40] : memref<80x128xf32, #tpu.memory_space<vmem>> -> memref<24x128xf32, #tpu.memory_space<vmem>>
    %dma_start3A_42 = arith.constant 0 : i32
    %dma_start3A_43 = tpu.memref_slice %arg6[%dma_start3A_42] : memref<10000xi32, #tpu.memory_space<vmem>> -> memref<24xi32, #tpu.memory_space<vmem>>
    %dma_start3A_44 = arith.constant 0 : i32
    %dma_start3A_45 = arith.constant 0 : i32
    %dma_start3A_46 = tpu.memref_slice %arg2[%dma_start3A_44, %dma_start3A_45] : memref<10000x128xf32, #tpu.memory_space<hbm>> -> memref<10000x128xf32, #tpu.memory_space<hbm>>
    tpu.enqueue_indirect_dma source(%dma_start3A_46 : memref<10000x128xf32, #tpu.memory_space<hbm>>) target(%dma_start3A_41 : memref<24x128xf32, #tpu.memory_space<vmem>>) offsets(%dma_start3A_43 : memref<24xi32, #tpu.memory_space<vmem>>) semaphore(%arg11 : memref<!tpu.dma_semaphore, #tpu.memory_space<semaphore_mem>>)
    %dma_start3A_47 = arith.constant 24 : i32
    %dma_start3A_48 = arith.constant 0 : i32
    %dma_start3A_49 = tpu.memref_slice %arg8[%dma_start3A_47, %dma_start3A_48] : memref<80x128xf32, #tpu.memory_space<vmem>> -> memref<24x128xf32, #tpu.memory_space<vmem>>
    %dma_start3A_50 = arith.constant 24 : i32
    %dma_start3A_51 = tpu.memref_slice %arg6[%dma_start3A_50] : memref<10000xi32, #tpu.memory_space<vmem>> -> memref<24xi32, #tpu.memory_space<vmem>>
    %dma_start3A_52 = arith.constant 0 : i32
    %dma_start3A_53 = arith.constant 0 : i32
    %dma_start3A_54 = tpu.memref_slice %arg2[%dma_start3A_52, %dma_start3A_53] : memref<10000x128xf32, #tpu.memory_space<hbm>> -> memref<10000x128xf32, #tpu.memory_space<hbm>>
    tpu.enqueue_indirect_dma source(%dma_start3A_54 : memref<10000x128xf32, #tpu.memory_space<hbm>>) target(%dma_start3A_49 : memref<24x128xf32, #tpu.memory_space<vmem>>) offsets(%dma_start3A_51 : memref<24xi32, #tpu.memory_space<vmem>>) semaphore(%arg11 : memref<!tpu.dma_semaphore, #tpu.memory_space<semaphore_mem>>)
    %dma_start3A_55 = arith.constant 48 : i32
    %dma_start3A_56 = arith.constant 0 : i32
    %dma_start3A_57 = tpu.memref_slice %arg8[%dma_start3A_55, %dma_start3A_56] : memref<80x128xf32, #tpu.memory_space<vmem>> -> memref<16x128xf32, #tpu.memory_space<vmem>>
    %dma_start3A_58 = arith.constant 48 : i32
    %dma_start3A_59 = tpu.memref_slice %arg6[%dma_start3A_58] : memref<10000xi32, #tpu.memory_space<vmem>> -> memref<16xi32, #tpu.memory_space<vmem>>
    %dma_start3A_60 = arith.constant 0 : i32
    %dma_start3A_61 = arith.constant 0 : i32
    %dma_start3A_62 = tpu.memref_slice %arg2[%dma_start3A_60, %dma_start3A_61] : memref<10000x128xf32, #tpu.memory_space<hbm>> -> memref<10000x128xf32, #tpu.memory_space<hbm>>
    tpu.enqueue_indirect_dma source(%dma_start3A_62 : memref<10000x128xf32, #tpu.memory_space<hbm>>) target(%dma_start3A_57 : memref<16x128xf32, #tpu.memory_space<vmem>>) offsets(%dma_start3A_59 : memref<16xi32, #tpu.memory_space<vmem>>) semaphore(%arg11 : memref<!tpu.dma_semaphore, #tpu.memory_space<semaphore_mem>>)
    %dma_start3A_63 = arith.constant 64 : i32
    %dma_start3A_64 = arith.constant 0 : i32
    %dma_start3A_65 = tpu.memref_slice %arg8[%dma_start3A_63, %dma_start3A_64] : memref<80x128xf32, #tpu.memory_space<vmem>> -> memref<16x128xf32, #tpu.memory_space<vmem>>
    %dma_start3A_66 = arith.constant 64 : i32
    %dma_start3A_67 = tpu.memref_slice %arg6[%dma_start3A_66] : memref<10000xi32, #tpu.memory_space<vmem>> -> memref<16xi32, #tpu.memory_space<vmem>>
    %dma_start3A_68 = arith.constant 0 : i32
    %dma_start3A_69 = arith.constant 0 : i32
    %dma_start3A_70 = tpu.memref_slice %arg2[%dma_start3A_68, %dma_start3A_69] : memref<10000x128xf32, #tpu.memory_space<hbm>> -> memref<10000x128xf32, #tpu.memory_space<hbm>>
    tpu.enqueue_indirect_dma source(%dma_start3A_70 : memref<10000x128xf32, #tpu.memory_space<hbm>>) target(%dma_start3A_65 : memref<16x128xf32, #tpu.memory_space<vmem>>) offsets(%dma_start3A_67 : memref<16xi32, #tpu.memory_space<vmem>>) semaphore(%arg11 : memref<!tpu.dma_semaphore, #tpu.memory_space<semaphore_mem>>)
    %scan3A_71 = arith.constant 0 : i32
    %scan3A_72 = arith.constant 0 : i32
    %scan3A_73 = arith.constant 62 : i32
    %scan3A_74 = arith.addi %scan3A_72, %scan3A_73 : i32
    %scan3A_75 = arith.constant 1 : i32
    scf.for %scan3A_90 = %scan3A_72 to %scan3A_74 step %scan3A_75  : i32 {
      %mul3A_91 = arith.constant 2 : i32
      %mul3A_92 = arith.muli %mul3A_91, %scan3A_90 : i32
      %add3A_93 = arith.constant 1 : i32
      %add3A_94 = arith.addi %mul3A_92, %add3A_93 : i32
      %mul3A_95 = arith.constant 80 : i32
      %mul3A_96 = arith.muli %add3A_94, %mul3A_95 : i32
      %add3A_97 = arith.constant 0 : i32
      %add3A_98 = arith.addi %mul3A_96, %add3A_97 : i32
      %dma_start3A_99 = arith.constant 0 : i32
      %dma_start3A_100 = arith.constant 0 : i32
      %dma_start3A_101 = tpu.memref_slice %arg10[%dma_start3A_99, %dma_start3A_100] : memref<80x128xf32, #tpu.memory_space<vmem>> -> memref<24x128xf32, #tpu.memory_space<vmem>>
      %dma_start3A_102 = tpu.memref_slice %arg6[%add3A_98] : memref<10000xi32, #tpu.memory_space<vmem>> -> memref<24xi32, #tpu.memory_space<vmem>>
      %dma_start3A_103 = arith.constant 0 : i32
      %dma_start3A_104 = arith.constant 0 : i32
      %dma_start3A_105 = tpu.memref_slice %arg2[%dma_start3A_103, %dma_start3A_104] : memref<10000x128xf32, #tpu.memory_space<hbm>> -> memref<10000x128xf32, #tpu.memory_space<hbm>>
      tpu.enqueue_indirect_dma source(%dma_start3A_105 : memref<10000x128xf32, #tpu.memory_space<hbm>>) target(%dma_start3A_101 : memref<24x128xf32, #tpu.memory_space<vmem>>) offsets(%dma_start3A_102 : memref<24xi32, #tpu.memory_space<vmem>>) semaphore(%arg12 : memref<!tpu.dma_semaphore, #tpu.memory_space<semaphore_mem>>)
      %mul3A_106 = arith.constant 80 : i32
      %mul3A_107 = arith.muli %add3A_94, %mul3A_106 : i32
      %add3A_108 = arith.constant 24 : i32
      %add3A_109 = arith.addi %mul3A_107, %add3A_108 : i32
      %dma_start3A_110 = arith.constant 24 : i32
      %dma_start3A_111 = arith.constant 0 : i32
      %dma_start3A_112 = tpu.memref_slice %arg10[%dma_start3A_110, %dma_start3A_111] : memref<80x128xf32, #tpu.memory_space<vmem>> -> memref<24x128xf32, #tpu.memory_space<vmem>>
      %dma_start3A_113 = tpu.memref_slice %arg6[%add3A_109] : memref<10000xi32, #tpu.memory_space<vmem>> -> memref<24xi32, #tpu.memory_space<vmem>>
      %dma_start3A_114 = arith.constant 0 : i32
      %dma_start3A_115 = arith.constant 0 : i32
      %dma_start3A_116 = tpu.memref_slice %arg2[%dma_start3A_114, %dma_start3A_115] : memref<10000x128xf32, #tpu.memory_space<hbm>> -> memref<10000x128xf32, #tpu.memory_space<hbm>>
      tpu.enqueue_indirect_dma source(%dma_start3A_116 : memref<10000x128xf32, #tpu.memory_space<hbm>>) target(%dma_start3A_112 : memref<24x128xf32, #tpu.memory_space<vmem>>) offsets(%dma_start3A_113 : memref<24xi32, #tpu.memory_space<vmem>>) semaphore(%arg12 : memref<!tpu.dma_semaphore, #tpu.memory_space<semaphore_mem>>)
      %mul3A_117 = arith.constant 80 : i32
      %mul3A_118 = arith.muli %add3A_94, %mul3A_117 : i32
      %add3A_119 = arith.constant 48 : i32
      %add3A_120 = arith.addi %mul3A_118, %add3A_119 : i32
      %dma_start3A_121 = arith.constant 48 : i32
      %dma_start3A_122 = arith.constant 0 : i32
      %dma_start3A_123 = tpu.memref_slice %arg10[%dma_start3A_121, %dma_start3A_122] : memref<80x128xf32, #tpu.memory_space<vmem>> -> memref<16x128xf32, #tpu.memory_space<vmem>>
      %dma_start3A_124 = tpu.memref_slice %arg6[%add3A_120] : memref<10000xi32, #tpu.memory_space<vmem>> -> memref<16xi32, #tpu.memory_space<vmem>>
      %dma_start3A_125 = arith.constant 0 : i32
      %dma_start3A_126 = arith.constant 0 : i32
      %dma_start3A_127 = tpu.memref_slice %arg2[%dma_start3A_125, %dma_start3A_126] : memref<10000x128xf32, #tpu.memory_space<hbm>> -> memref<10000x128xf32, #tpu.memory_space<hbm>>
      tpu.enqueue_indirect_dma source(%dma_start3A_127 : memref<10000x128xf32, #tpu.memory_space<hbm>>) target(%dma_start3A_123 : memref<16x128xf32, #tpu.memory_space<vmem>>) offsets(%dma_start3A_124 : memref<16xi32, #tpu.memory_space<vmem>>) semaphore(%arg12 : memref<!tpu.dma_semaphore, #tpu.memory_space<semaphore_mem>>)
      %mul3A_128 = arith.constant 80 : i32
      %mul3A_129 = arith.muli %add3A_94, %mul3A_128 : i32
      %add3A_130 = arith.constant 64 : i32
      %add3A_131 = arith.addi %mul3A_129, %add3A_130 : i32
      %dma_start3A_132 = arith.constant 64 : i32
      %dma_start3A_133 = arith.constant 0 : i32
      %dma_start3A_134 = tpu.memref_slice %arg10[%dma_start3A_132, %dma_start3A_133] : memref<80x128xf32, #tpu.memory_space<vmem>> -> memref<16x128xf32, #tpu.memory_space<vmem>>
      %dma_start3A_135 = tpu.memref_slice %arg6[%add3A_131] : memref<10000xi32, #tpu.memory_space<vmem>> -> memref<16xi32, #tpu.memory_space<vmem>>
      %dma_start3A_136 = arith.constant 0 : i32
      %dma_start3A_137 = arith.constant 0 : i32
      %dma_start3A_138 = tpu.memref_slice %arg2[%dma_start3A_136, %dma_start3A_137] : memref<10000x128xf32, #tpu.memory_space<hbm>> -> memref<10000x128xf32, #tpu.memory_space<hbm>>
      tpu.enqueue_indirect_dma source(%dma_start3A_138 : memref<10000x128xf32, #tpu.memory_space<hbm>>) target(%dma_start3A_134 : memref<16x128xf32, #tpu.memory_space<vmem>>) offsets(%dma_start3A_135 : memref<16xi32, #tpu.memory_space<vmem>>) semaphore(%arg12 : memref<!tpu.dma_semaphore, #tpu.memory_space<semaphore_mem>>)
      %dma_wait3A_139 = arith.constant 0 : i32
      %dma_wait3A_140 = arith.constant 0 : i32
      %dma_wait3A_141 = tpu.memref_slice %arg2[%dma_wait3A_139, %dma_wait3A_140] : memref<10000x128xf32, #tpu.memory_space<hbm>> -> memref<80x128xf32, #tpu.memory_space<hbm>>
      %dma_wait3A_142 = arith.constant 0 : i32
      %dma_wait3A_143 = arith.constant 0 : i32
      %dma_wait3A_144 = tpu.memref_slice %arg2[%dma_wait3A_142, %dma_wait3A_143] : memref<10000x128xf32, #tpu.memory_space<hbm>> -> memref<80x128xf32, #tpu.memory_space<hbm>>
      tpu.wait_dma2 semaphore(%arg11 : memref<!tpu.dma_semaphore, #tpu.memory_space<semaphore_mem>>) src(%dma_wait3A_144 : memref<80x128xf32, #tpu.memory_space<hbm>>) dst(%arg8 : memref<80x128xf32, #tpu.memory_space<vmem>>)
      "tpu.region"() ({
        %run_scoped3A_157 = tpu.sem_alloc : memref<!tpu.dma_semaphore, #tpu.memory_space<semaphore_mem>>
        %dma_start3A_158 = arith.constant 0 : i32
        %dma_start3A_159 = tpu.memref_slice %arg7[%mul3A_92, %dma_start3A_158] : memref<125x80xi32, #tpu.memory_space<vmem>> -> memref<1x80xi32, #tpu.memory_space<vmem>>
        %dma_start3A_160 = tpu.memref_squeeze %dma_start3A_159 : memref<1x80xi32, #tpu.memory_space<vmem>> -> memref<80xi32, #tpu.memory_space<vmem>>
        %dma_start3A_161 = arith.constant 0 : i32
        %dma_start3A_162 = arith.constant 0 : i32
        %dma_start3A_163 = tpu.memref_slice %arg9[%dma_start3A_161, %dma_start3A_162] : memref<10000x128xf32, #tpu.memory_space<vmem_shared>> -> memref<10000x128xf32, #tpu.memory_space<vmem_shared>>
        tpu.enqueue_indirect_dma source(%arg8 : memref<80x128xf32, #tpu.memory_space<vmem>>) target(%dma_start3A_163 : memref<10000x128xf32, #tpu.memory_space<vmem_shared>>) offsets(%dma_start3A_160 : memref<80xi32, #tpu.memory_space<vmem>>) semaphore(%run_scoped3A_157 : memref<!tpu.dma_semaphore, #tpu.memory_space<semaphore_mem>>) {add = true}
        %dma_wait3A_164 = arith.constant 0 : i32
        %dma_wait3A_165 = tpu.memref_slice %arg7[%mul3A_92, %dma_wait3A_164] : memref<125x80xi32, #tpu.memory_space<vmem>> -> memref<1x80xi32, #tpu.memory_space<vmem>>
        %dma_wait3A_166 = tpu.memref_squeeze %dma_wait3A_165 : memref<1x80xi32, #tpu.memory_space<vmem>> -> memref<80xi32, #tpu.memory_space<vmem>>
        %dma_wait3A_167 = arith.constant 0 : i32
        %dma_wait3A_168 = arith.constant 0 : i32
        %dma_wait3A_169 = tpu.memref_slice %arg9[%dma_wait3A_167, %dma_wait3A_168] : memref<10000x128xf32, #tpu.memory_space<vmem_shared>> -> memref<10000x128xf32, #tpu.memory_space<vmem_shared>>
        tpu.wait_indirect_dma semaphore(%run_scoped3A_157 : memref<!tpu.dma_semaphore, #tpu.memory_space<semaphore_mem>>) src(%arg8 : memref<80x128xf32, #tpu.memory_space<vmem>>) dst(%dma_wait3A_169 : memref<10000x128xf32, #tpu.memory_space<vmem_shared>>)
        tpu.yield
      }) : () -> ()
      %add3A_145 = arith.constant 2 : i32
      %add3A_146 = arith.addi %mul3A_92, %add3A_145 : i32
      %lt3A = arith.constant 125 : i32
      %lt3A_147 = arith.cmpi slt, %add3A_146, %lt3A : i32
      %convert_element_type3A = arith.extui %lt3A_147 : i1 to i32
      %cond3A = arith.constant 0 : i32
      %cond3A_148 = arith.cmpi ne, %convert_element_type3A, %cond3A : i32
      scf.if %cond3A_148 {
        %add3A_157 = arith.constant 2 : i32
        %add3A_158 = arith.addi %mul3A_92, %add3A_157 : i32
        %mul3A_159 = arith.constant 80 : i32
        %mul3A_160 = arith.muli %add3A_158, %mul3A_159 : i32
        %add3A_161 = arith.constant 0 : i32
        %add3A_162 = arith.addi %mul3A_160, %add3A_161 : i32
        %dma_start3A_163 = arith.constant 0 : i32
        %dma_start3A_164 = arith.constant 0 : i32
        %dma_start3A_165 = tpu.memref_slice %arg8[%dma_start3A_163, %dma_start3A_164] : memref<80x128xf32, #tpu.memory_space<vmem>> -> memref<24x128xf32, #tpu.memory_space<vmem>>
        %dma_start3A_166 = tpu.memref_slice %arg6[%add3A_162] : memref<10000xi32, #tpu.memory_space<vmem>> -> memref<24xi32, #tpu.memory_space<vmem>>
        %dma_start3A_167 = arith.constant 0 : i32
        %dma_start3A_168 = arith.constant 0 : i32
        %dma_start3A_169 = tpu.memref_slice %arg2[%dma_start3A_167, %dma_start3A_168] : memref<10000x128xf32, #tpu.memory_space<hbm>> -> memref<10000x128xf32, #tpu.memory_space<hbm>>
        tpu.enqueue_indirect_dma source(%dma_start3A_169 : memref<10000x128xf32, #tpu.memory_space<hbm>>) target(%dma_start3A_165 : memref<24x128xf32, #tpu.memory_space<vmem>>) offsets(%dma_start3A_166 : memref<24xi32, #tpu.memory_space<vmem>>) semaphore(%arg11 : memref<!tpu.dma_semaphore, #tpu.memory_space<semaphore_mem>>)
        %mul3A_170 = arith.constant 80 : i32
        %mul3A_171 = arith.muli %add3A_158, %mul3A_170 : i32
        %add3A_172 = arith.constant 24 : i32
        %add3A_173 = arith.addi %mul3A_171, %add3A_172 : i32
        %dma_start3A_174 = arith.constant 24 : i32
        %dma_start3A_175 = arith.constant 0 : i32
        %dma_start3A_176 = tpu.memref_slice %arg8[%dma_start3A_174, %dma_start3A_175] : memref<80x128xf32, #tpu.memory_space<vmem>> -> memref<24x128xf32, #tpu.memory_space<vmem>>
        %dma_start3A_177 = tpu.memref_slice %arg6[%add3A_173] : memref<10000xi32, #tpu.memory_space<vmem>> -> memref<24xi32, #tpu.memory_space<vmem>>
        %dma_start3A_178 = arith.constant 0 : i32
        %dma_start3A_179 = arith.constant 0 : i32
        %dma_start3A_180 = tpu.memref_slice %arg2[%dma_start3A_178, %dma_start3A_179] : memref<10000x128xf32, #tpu.memory_space<hbm>> -> memref<10000x128xf32, #tpu.memory_space<hbm>>
        tpu.enqueue_indirect_dma source(%dma_start3A_180 : memref<10000x128xf32, #tpu.memory_space<hbm>>) target(%dma_start3A_176 : memref<24x128xf32, #tpu.memory_space<vmem>>) offsets(%dma_start3A_177 : memref<24xi32, #tpu.memory_space<vmem>>) semaphore(%arg11 : memref<!tpu.dma_semaphore, #tpu.memory_space<semaphore_mem>>)
        %mul3A_181 = arith.constant 80 : i32
        %mul3A_182 = arith.muli %add3A_158, %mul3A_181 : i32
        %add3A_183 = arith.constant 48 : i32
        %add3A_184 = arith.addi %mul3A_182, %add3A_183 : i32
        %dma_start3A_185 = arith.constant 48 : i32
        %dma_start3A_186 = arith.constant 0 : i32
        %dma_start3A_187 = tpu.memref_slice %arg8[%dma_start3A_185, %dma_start3A_186] : memref<80x128xf32, #tpu.memory_space<vmem>> -> memref<16x128xf32, #tpu.memory_space<vmem>>
        %dma_start3A_188 = tpu.memref_slice %arg6[%add3A_184] : memref<10000xi32, #tpu.memory_space<vmem>> -> memref<16xi32, #tpu.memory_space<vmem>>
        %dma_start3A_189 = arith.constant 0 : i32
        %dma_start3A_190 = arith.constant 0 : i32
        %dma_start3A_191 = tpu.memref_slice %arg2[%dma_start3A_189, %dma_start3A_190] : memref<10000x128xf32, #tpu.memory_space<hbm>> -> memref<10000x128xf32, #tpu.memory_space<hbm>>
        tpu.enqueue_indirect_dma source(%dma_start3A_191 : memref<10000x128xf32, #tpu.memory_space<hbm>>) target(%dma_start3A_187 : memref<16x128xf32, #tpu.memory_space<vmem>>) offsets(%dma_start3A_188 : memref<16xi32, #tpu.memory_space<vmem>>) semaphore(%arg11 : memref<!tpu.dma_semaphore, #tpu.memory_space<semaphore_mem>>)
        %mul3A_192 = arith.constant 80 : i32
        %mul3A_193 = arith.muli %add3A_158, %mul3A_192 : i32
        %add3A_194 = arith.constant 64 : i32
        %add3A_195 = arith.addi %mul3A_193, %add3A_194 : i32
        %dma_start3A_196 = arith.constant 64 : i32
        %dma_start3A_197 = arith.constant 0 : i32
        %dma_start3A_198 = tpu.memref_slice %arg8[%dma_start3A_196, %dma_start3A_197] : memref<80x128xf32, #tpu.memory_space<vmem>> -> memref<16x128xf32, #tpu.memory_space<vmem>>
        %dma_start3A_199 = tpu.memref_slice %arg6[%add3A_195] : memref<10000xi32, #tpu.memory_space<vmem>> -> memref<16xi32, #tpu.memory_space<vmem>>
        %dma_start3A_200 = arith.constant 0 : i32
        %dma_start3A_201 = arith.constant 0 : i32
        %dma_start3A_202 = tpu.memref_slice %arg2[%dma_start3A_200, %dma_start3A_201] : memref<10000x128xf32, #tpu.memory_space<hbm>> -> memref<10000x128xf32, #tpu.memory_space<hbm>>
        tpu.enqueue_indirect_dma source(%dma_start3A_202 : memref<10000x128xf32, #tpu.memory_space<hbm>>) target(%dma_start3A_198 : memref<16x128xf32, #tpu.memory_space<vmem>>) offsets(%dma_start3A_199 : memref<16xi32, #tpu.memory_space<vmem>>) semaphore(%arg11 : memref<!tpu.dma_semaphore, #tpu.memory_space<semaphore_mem>>)
      } else {
      }
      %dma_wait3A_149 = arith.constant 0 : i32
      %dma_wait3A_150 = arith.constant 0 : i32
      %dma_wait3A_151 = tpu.memref_slice %arg2[%dma_wait3A_149, %dma_wait3A_150] : memref<10000x128xf32, #tpu.memory_space<hbm>> -> memref<80x128xf32, #tpu.memory_space<hbm>>
      %dma_wait3A_152 = arith.constant 0 : i32
      %dma_wait3A_153 = arith.constant 0 : i32
      %dma_wait3A_154 = tpu.memref_slice %arg2[%dma_wait3A_152, %dma_wait3A_153] : memref<10000x128xf32, #tpu.memory_space<hbm>> -> memref<80x128xf32, #tpu.memory_space<hbm>>
      tpu.wait_dma2 semaphore(%arg12 : memref<!tpu.dma_semaphore, #tpu.memory_space<semaphore_mem>>) src(%dma_wait3A_154 : memref<80x128xf32, #tpu.memory_space<hbm>>) dst(%arg10 : memref<80x128xf32, #tpu.memory_space<vmem>>)
      %add3A_155 = arith.constant 1 : i32
      %add3A_156 = arith.addi %mul3A_92, %add3A_155 : i32
      "tpu.region"() ({
        %run_scoped3A_157 = tpu.sem_alloc : memref<!tpu.dma_semaphore, #tpu.memory_space<semaphore_mem>>
        %dma_start3A_158 = arith.constant 0 : i32
        %dma_start3A_159 = tpu.memref_slice %arg7[%add3A_156, %dma_start3A_158] : memref<125x80xi32, #tpu.memory_space<vmem>> -> memref<1x80xi32, #tpu.memory_space<vmem>>
        %dma_start3A_160 = tpu.memref_squeeze %dma_start3A_159 : memref<1x80xi32, #tpu.memory_space<vmem>> -> memref<80xi32, #tpu.memory_space<vmem>>
        %dma_start3A_161 = arith.constant 0 : i32
        %dma_start3A_162 = arith.constant 0 : i32
        %dma_start3A_163 = tpu.memref_slice %arg9[%dma_start3A_161, %dma_start3A_162] : memref<10000x128xf32, #tpu.memory_space<vmem_shared>> -> memref<10000x128xf32, #tpu.memory_space<vmem_shared>>
        tpu.enqueue_indirect_dma source(%arg10 : memref<80x128xf32, #tpu.memory_space<vmem>>) target(%dma_start3A_163 : memref<10000x128xf32, #tpu.memory_space<vmem_shared>>) offsets(%dma_start3A_160 : memref<80xi32, #tpu.memory_space<vmem>>) semaphore(%run_scoped3A_157 : memref<!tpu.dma_semaphore, #tpu.memory_space<semaphore_mem>>) {add = true}
        %dma_wait3A_164 = arith.constant 0 : i32
        %dma_wait3A_165 = tpu.memref_slice %arg7[%add3A_156, %dma_wait3A_164] : memref<125x80xi32, #tpu.memory_space<vmem>> -> memref<1x80xi32, #tpu.memory_space<vmem>>
        %dma_wait3A_166 = tpu.memref_squeeze %dma_wait3A_165 : memref<1x80xi32, #tpu.memory_space<vmem>> -> memref<80xi32, #tpu.memory_space<vmem>>
        %dma_wait3A_167 = arith.constant 0 : i32
        %dma_wait3A_168 = arith.constant 0 : i32
        %dma_wait3A_169 = tpu.memref_slice %arg9[%dma_wait3A_167, %dma_wait3A_168] : memref<10000x128xf32, #tpu.memory_space<vmem_shared>> -> memref<10000x128xf32, #tpu.memory_space<vmem_shared>>
        tpu.wait_indirect_dma semaphore(%run_scoped3A_157 : memref<!tpu.dma_semaphore, #tpu.memory_space<semaphore_mem>>) src(%arg10 : memref<80x128xf32, #tpu.memory_space<vmem>>) dst(%dma_wait3A_169 : memref<10000x128xf32, #tpu.memory_space<vmem_shared>>)
        tpu.yield
      }) : () -> ()
    }
    %scan3A_76 = arith.constant 62 : i32
    %dma_wait3A_77 = arith.constant 0 : i32
    %dma_wait3A_78 = arith.constant 0 : i32
    %dma_wait3A_79 = tpu.memref_slice %arg2[%dma_wait3A_77, %dma_wait3A_78] : memref<10000x128xf32, #tpu.memory_space<hbm>> -> memref<80x128xf32, #tpu.memory_space<hbm>>
    %dma_wait3A_80 = arith.constant 0 : i32
    %dma_wait3A_81 = arith.constant 0 : i32
    %dma_wait3A_82 = tpu.memref_slice %arg2[%dma_wait3A_80, %dma_wait3A_81] : memref<10000x128xf32, #tpu.memory_space<hbm>> -> memref<80x128xf32, #tpu.memory_space<hbm>>
    tpu.wait_dma2 semaphore(%arg11 : memref<!tpu.dma_semaphore, #tpu.memory_space<semaphore_mem>>) src(%dma_wait3A_82 : memref<80x128xf32, #tpu.memory_space<hbm>>) dst(%arg8 : memref<80x128xf32, #tpu.memory_space<vmem>>)
    %run_scoped3A = arith.constant 124 : i32
    "tpu.region"() ({
      %run_scoped3A_90 = tpu.sem_alloc : memref<!tpu.dma_semaphore, #tpu.memory_space<semaphore_mem>>
      %dma_start3A_91 = arith.constant 0 : i32
      %dma_start3A_92 = tpu.memref_slice %arg7[%run_scoped3A, %dma_start3A_91] : memref<125x80xi32, #tpu.memory_space<vmem>> -> memref<1x80xi32, #tpu.memory_space<vmem>>
      %dma_start3A_93 = tpu.memref_squeeze %dma_start3A_92 : memref<1x80xi32, #tpu.memory_space<vmem>> -> memref<80xi32, #tpu.memory_space<vmem>>
      %dma_start3A_94 = arith.constant 0 : i32
      %dma_start3A_95 = arith.constant 0 : i32
      %dma_start3A_96 = tpu.memref_slice %arg9[%dma_start3A_94, %dma_start3A_95] : memref<10000x128xf32, #tpu.memory_space<vmem_shared>> -> memref<10000x128xf32, #tpu.memory_space<vmem_shared>>
      tpu.enqueue_indirect_dma source(%arg8 : memref<80x128xf32, #tpu.memory_space<vmem>>) target(%dma_start3A_96 : memref<10000x128xf32, #tpu.memory_space<vmem_shared>>) offsets(%dma_start3A_93 : memref<80xi32, #tpu.memory_space<vmem>>) semaphore(%run_scoped3A_90 : memref<!tpu.dma_semaphore, #tpu.memory_space<semaphore_mem>>) {add = true}
      %dma_wait3A_97 = arith.constant 0 : i32
      %dma_wait3A_98 = tpu.memref_slice %arg7[%run_scoped3A, %dma_wait3A_97] : memref<125x80xi32, #tpu.memory_space<vmem>> -> memref<1x80xi32, #tpu.memory_space<vmem>>
      %dma_wait3A_99 = tpu.memref_squeeze %dma_wait3A_98 : memref<1x80xi32, #tpu.memory_space<vmem>> -> memref<80xi32, #tpu.memory_space<vmem>>
      %dma_wait3A_100 = arith.constant 0 : i32
      %dma_wait3A_101 = arith.constant 0 : i32
      %dma_wait3A_102 = tpu.memref_slice %arg9[%dma_wait3A_100, %dma_wait3A_101] : memref<10000x128xf32, #tpu.memory_space<vmem_shared>> -> memref<10000x128xf32, #tpu.memory_space<vmem_shared>>
      tpu.wait_indirect_dma semaphore(%run_scoped3A_90 : memref<!tpu.dma_semaphore, #tpu.memory_space<semaphore_mem>>) src(%arg8 : memref<80x128xf32, #tpu.memory_space<vmem>>) dst(%dma_wait3A_102 : memref<10000x128xf32, #tpu.memory_space<vmem_shared>>)
      tpu.yield
    }) : () -> ()
    %barrier3A_83 = arith.constant 0 : index
    tpu.barrier barrier_id(%barrier3A_83)
    %scan3A_84 = arith.constant 0 : i32
    %scan3A_85 = arith.constant 0 : i32
    %scan3A_86 = arith.constant 8 : i32
    %scan3A_87 = arith.addi %scan3A_85, %scan3A_86 : i32
    %scan3A_88 = arith.constant 1 : i32
    scf.for %scan3A_90 = %scan3A_85 to %scan3A_87 step %scan3A_88  : i32 {
      %mul3A_91 = arith.constant 16 : i32
      %mul3A_92 = arith.muli %scan3A_90, %mul3A_91 : i32
      %add3A_93 = arith.addi %arg1, %mul3A_92 : i32
      %lt3A = arith.constant 125 : i32
      %lt3A_94 = arith.cmpi slt, %add3A_93, %lt3A : i32
      %convert_element_type3A = arith.extui %lt3A_94 : i1 to i32
      %cond3A = arith.constant 0 : i32
      %cond3A_95 = arith.cmpi ne, %convert_element_type3A, %cond3A : i32
      scf.if %cond3A_95 {
        %mul3A_96 = arith.constant 80 : i32
        %mul3A_97 = arith.muli %add3A_93, %mul3A_96 : i32
        %mul3A_98 = arith.constant 80 : i32
        %mul3A_99 = arith.muli %add3A_93, %mul3A_98 : i32
        "tpu.region"() ({
          %run_scoped3A_100 = tpu.sem_alloc : memref<!tpu.dma_semaphore, #tpu.memory_space<semaphore_mem>>
          %dma_start3A_101 = arith.constant 0 : i32
          %dma_start3A_102 = arith.constant 0 : i32
          %dma_start3A_103 = tpu.memref_slice %arg5[%arg0, %dma_start3A_101, %dma_start3A_102] : memref<2x10000x128xf32, #tpu.memory_space<hbm>> -> memref<1x10000x128xf32, #tpu.memory_space<hbm>>
          %dma_start3A_104 = tpu.memref_squeeze %dma_start3A_103 : memref<1x10000x128xf32, #tpu.memory_space<hbm>> -> memref<10000x128xf32, #tpu.memory_space<hbm>>
          %dma_start3A_105 = arith.constant 0 : i32
          %dma_start3A_106 = tpu.memref_slice %dma_start3A_104[%mul3A_99, %dma_start3A_105] : memref<10000x128xf32, #tpu.memory_space<hbm>> -> memref<80x128xf32, #tpu.memory_space<hbm>>
          %dma_start3A_107 = arith.constant 0 : i32
          %dma_start3A_108 = tpu.memref_slice %arg9[%mul3A_97, %dma_start3A_107] : memref<10000x128xf32, #tpu.memory_space<vmem_shared>> -> memref<80x128xf32, #tpu.memory_space<vmem_shared>>
          tpu.enqueue_dma source(%dma_start3A_108 : memref<80x128xf32, #tpu.memory_space<vmem_shared>>) target(%dma_start3A_106 : memref<80x128xf32, #tpu.memory_space<hbm>>) target_semaphore(%run_scoped3A_100 : memref<!tpu.dma_semaphore, #tpu.memory_space<semaphore_mem>>)
          %dma_wait3A_109 = arith.constant 0 : i32
          %dma_wait3A_110 = arith.constant 0 : i32
          %dma_wait3A_111 = tpu.memref_slice %arg5[%arg0, %dma_wait3A_109, %dma_wait3A_110] : memref<2x10000x128xf32, #tpu.memory_space<hbm>> -> memref<1x10000x128xf32, #tpu.memory_space<hbm>>
          %dma_wait3A_112 = tpu.memref_squeeze %dma_wait3A_111 : memref<1x10000x128xf32, #tpu.memory_space<hbm>> -> memref<10000x128xf32, #tpu.memory_space<hbm>>
          %dma_wait3A_113 = arith.constant 0 : i32
          %dma_wait3A_114 = tpu.memref_slice %dma_wait3A_112[%mul3A_99, %dma_wait3A_113] : memref<10000x128xf32, #tpu.memory_space<hbm>> -> memref<80x128xf32, #tpu.memory_space<hbm>>
          %dma_wait3A_115 = arith.constant 0 : i32
          %dma_wait3A_116 = tpu.memref_slice %arg9[%mul3A_97, %dma_wait3A_115] : memref<10000x128xf32, #tpu.memory_space<vmem_shared>> -> memref<80x128xf32, #tpu.memory_space<vmem_shared>>
          tpu.wait_dma2 semaphore(%run_scoped3A_100 : memref<!tpu.dma_semaphore, #tpu.memory_space<semaphore_mem>>) src(%dma_wait3A_116 : memref<80x128xf32, #tpu.memory_space<vmem_shared>>) dst(%dma_wait3A_114 : memref<80x128xf32, #tpu.memory_space<hbm>>)
          tpu.yield
        }) : () -> ()
      } else {
      }
    }
    %scan3A_89 = arith.constant 8 : i32
    return
  }
}

#map = affine_map<(d0, d1) -> (0, 0)>
#map1 = affine_map<(d0, d1) -> (0, 0, 0)>
module attributes {stable_mosaic.version = 14 : i64} {
  func.func @body(%arg0: i32, %arg1: i32, %arg2: memref<10000x128xf32, #tpu.memory_space<hbm>>, %arg3: memref<32x10000xi32, #tpu.memory_space<hbm>>, %arg4: memref<32x125x80xi32, #tpu.memory_space<hbm>>, %arg5: memref<2x10000x128xf32, #tpu.memory_space<hbm>>, %arg6: memref<10000xi32, #tpu.memory_space<vmem>>, %arg7: memref<125x80xi32, #tpu.memory_space<vmem>>, %arg8: memref<80x128xf32, #tpu.memory_space<vmem>>, %arg9: memref<10000x128xf32, #tpu.memory_space<vmem_shared>>, %arg10: memref<80x128xf32, #tpu.memory_space<vmem>>, %arg11: memref<!tpu.dma_semaphore, #tpu.memory_space<semaphore_mem>>, %arg12: memref<!tpu.dma_semaphore, #tpu.memory_space<semaphore_mem>>) attributes {dimension_semantics = [#tpu.dimension_semantics<core_parallel>, #tpu.dimension_semantics<subcore_parallel>], iteration_bounds = array<i64: 2, 16>, scalar_prefetch = 0 : i64, scratch_operands = 7 : i64, tpu.core_type = #tpu.core_type<sc_vector_subcore>, window_params = [{transform_indices = #map}, {transform_indices = #map}, {transform_indices = #map1}, {transform_indices = #map1}]} {
    %mul3A = arith.constant 16 : i32
    %mul3A_0 = arith.muli %arg0, %mul3A : i32
    %add3A = arith.addi %mul3A_0, %arg1 : i32
    %dma_start3A = arith.constant 0 : i32
    %dma_start3A_1 = tpu.memref_slice %arg3[%add3A, %dma_start3A] : memref<32x10000xi32, #tpu.memory_space<hbm>> -> memref<1x10000xi32, #tpu.memory_space<hbm>>
    %dma_start3A_2 = tpu.memref_squeeze %dma_start3A_1 : memref<1x10000xi32, #tpu.memory_space<hbm>> -> memref<10000xi32, #tpu.memory_space<hbm>>
    %dma_start3A_3 = arith.constant 0 : i32
    %dma_start3A_4 = tpu.memref_slice %arg3[%add3A, %dma_start3A_3] : memref<32x10000xi32, #tpu.memory_space<hbm>> -> memref<1x10000xi32, #tpu.memory_space<hbm>>
    %dma_start3A_5 = tpu.memref_squeeze %dma_start3A_4 : memref<1x10000xi32, #tpu.memory_space<hbm>> -> memref<10000xi32, #tpu.memory_space<hbm>>
    tpu.enqueue_dma source(%dma_start3A_5 : memref<10000xi32, #tpu.memory_space<hbm>>) target(%arg6 : memref<10000xi32, #tpu.memory_space<vmem>>) target_semaphore(%arg11 : memref<!tpu.dma_semaphore, #tpu.memory_space<semaphore_mem>>)
    %dma_start3A_6 = arith.constant 0 : i32
    %dma_start3A_7 = arith.constant 0 : i32
    %dma_start3A_8 = tpu.memref_slice %arg4[%add3A, %dma_start3A_6, %dma_start3A_7] : memref<32x125x80xi32, #tpu.memory_space<hbm>> -> memref<1x125x80xi32, #tpu.memory_space<hbm>>
    %dma_start3A_9 = tpu.memref_squeeze %dma_start3A_8 : memref<1x125x80xi32, #tpu.memory_space<hbm>> -> memref<125x80xi32, #tpu.memory_space<hbm>>
    %dma_start3A_10 = arith.constant 0 : i32
    %dma_start3A_11 = arith.constant 0 : i32
    %dma_start3A_12 = tpu.memref_slice %arg4[%add3A, %dma_start3A_10, %dma_start3A_11] : memref<32x125x80xi32, #tpu.memory_space<hbm>> -> memref<1x125x80xi32, #tpu.memory_space<hbm>>
    %dma_start3A_13 = tpu.memref_squeeze %dma_start3A_12 : memref<1x125x80xi32, #tpu.memory_space<hbm>> -> memref<125x80xi32, #tpu.memory_space<hbm>>
    tpu.enqueue_dma source(%dma_start3A_13 : memref<125x80xi32, #tpu.memory_space<hbm>>) target(%arg7 : memref<125x80xi32, #tpu.memory_space<vmem>>) target_semaphore(%arg12 : memref<!tpu.dma_semaphore, #tpu.memory_space<semaphore_mem>>)
    %broadcast_in_dim3A = arith.constant 0.000000e+00 : f32
    %broadcast_in_dim3A_14 = vector.broadcast %broadcast_in_dim3A : f32 to vector<16xf32>
    %scan3A = arith.constant 0 : i32
    %scan3A_15 = arith.constant 0 : i32
    %scan3A_16 = arith.constant 80 : i32
    %scan3A_17 = arith.addi %scan3A_15, %scan3A_16 : i32
    %scan3A_18 = arith.constant 1 : i32
    scf.for %scan3A_90 = %scan3A_15 to %scan3A_17 step %scan3A_18  : i32 {
      %scan3A_91 = arith.constant 0 : i32
      %scan3A_92 = arith.constant 8 : i32
      %scan3A_93 = arith.addi %scan3A_91, %scan3A_92 : i32
      %scan3A_94 = arith.constant 1 : i32
      scf.for %scan3A_96 = %scan3A_91 to %scan3A_93 step %scan3A_94  : i32 {
        %mul3A_97 = arith.constant 16 : i32
        %mul3A_98 = arith.muli %scan3A_96, %mul3A_97 : i32
        %swap3A = arith.index_cast %scan3A_90 : i32 to index
        %swap3A_99 = arith.index_cast %mul3A_98 : i32 to index
        %swap3A_100 = tpu.vector_load %arg8[%swap3A, %swap3A_99] {strides = array<i32>} : memref<80x128xf32, #tpu.memory_space<vmem>>, vector<1x16xf32>,
        %swap3A_101 = vector.shape_cast %swap3A_100 : vector<1x16xf32> to vector<16xf32>
        %swap3A_102 = vector.shape_cast %broadcast_in_dim3A_14 : vector<16xf32> to vector<1x16xf32>
        tpu.vector_store %arg8[%swap3A, %swap3A_99], %swap3A_102 {strides = array<i32>} : memref<80x128xf32, #tpu.memory_space<vmem>>, vector<1x16xf32>,
      }
      %scan3A_95 = arith.constant 8 : i32
    }
    %scan3A_19 = arith.constant 80 : i32
    %scan3A_20 = arith.constant 0 : i32
    %scan3A_21 = arith.constant 0 : i32
    %scan3A_22 = arith.constant 8 : i32
    %scan3A_23 = arith.addi %scan3A_21, %scan3A_22 : i32
    %scan3A_24 = arith.constant 1 : i32
    scf.for %scan3A_90 = %scan3A_21 to %scan3A_23 step %scan3A_24  : i32 {
      %mul3A_91 = arith.constant 16 : i32
      %mul3A_92 = arith.muli %scan3A_90, %mul3A_91 : i32
      %add3A_93 = arith.addi %arg1, %mul3A_92 : i32
      %lt3A = arith.constant 125 : i32
      %lt3A_94 = arith.cmpi slt, %add3A_93, %lt3A : i32
      %convert_element_type3A = arith.extui %lt3A_94 : i1 to i32
      %cond3A = arith.constant 0 : i32
      %cond3A_95 = arith.cmpi ne, %convert_element_type3A, %cond3A : i32
      scf.if %cond3A_95 {
        %mul3A_96 = arith.constant 80 : i32
        %mul3A_97 = arith.muli %add3A_93, %mul3A_96 : i32
        "tpu.region"() ({
          %run_scoped3A_98 = tpu.sem_alloc : memref<!tpu.dma_semaphore, #tpu.memory_space<semaphore_mem>>
          %dma_start3A_99 = arith.constant 0 : i32
          %dma_start3A_100 = tpu.memref_slice %arg9[%mul3A_97, %dma_start3A_99] : memref<10000x128xf32, #tpu.memory_space<vmem_shared>> -> memref<80x128xf32, #tpu.memory_space<vmem_shared>>
          %dma_start3A_101 = arith.constant 0 : i32
          %dma_start3A_102 = tpu.memref_slice %arg9[%mul3A_97, %dma_start3A_101] : memref<10000x128xf32, #tpu.memory_space<vmem_shared>> -> memref<80x128xf32, #tpu.memory_space<vmem_shared>>
          tpu.enqueue_dma source(%arg8 : memref<80x128xf32, #tpu.memory_space<vmem>>) target(%dma_start3A_102 : memref<80x128xf32, #tpu.memory_space<vmem_shared>>) target_semaphore(%run_scoped3A_98 : memref<!tpu.dma_semaphore, #tpu.memory_space<semaphore_mem>>)
          %dma_wait3A_103 = arith.constant 0 : i32
          %dma_wait3A_104 = tpu.memref_slice %arg9[%mul3A_97, %dma_wait3A_103] : memref<10000x128xf32, #tpu.memory_space<vmem_shared>> -> memref<80x128xf32, #tpu.memory_space<vmem_shared>>
          %dma_wait3A_105 = arith.constant 0 : i32
          %dma_wait3A_106 = tpu.memref_slice %arg9[%mul3A_97, %dma_wait3A_105] : memref<10000x128xf32, #tpu.memory_space<vmem_shared>> -> memref<80x128xf32, #tpu.memory_space<vmem_shared>>
          tpu.wait_dma2 semaphore(%run_scoped3A_98 : memref<!tpu.dma_semaphore, #tpu.memory_space<semaphore_mem>>) src(%arg8 : memref<80x128xf32, #tpu.memory_space<vmem>>) dst(%dma_wait3A_106 : memref<80x128xf32, #tpu.memory_space<vmem_shared>>)
          tpu.yield
        }) : () -> ()
      } else {
      }
    }
    %scan3A_25 = arith.constant 8 : i32
    %dma_wait3A = arith.constant 0 : i32
    %dma_wait3A_26 = tpu.memref_slice %arg3[%add3A, %dma_wait3A] : memref<32x10000xi32, #tpu.memory_space<hbm>> -> memref<1x10000xi32, #tpu.memory_space<hbm>>
    %dma_wait3A_27 = tpu.memref_squeeze %dma_wait3A_26 : memref<1x10000xi32, #tpu.memory_space<hbm>> -> memref<10000xi32, #tpu.memory_space<hbm>>
    %dma_wait3A_28 = arith.constant 0 : i32
    %dma_wait3A_29 = tpu.memref_slice %arg3[%add3A, %dma_wait3A_28] : memref<32x10000xi32, #tpu.memory_space<hbm>> -> memref<1x10000xi32, #tpu.memory_space<hbm>>
    %dma_wait3A_30 = tpu.memref_squeeze %dma_wait3A_29 : memref<1x10000xi32, #tpu.memory_space<hbm>> -> memref<10000xi32, #tpu.memory_space<hbm>>
    tpu.wait_dma2 semaphore(%arg11 : memref<!tpu.dma_semaphore, #tpu.memory_space<semaphore_mem>>) src(%dma_wait3A_30 : memref<10000xi32, #tpu.memory_space<hbm>>) dst(%arg6 : memref<10000xi32, #tpu.memory_space<vmem>>)
    %dma_wait3A_31 = arith.constant 0 : i32
    %dma_wait3A_32 = arith.constant 0 : i32
    %dma_wait3A_33 = tpu.memref_slice %arg4[%add3A, %dma_wait3A_31, %dma_wait3A_32] : memref<32x125x80xi32, #tpu.memory_space<hbm>> -> memref<1x125x80xi32, #tpu.memory_space<hbm>>
    %dma_wait3A_34 = tpu.memref_squeeze %dma_wait3A_33 : memref<1x125x80xi32, #tpu.memory_space<hbm>> -> memref<125x80xi32, #tpu.memory_space<hbm>>
    %dma_wait3A_35 = arith.constant 0 : i32
    %dma_wait3A_36 = arith.constant 0 : i32
    %dma_wait3A_37 = tpu.memref_slice %arg4[%add3A, %dma_wait3A_35, %dma_wait3A_36] : memref<32x125x80xi32, #tpu.memory_space<hbm>> -> memref<1x125x80xi32, #tpu.memory_space<hbm>>
    %dma_wait3A_38 = tpu.memref_squeeze %dma_wait3A_37 : memref<1x125x80xi32, #tpu.memory_space<hbm>> -> memref<125x80xi32, #tpu.memory_space<hbm>>
    tpu.wait_dma2 semaphore(%arg12 : memref<!tpu.dma_semaphore, #tpu.memory_space<semaphore_mem>>) src(%dma_wait3A_38 : memref<125x80xi32, #tpu.memory_space<hbm>>) dst(%arg7 : memref<125x80xi32, #tpu.memory_space<vmem>>)
    %barrier3A = arith.constant 0 : index
    tpu.barrier barrier_id(%barrier3A)
    %dma_start3A_39 = arith.constant 0 : i32
    %dma_start3A_40 = arith.constant 0 : i32
    %dma_start3A_41 = tpu.memref_slice %arg8[%dma_start3A_39, %dma_start3A_40] : memref<80x128xf32, #tpu.memory_space<vmem>> -> memref<24x128xf32, #tpu.memory_space<vmem>>
    %dma_start3A_42 = arith.constant 0 : i32
    %dma_start3A_43 = tpu.memref_slice %arg6[%dma_start3A_42] : memref<10000xi32, #tpu.memory_space<vmem>> -> memref<24xi32, #tpu.memory_space<vmem>>
    %dma_start3A_44 = arith.constant 0 : i32
    %dma_start3A_45 = arith.constant 0 : i32
    %dma_start3A_46 = tpu.memref_slice %arg2[%dma_start3A_44, %dma_start3A_45] : memref<10000x128xf32, #tpu.memory_space<hbm>> -> memref<10000x128xf32, #tpu.memory_space<hbm>>
    tpu.enqueue_indirect_dma source(%dma_start3A_46 : memref<10000x128xf32, #tpu.memory_space<hbm>>) target(%dma_start3A_41 : memref<24x128xf32, #tpu.memory_space<vmem>>) offsets(%dma_start3A_43 : memref<24xi32, #tpu.memory_space<vmem>>) semaphore(%arg11 : memref<!tpu.dma_semaphore, #tpu.memory_space<semaphore_mem>>)
    %dma_start3A_47 = arith.constant 24 : i32
    %dma_start3A_48 = arith.constant 0 : i32
    %dma_start3A_49 = tpu.memref_slice %arg8[%dma_start3A_47, %dma_start3A_48] : memref<80x128xf32, #tpu.memory_space<vmem>> -> memref<24x128xf32, #tpu.memory_space<vmem>>
    %dma_start3A_50 = arith.constant 24 : i32
    %dma_start3A_51 = tpu.memref_slice %arg6[%dma_start3A_50] : memref<10000xi32, #tpu.memory_space<vmem>> -> memref<24xi32, #tpu.memory_space<vmem>>
    %dma_start3A_52 = arith.constant 0 : i32
    %dma_start3A_53 = arith.constant 0 : i32
    %dma_start3A_54 = tpu.memref_slice %arg2[%dma_start3A_52, %dma_start3A_53] : memref<10000x128xf32, #tpu.memory_space<hbm>> -> memref<10000x128xf32, #tpu.memory_space<hbm>>
    tpu.enqueue_indirect_dma source(%dma_start3A_54 : memref<10000x128xf32, #tpu.memory_space<hbm>>) target(%dma_start3A_49 : memref<24x128xf32, #tpu.memory_space<vmem>>) offsets(%dma_start3A_51 : memref<24xi32, #tpu.memory_space<vmem>>) semaphore(%arg11 : memref<!tpu.dma_semaphore, #tpu.memory_space<semaphore_mem>>)
    %dma_start3A_55 = arith.constant 48 : i32
    %dma_start3A_56 = arith.constant 0 : i32
    %dma_start3A_57 = tpu.memref_slice %arg8[%dma_start3A_55, %dma_start3A_56] : memref<80x128xf32, #tpu.memory_space<vmem>> -> memref<16x128xf32, #tpu.memory_space<vmem>>
    %dma_start3A_58 = arith.constant 48 : i32
    %dma_start3A_59 = tpu.memref_slice %arg6[%dma_start3A_58] : memref<10000xi32, #tpu.memory_space<vmem>> -> memref<16xi32, #tpu.memory_space<vmem>>
    %dma_start3A_60 = arith.constant 0 : i32
    %dma_start3A_61 = arith.constant 0 : i32
    %dma_start3A_62 = tpu.memref_slice %arg2[%dma_start3A_60, %dma_start3A_61] : memref<10000x128xf32, #tpu.memory_space<hbm>> -> memref<10000x128xf32, #tpu.memory_space<hbm>>
    tpu.enqueue_indirect_dma source(%dma_start3A_62 : memref<10000x128xf32, #tpu.memory_space<hbm>>) target(%dma_start3A_57 : memref<16x128xf32, #tpu.memory_space<vmem>>) offsets(%dma_start3A_59 : memref<16xi32, #tpu.memory_space<vmem>>) semaphore(%arg11 : memref<!tpu.dma_semaphore, #tpu.memory_space<semaphore_mem>>)
    %dma_start3A_63 = arith.constant 64 : i32
    %dma_start3A_64 = arith.constant 0 : i32
    %dma_start3A_65 = tpu.memref_slice %arg8[%dma_start3A_63, %dma_start3A_64] : memref<80x128xf32, #tpu.memory_space<vmem>> -> memref<16x128xf32, #tpu.memory_space<vmem>>
    %dma_start3A_66 = arith.constant 64 : i32
    %dma_start3A_67 = tpu.memref_slice %arg6[%dma_start3A_66] : memref<10000xi32, #tpu.memory_space<vmem>> -> memref<16xi32, #tpu.memory_space<vmem>>
    %dma_start3A_68 = arith.constant 0 : i32
    %dma_start3A_69 = arith.constant 0 : i32
    %dma_start3A_70 = tpu.memref_slice %arg2[%dma_start3A_68, %dma_start3A_69] : memref<10000x128xf32, #tpu.memory_space<hbm>> -> memref<10000x128xf32, #tpu.memory_space<hbm>>
    tpu.enqueue_indirect_dma source(%dma_start3A_70 : memref<10000x128xf32, #tpu.memory_space<hbm>>) target(%dma_start3A_65 : memref<16x128xf32, #tpu.memory_space<vmem>>) offsets(%dma_start3A_67 : memref<16xi32, #tpu.memory_space<vmem>>) semaphore(%arg11 : memref<!tpu.dma_semaphore, #tpu.memory_space<semaphore_mem>>)
    %scan3A_71 = arith.constant 0 : i32
    %scan3A_72 = arith.constant 0 : i32
    %scan3A_73 = arith.constant 62 : i32
    %scan3A_74 = arith.addi %scan3A_72, %scan3A_73 : i32
    %scan3A_75 = arith.constant 1 : i32
    scf.for %scan3A_90 = %scan3A_72 to %scan3A_74 step %scan3A_75  : i32 {
      %mul3A_91 = arith.constant 2 : i32
      %mul3A_92 = arith.muli %mul3A_91, %scan3A_90 : i32
      %add3A_93 = arith.constant 1 : i32
      %add3A_94 = arith.addi %mul3A_92, %add3A_93 : i32
      %mul3A_95 = arith.constant 80 : i32
      %mul3A_96 = arith.muli %add3A_94, %mul3A_95 : i32
      %add3A_97 = arith.constant 0 : i32
      %add3A_98 = arith.addi %mul3A_96, %add3A_97 : i32
      %dma_start3A_99 = arith.constant 0 : i32
      %dma_start3A_100 = arith.constant 0 : i32
      %dma_start3A_101 = tpu.memref_slice %arg10[%dma_start3A_99, %dma_start3A_100] : memref<80x128xf32, #tpu.memory_space<vmem>> -> memref<24x128xf32, #tpu.memory_space<vmem>>
      %dma_start3A_102 = tpu.memref_slice %arg6[%add3A_98] : memref<10000xi32, #tpu.memory_space<vmem>> -> memref<24xi32, #tpu.memory_space<vmem>>
      %dma_start3A_103 = arith.constant 0 : i32
      %dma_start3A_104 = arith.constant 0 : i32
      %dma_start3A_105 = tpu.memref_slice %arg2[%dma_start3A_103, %dma_start3A_104] : memref<10000x128xf32, #tpu.memory_space<hbm>> -> memref<10000x128xf32, #tpu.memory_space<hbm>>
      tpu.enqueue_indirect_dma source(%dma_start3A_105 : memref<10000x128xf32, #tpu.memory_space<hbm>>) target(%dma_start3A_101 : memref<24x128xf32, #tpu.memory_space<vmem>>) offsets(%dma_start3A_102 : memref<24xi32, #tpu.memory_space<vmem>>) semaphore(%arg12 : memref<!tpu.dma_semaphore, #tpu.memory_space<semaphore_mem>>)
      %mul3A_106 = arith.constant 80 : i32
      %mul3A_107 = arith.muli %add3A_94, %mul3A_106 : i32
      %add3A_108 = arith.constant 24 : i32
      %add3A_109 = arith.addi %mul3A_107, %add3A_108 : i32
      %dma_start3A_110 = arith.constant 24 : i32
      %dma_start3A_111 = arith.constant 0 : i32
      %dma_start3A_112 = tpu.memref_slice %arg10[%dma_start3A_110, %dma_start3A_111] : memref<80x128xf32, #tpu.memory_space<vmem>> -> memref<24x128xf32, #tpu.memory_space<vmem>>
      %dma_start3A_113 = tpu.memref_slice %arg6[%add3A_109] : memref<10000xi32, #tpu.memory_space<vmem>> -> memref<24xi32, #tpu.memory_space<vmem>>
      %dma_start3A_114 = arith.constant 0 : i32
      %dma_start3A_115 = arith.constant 0 : i32
      %dma_start3A_116 = tpu.memref_slice %arg2[%dma_start3A_114, %dma_start3A_115] : memref<10000x128xf32, #tpu.memory_space<hbm>> -> memref<10000x128xf32, #tpu.memory_space<hbm>>
      tpu.enqueue_indirect_dma source(%dma_start3A_116 : memref<10000x128xf32, #tpu.memory_space<hbm>>) target(%dma_start3A_112 : memref<24x128xf32, #tpu.memory_space<vmem>>) offsets(%dma_start3A_113 : memref<24xi32, #tpu.memory_space<vmem>>) semaphore(%arg12 : memref<!tpu.dma_semaphore, #tpu.memory_space<semaphore_mem>>)
      %mul3A_117 = arith.constant 80 : i32
      %mul3A_118 = arith.muli %add3A_94, %mul3A_117 : i32
      %add3A_119 = arith.constant 48 : i32
      %add3A_120 = arith.addi %mul3A_118, %add3A_119 : i32
      %dma_start3A_121 = arith.constant 48 : i32
      %dma_start3A_122 = arith.constant 0 : i32
      %dma_start3A_123 = tpu.memref_slice %arg10[%dma_start3A_121, %dma_start3A_122] : memref<80x128xf32, #tpu.memory_space<vmem>> -> memref<16x128xf32, #tpu.memory_space<vmem>>
      %dma_start3A_124 = tpu.memref_slice %arg6[%add3A_120] : memref<10000xi32, #tpu.memory_space<vmem>> -> memref<16xi32, #tpu.memory_space<vmem>>
      %dma_start3A_125 = arith.constant 0 : i32
      %dma_start3A_126 = arith.constant 0 : i32
      %dma_start3A_127 = tpu.memref_slice %arg2[%dma_start3A_125, %dma_start3A_126] : memref<10000x128xf32, #tpu.memory_space<hbm>> -> memref<10000x128xf32, #tpu.memory_space<hbm>>
      tpu.enqueue_indirect_dma source(%dma_start3A_127 : memref<10000x128xf32, #tpu.memory_space<hbm>>) target(%dma_start3A_123 : memref<16x128xf32, #tpu.memory_space<vmem>>) offsets(%dma_start3A_124 : memref<16xi32, #tpu.memory_space<vmem>>) semaphore(%arg12 : memref<!tpu.dma_semaphore, #tpu.memory_space<semaphore_mem>>)
      %mul3A_128 = arith.constant 80 : i32
      %mul3A_129 = arith.muli %add3A_94, %mul3A_128 : i32
      %add3A_130 = arith.constant 64 : i32
      %add3A_131 = arith.addi %mul3A_129, %add3A_130 : i32
      %dma_start3A_132 = arith.constant 64 : i32
      %dma_start3A_133 = arith.constant 0 : i32
      %dma_start3A_134 = tpu.memref_slice %arg10[%dma_start3A_132, %dma_start3A_133] : memref<80x128xf32, #tpu.memory_space<vmem>> -> memref<16x128xf32, #tpu.memory_space<vmem>>
      %dma_start3A_135 = tpu.memref_slice %arg6[%add3A_131] : memref<10000xi32, #tpu.memory_space<vmem>> -> memref<16xi32, #tpu.memory_space<vmem>>
      %dma_start3A_136 = arith.constant 0 : i32
      %dma_start3A_137 = arith.constant 0 : i32
      %dma_start3A_138 = tpu.memref_slice %arg2[%dma_start3A_136, %dma_start3A_137] : memref<10000x128xf32, #tpu.memory_space<hbm>> -> memref<10000x128xf32, #tpu.memory_space<hbm>>
      tpu.enqueue_indirect_dma source(%dma_start3A_138 : memref<10000x128xf32, #tpu.memory_space<hbm>>) target(%dma_start3A_134 : memref<16x128xf32, #tpu.memory_space<vmem>>) offsets(%dma_start3A_135 : memref<16xi32, #tpu.memory_space<vmem>>) semaphore(%arg12 : memref<!tpu.dma_semaphore, #tpu.memory_space<semaphore_mem>>)
      %dma_wait3A_139 = arith.constant 0 : i32
      %dma_wait3A_140 = arith.constant 0 : i32
      %dma_wait3A_141 = tpu.memref_slice %arg2[%dma_wait3A_139, %dma_wait3A_140] : memref<10000x128xf32, #tpu.memory_space<hbm>> -> memref<80x128xf32, #tpu.memory_space<hbm>>
      %dma_wait3A_142 = arith.constant 0 : i32
      %dma_wait3A_143 = arith.constant 0 : i32
      %dma_wait3A_144 = tpu.memref_slice %arg2[%dma_wait3A_142, %dma_wait3A_143] : memref<10000x128xf32, #tpu.memory_space<hbm>> -> memref<80x128xf32, #tpu.memory_space<hbm>>
      tpu.wait_dma2 semaphore(%arg11 : memref<!tpu.dma_semaphore, #tpu.memory_space<semaphore_mem>>) src(%dma_wait3A_144 : memref<80x128xf32, #tpu.memory_space<hbm>>) dst(%arg8 : memref<80x128xf32, #tpu.memory_space<vmem>>)
      "tpu.region"() ({
        %run_scoped3A_157 = tpu.sem_alloc : memref<!tpu.dma_semaphore, #tpu.memory_space<semaphore_mem>>
        %dma_start3A_158 = arith.constant 0 : i32
        %dma_start3A_159 = tpu.memref_slice %arg7[%mul3A_92, %dma_start3A_158] : memref<125x80xi32, #tpu.memory_space<vmem>> -> memref<1x80xi32, #tpu.memory_space<vmem>>
        %dma_start3A_160 = tpu.memref_squeeze %dma_start3A_159 : memref<1x80xi32, #tpu.memory_space<vmem>> -> memref<80xi32, #tpu.memory_space<vmem>>
        %dma_start3A_161 = arith.constant 0 : i32
        %dma_start3A_162 = arith.constant 0 : i32
        %dma_start3A_163 = tpu.memref_slice %arg9[%dma_start3A_161, %dma_start3A_162] : memref<10000x128xf32, #tpu.memory_space<vmem_shared>> -> memref<10000x128xf32, #tpu.memory_space<vmem_shared>>
        tpu.enqueue_indirect_dma source(%arg8 : memref<80x128xf32, #tpu.memory_space<vmem>>) target(%dma_start3A_163 : memref<10000x128xf32, #tpu.memory_space<vmem_shared>>) offsets(%dma_start3A_160 : memref<80xi32, #tpu.memory_space<vmem>>) semaphore(%run_scoped3A_157 : memref<!tpu.dma_semaphore, #tpu.memory_space<semaphore_mem>>) {add = true}
        %dma_wait3A_164 = arith.constant 0 : i32
        %dma_wait3A_165 = tpu.memref_slice %arg7[%mul3A_92, %dma_wait3A_164] : memref<125x80xi32, #tpu.memory_space<vmem>> -> memref<1x80xi32, #tpu.memory_space<vmem>>
        %dma_wait3A_166 = tpu.memref_squeeze %dma_wait3A_165 : memref<1x80xi32, #tpu.memory_space<vmem>> -> memref<80xi32, #tpu.memory_space<vmem>>
        %dma_wait3A_167 = arith.constant 0 : i32
        %dma_wait3A_168 = arith.constant 0 : i32
        %dma_wait3A_169 = tpu.memref_slice %arg9[%dma_wait3A_167, %dma_wait3A_168] : memref<10000x128xf32, #tpu.memory_space<vmem_shared>> -> memref<10000x128xf32, #tpu.memory_space<vmem_shared>>
        tpu.wait_indirect_dma semaphore(%run_scoped3A_157 : memref<!tpu.dma_semaphore, #tpu.memory_space<semaphore_mem>>) src(%arg8 : memref<80x128xf32, #tpu.memory_space<vmem>>) dst(%dma_wait3A_169 : memref<10000x128xf32, #tpu.memory_space<vmem_shared>>)
        tpu.yield
      }) : () -> ()
      %add3A_145 = arith.constant 2 : i32
      %add3A_146 = arith.addi %mul3A_92, %add3A_145 : i32
      %lt3A = arith.constant 125 : i32
      %lt3A_147 = arith.cmpi slt, %add3A_146, %lt3A : i32
      %convert_element_type3A = arith.extui %lt3A_147 : i1 to i32
      %cond3A = arith.constant 0 : i32
      %cond3A_148 = arith.cmpi ne, %convert_element_type3A, %cond3A : i32
      scf.if %cond3A_148 {
        %add3A_157 = arith.constant 2 : i32
        %add3A_158 = arith.addi %mul3A_92, %add3A_157 : i32
        %mul3A_159 = arith.constant 80 : i32
        %mul3A_160 = arith.muli %add3A_158, %mul3A_159 : i32
        %add3A_161 = arith.constant 0 : i32
        %add3A_162 = arith.addi %mul3A_160, %add3A_161 : i32
        %dma_start3A_163 = arith.constant 0 : i32
        %dma_start3A_164 = arith.constant 0 : i32
        %dma_start3A_165 = tpu.memref_slice %arg8[%dma_start3A_163, %dma_start3A_164] : memref<80x128xf32, #tpu.memory_space<vmem>> -> memref<24x128xf32, #tpu.memory_space<vmem>>
        %dma_start3A_166 = tpu.memref_slice %arg6[%add3A_162] : memref<10000xi32, #tpu.memory_space<vmem>> -> memref<24xi32, #tpu.memory_space<vmem>>
        %dma_start3A_167 = arith.constant 0 : i32
        %dma_start3A_168 = arith.constant 0 : i32
        %dma_start3A_169 = tpu.memref_slice %arg2[%dma_start3A_167, %dma_start3A_168] : memref<10000x128xf32, #tpu.memory_space<hbm>> -> memref<10000x128xf32, #tpu.memory_space<hbm>>
        tpu.enqueue_indirect_dma source(%dma_start3A_169 : memref<10000x128xf32, #tpu.memory_space<hbm>>) target(%dma_start3A_165 : memref<24x128xf32, #tpu.memory_space<vmem>>) offsets(%dma_start3A_166 : memref<24xi32, #tpu.memory_space<vmem>>) semaphore(%arg11 : memref<!tpu.dma_semaphore, #tpu.memory_space<semaphore_mem>>)
        %mul3A_170 = arith.constant 80 : i32
        %mul3A_171 = arith.muli %add3A_158, %mul3A_170 : i32
        %add3A_172 = arith.constant 24 : i32
        %add3A_173 = arith.addi %mul3A_171, %add3A_172 : i32
        %dma_start3A_174 = arith.constant 24 : i32
        %dma_start3A_175 = arith.constant 0 : i32
        %dma_start3A_176 = tpu.memref_slice %arg8[%dma_start3A_174, %dma_start3A_175] : memref<80x128xf32, #tpu.memory_space<vmem>> -> memref<24x128xf32, #tpu.memory_space<vmem>>
        %dma_start3A_177 = tpu.memref_slice %arg6[%add3A_173] : memref<10000xi32, #tpu.memory_space<vmem>> -> memref<24xi32, #tpu.memory_space<vmem>>
        %dma_start3A_178 = arith.constant 0 : i32
        %dma_start3A_179 = arith.constant 0 : i32
        %dma_start3A_180 = tpu.memref_slice %arg2[%dma_start3A_178, %dma_start3A_179] : memref<10000x128xf32, #tpu.memory_space<hbm>> -> memref<10000x128xf32, #tpu.memory_space<hbm>>
        tpu.enqueue_indirect_dma source(%dma_start3A_180 : memref<10000x128xf32, #tpu.memory_space<hbm>>) target(%dma_start3A_176 : memref<24x128xf32, #tpu.memory_space<vmem>>) offsets(%dma_start3A_177 : memref<24xi32, #tpu.memory_space<vmem>>) semaphore(%arg11 : memref<!tpu.dma_semaphore, #tpu.memory_space<semaphore_mem>>)
        %mul3A_181 = arith.constant 80 : i32
        %mul3A_182 = arith.muli %add3A_158, %mul3A_181 : i32
        %add3A_183 = arith.constant 48 : i32
        %add3A_184 = arith.addi %mul3A_182, %add3A_183 : i32
        %dma_start3A_185 = arith.constant 48 : i32
        %dma_start3A_186 = arith.constant 0 : i32
        %dma_start3A_187 = tpu.memref_slice %arg8[%dma_start3A_185, %dma_start3A_186] : memref<80x128xf32, #tpu.memory_space<vmem>> -> memref<16x128xf32, #tpu.memory_space<vmem>>
        %dma_start3A_188 = tpu.memref_slice %arg6[%add3A_184] : memref<10000xi32, #tpu.memory_space<vmem>> -> memref<16xi32, #tpu.memory_space<vmem>>
        %dma_start3A_189 = arith.constant 0 : i32
        %dma_start3A_190 = arith.constant 0 : i32
        %dma_start3A_191 = tpu.memref_slice %arg2[%dma_start3A_189, %dma_start3A_190] : memref<10000x128xf32, #tpu.memory_space<hbm>> -> memref<10000x128xf32, #tpu.memory_space<hbm>>
        tpu.enqueue_indirect_dma source(%dma_start3A_191 : memref<10000x128xf32, #tpu.memory_space<hbm>>) target(%dma_start3A_187 : memref<16x128xf32, #tpu.memory_space<vmem>>) offsets(%dma_start3A_188 : memref<16xi32, #tpu.memory_space<vmem>>) semaphore(%arg11 : memref<!tpu.dma_semaphore, #tpu.memory_space<semaphore_mem>>)
        %mul3A_192 = arith.constant 80 : i32
        %mul3A_193 = arith.muli %add3A_158, %mul3A_192 : i32
        %add3A_194 = arith.constant 64 : i32
        %add3A_195 = arith.addi %mul3A_193, %add3A_194 : i32
        %dma_start3A_196 = arith.constant 64 : i32
        %dma_start3A_197 = arith.constant 0 : i32
        %dma_start3A_198 = tpu.memref_slice %arg8[%dma_start3A_196, %dma_start3A_197] : memref<80x128xf32, #tpu.memory_space<vmem>> -> memref<16x128xf32, #tpu.memory_space<vmem>>
        %dma_start3A_199 = tpu.memref_slice %arg6[%add3A_195] : memref<10000xi32, #tpu.memory_space<vmem>> -> memref<16xi32, #tpu.memory_space<vmem>>
        %dma_start3A_200 = arith.constant 0 : i32
        %dma_start3A_201 = arith.constant 0 : i32
        %dma_start3A_202 = tpu.memref_slice %arg2[%dma_start3A_200, %dma_start3A_201] : memref<10000x128xf32, #tpu.memory_space<hbm>> -> memref<10000x128xf32, #tpu.memory_space<hbm>>
        tpu.enqueue_indirect_dma source(%dma_start3A_202 : memref<10000x128xf32, #tpu.memory_space<hbm>>) target(%dma_start3A_198 : memref<16x128xf32, #tpu.memory_space<vmem>>) offsets(%dma_start3A_199 : memref<16xi32, #tpu.memory_space<vmem>>) semaphore(%arg11 : memref<!tpu.dma_semaphore, #tpu.memory_space<semaphore_mem>>)
      } else {
      }
      %dma_wait3A_149 = arith.constant 0 : i32
      %dma_wait3A_150 = arith.constant 0 : i32
      %dma_wait3A_151 = tpu.memref_slice %arg2[%dma_wait3A_149, %dma_wait3A_150] : memref<10000x128xf32, #tpu.memory_space<hbm>> -> memref<80x128xf32, #tpu.memory_space<hbm>>
      %dma_wait3A_152 = arith.constant 0 : i32
      %dma_wait3A_153 = arith.constant 0 : i32
      %dma_wait3A_154 = tpu.memref_slice %arg2[%dma_wait3A_152, %dma_wait3A_153] : memref<10000x128xf32, #tpu.memory_space<hbm>> -> memref<80x128xf32, #tpu.memory_space<hbm>>
      tpu.wait_dma2 semaphore(%arg12 : memref<!tpu.dma_semaphore, #tpu.memory_space<semaphore_mem>>) src(%dma_wait3A_154 : memref<80x128xf32, #tpu.memory_space<hbm>>) dst(%arg10 : memref<80x128xf32, #tpu.memory_space<vmem>>)
      %add3A_155 = arith.constant 1 : i32
      %add3A_156 = arith.addi %mul3A_92, %add3A_155 : i32
      "tpu.region"() ({
        %run_scoped3A_157 = tpu.sem_alloc : memref<!tpu.dma_semaphore, #tpu.memory_space<semaphore_mem>>
        %dma_start3A_158 = arith.constant 0 : i32
        %dma_start3A_159 = tpu.memref_slice %arg7[%add3A_156, %dma_start3A_158] : memref<125x80xi32, #tpu.memory_space<vmem>> -> memref<1x80xi32, #tpu.memory_space<vmem>>
        %dma_start3A_160 = tpu.memref_squeeze %dma_start3A_159 : memref<1x80xi32, #tpu.memory_space<vmem>> -> memref<80xi32, #tpu.memory_space<vmem>>
        %dma_start3A_161 = arith.constant 0 : i32
        %dma_start3A_162 = arith.constant 0 : i32
        %dma_start3A_163 = tpu.memref_slice %arg9[%dma_start3A_161, %dma_start3A_162] : memref<10000x128xf32, #tpu.memory_space<vmem_shared>> -> memref<10000x128xf32, #tpu.memory_space<vmem_shared>>
        tpu.enqueue_indirect_dma source(%arg10 : memref<80x128xf32, #tpu.memory_space<vmem>>) target(%dma_start3A_163 : memref<10000x128xf32, #tpu.memory_space<vmem_shared>>) offsets(%dma_start3A_160 : memref<80xi32, #tpu.memory_space<vmem>>) semaphore(%run_scoped3A_157 : memref<!tpu.dma_semaphore, #tpu.memory_space<semaphore_mem>>) {add = true}
        %dma_wait3A_164 = arith.constant 0 : i32
        %dma_wait3A_165 = tpu.memref_slice %arg7[%add3A_156, %dma_wait3A_164] : memref<125x80xi32, #tpu.memory_space<vmem>> -> memref<1x80xi32, #tpu.memory_space<vmem>>
        %dma_wait3A_166 = tpu.memref_squeeze %dma_wait3A_165 : memref<1x80xi32, #tpu.memory_space<vmem>> -> memref<80xi32, #tpu.memory_space<vmem>>
        %dma_wait3A_167 = arith.constant 0 : i32
        %dma_wait3A_168 = arith.constant 0 : i32
        %dma_wait3A_169 = tpu.memref_slice %arg9[%dma_wait3A_167, %dma_wait3A_168] : memref<10000x128xf32, #tpu.memory_space<vmem_shared>> -> memref<10000x128xf32, #tpu.memory_space<vmem_shared>>
        tpu.wait_indirect_dma semaphore(%run_scoped3A_157 : memref<!tpu.dma_semaphore, #tpu.memory_space<semaphore_mem>>) src(%arg10 : memref<80x128xf32, #tpu.memory_space<vmem>>) dst(%dma_wait3A_169 : memref<10000x128xf32, #tpu.memory_space<vmem_shared>>)
        tpu.yield
      }) : () -> ()
    }
    %scan3A_76 = arith.constant 62 : i32
    %dma_wait3A_77 = arith.constant 0 : i32
    %dma_wait3A_78 = arith.constant 0 : i32
    %dma_wait3A_79 = tpu.memref_slice %arg2[%dma_wait3A_77, %dma_wait3A_78] : memref<10000x128xf32, #tpu.memory_space<hbm>> -> memref<80x128xf32, #tpu.memory_space<hbm>>
    %dma_wait3A_80 = arith.constant 0 : i32
    %dma_wait3A_81 = arith.constant 0 : i32
    %dma_wait3A_82 = tpu.memref_slice %arg2[%dma_wait3A_80, %dma_wait3A_81] : memref<10000x128xf32, #tpu.memory_space<hbm>> -> memref<80x128xf32, #tpu.memory_space<hbm>>
    tpu.wait_dma2 semaphore(%arg11 : memref<!tpu.dma_semaphore, #tpu.memory_space<semaphore_mem>>) src(%dma_wait3A_82 : memref<80x128xf32, #tpu.memory_space<hbm>>) dst(%arg8 : memref<80x128xf32, #tpu.memory_space<vmem>>)
    %run_scoped3A = arith.constant 124 : i32
    "tpu.region"() ({
      %run_scoped3A_90 = tpu.sem_alloc : memref<!tpu.dma_semaphore, #tpu.memory_space<semaphore_mem>>
      %dma_start3A_91 = arith.constant 0 : i32
      %dma_start3A_92 = tpu.memref_slice %arg7[%run_scoped3A, %dma_start3A_91] : memref<125x80xi32, #tpu.memory_space<vmem>> -> memref<1x80xi32, #tpu.memory_space<vmem>>
      %dma_start3A_93 = tpu.memref_squeeze %dma_start3A_92 : memref<1x80xi32, #tpu.memory_space<vmem>> -> memref<80xi32, #tpu.memory_space<vmem>>
      %dma_start3A_94 = arith.constant 0 : i32
      %dma_start3A_95 = arith.constant 0 : i32
      %dma_start3A_96 = tpu.memref_slice %arg9[%dma_start3A_94, %dma_start3A_95] : memref<10000x128xf32, #tpu.memory_space<vmem_shared>> -> memref<10000x128xf32, #tpu.memory_space<vmem_shared>>
      tpu.enqueue_indirect_dma source(%arg8 : memref<80x128xf32, #tpu.memory_space<vmem>>) target(%dma_start3A_96 : memref<10000x128xf32, #tpu.memory_space<vmem_shared>>) offsets(%dma_start3A_93 : memref<80xi32, #tpu.memory_space<vmem>>) semaphore(%run_scoped3A_90 : memref<!tpu.dma_semaphore, #tpu.memory_space<semaphore_mem>>) {add = true}
      %dma_wait3A_97 = arith.constant 0 : i32
      %dma_wait3A_98 = tpu.memref_slice %arg7[%run_scoped3A, %dma_wait3A_97] : memref<125x80xi32, #tpu.memory_space<vmem>> -> memref<1x80xi32, #tpu.memory_space<vmem>>
      %dma_wait3A_99 = tpu.memref_squeeze %dma_wait3A_98 : memref<1x80xi32, #tpu.memory_space<vmem>> -> memref<80xi32, #tpu.memory_space<vmem>>
      %dma_wait3A_100 = arith.constant 0 : i32
      %dma_wait3A_101 = arith.constant 0 : i32
      %dma_wait3A_102 = tpu.memref_slice %arg9[%dma_wait3A_100, %dma_wait3A_101] : memref<10000x128xf32, #tpu.memory_space<vmem_shared>> -> memref<10000x128xf32, #tpu.memory_space<vmem_shared>>
      tpu.wait_indirect_dma semaphore(%run_scoped3A_90 : memref<!tpu.dma_semaphore, #tpu.memory_space<semaphore_mem>>) src(%arg8 : memref<80x128xf32, #tpu.memory_space<vmem>>) dst(%dma_wait3A_102 : memref<10000x128xf32, #tpu.memory_space<vmem_shared>>)
      tpu.yield
    }) : () -> ()
    %barrier3A_83 = arith.constant 0 : index
    tpu.barrier barrier_id(%barrier3A_83)
    %scan3A_84 = arith.constant 0 : i32
    %scan3A_85 = arith.constant 0 : i32
    %scan3A_86 = arith.constant 8 : i32
    %scan3A_87 = arith.addi %scan3A_85, %scan3A_86 : i32
    %scan3A_88 = arith.constant 1 : i32
    scf.for %scan3A_90 = %scan3A_85 to %scan3A_87 step %scan3A_88  : i32 {
      %mul3A_91 = arith.constant 16 : i32
      %mul3A_92 = arith.muli %scan3A_90, %mul3A_91 : i32
      %add3A_93 = arith.addi %arg1, %mul3A_92 : i32
      %lt3A = arith.constant 125 : i32
      %lt3A_94 = arith.cmpi slt, %add3A_93, %lt3A : i32
      %convert_element_type3A = arith.extui %lt3A_94 : i1 to i32
      %cond3A = arith.constant 0 : i32
      %cond3A_95 = arith.cmpi ne, %convert_element_type3A, %cond3A : i32
      scf.if %cond3A_95 {
        %mul3A_96 = arith.constant 80 : i32
        %mul3A_97 = arith.muli %add3A_93, %mul3A_96 : i32
        %mul3A_98 = arith.constant 80 : i32
        %mul3A_99 = arith.muli %add3A_93, %mul3A_98 : i32
        "tpu.region"() ({
          %run_scoped3A_100 = tpu.sem_alloc : memref<!tpu.dma_semaphore, #tpu.memory_space<semaphore_mem>>
          %dma_start3A_101 = arith.constant 0 : i32
          %dma_start3A_102 = arith.constant 0 : i32
          %dma_start3A_103 = tpu.memref_slice %arg5[%arg0, %dma_start3A_101, %dma_start3A_102] : memref<2x10000x128xf32, #tpu.memory_space<hbm>> -> memref<1x10000x128xf32, #tpu.memory_space<hbm>>
          %dma_start3A_104 = tpu.memref_squeeze %dma_start3A_103 : memref<1x10000x128xf32, #tpu.memory_space<hbm>> -> memref<10000x128xf32, #tpu.memory_space<hbm>>
          %dma_start3A_105 = arith.constant 0 : i32
          %dma_start3A_106 = tpu.memref_slice %dma_start3A_104[%mul3A_99, %dma_start3A_105] : memref<10000x128xf32, #tpu.memory_space<hbm>> -> memref<80x128xf32, #tpu.memory_space<hbm>>
          %dma_start3A_107 = arith.constant 0 : i32
          %dma_start3A_108 = tpu.memref_slice %arg9[%mul3A_97, %dma_start3A_107] : memref<10000x128xf32, #tpu.memory_space<vmem_shared>> -> memref<80x128xf32, #tpu.memory_space<vmem_shared>>
          tpu.enqueue_dma source(%dma_start3A_108 : memref<80x128xf32, #tpu.memory_space<vmem_shared>>) target(%dma_start3A_106 : memref<80x128xf32, #tpu.memory_space<hbm>>) target_semaphore(%run_scoped3A_100 : memref<!tpu.dma_semaphore, #tpu.memory_space<semaphore_mem>>)
          %dma_wait3A_109 = arith.constant 0 : i32
          %dma_wait3A_110 = arith.constant 0 : i32
          %dma_wait3A_111 = tpu.memref_slice %arg5[%arg0, %dma_wait3A_109, %dma_wait3A_110] : memref<2x10000x128xf32, #tpu.memory_space<hbm>> -> memref<1x10000x128xf32, #tpu.memory_space<hbm>>
          %dma_wait3A_112 = tpu.memref_squeeze %dma_wait3A_111 : memref<1x10000x128xf32, #tpu.memory_space<hbm>> -> memref<10000x128xf32, #tpu.memory_space<hbm>>
          %dma_wait3A_113 = arith.constant 0 : i32
          %dma_wait3A_114 = tpu.memref_slice %dma_wait3A_112[%mul3A_99, %dma_wait3A_113] : memref<10000x128xf32, #tpu.memory_space<hbm>> -> memref<80x128xf32, #tpu.memory_space<hbm>>
          %dma_wait3A_115 = arith.constant 0 : i32
          %dma_wait3A_116 = tpu.memref_slice %arg9[%mul3A_97, %dma_wait3A_115] : memref<10000x128xf32, #tpu.memory_space<vmem_shared>> -> memref<80x128xf32, #tpu.memory_space<vmem_shared>>
          tpu.wait_dma2 semaphore(%run_scoped3A_100 : memref<!tpu.dma_semaphore, #tpu.memory_space<semaphore_mem>>) src(%dma_wait3A_116 : memref<80x128xf32, #tpu.memory_space<vmem_shared>>) dst(%dma_wait3A_114 : memref<80x128xf32, #tpu.memory_space<hbm>>)
          tpu.yield
        }) : () -> ()
      } else {
      }
    }
    %scan3A_89 = arith.constant 8 : i32
    return
  }
}

#map = affine_map<(d0, d1) -> (0, 0)>
#map1 = affine_map<(d0, d1) -> (0, 0, 0)>
module attributes {stable_mosaic.version = 14 : i64} {
  func.func @body(%arg0: i32, %arg1: i32, %arg2: memref<10000x128xf32, #tpu.memory_space<hbm>>, %arg3: memref<32x10000xi32, #tpu.memory_space<hbm>>, %arg4: memref<32x125x80xi32, #tpu.memory_space<hbm>>, %arg5: memref<2x10000x128xf32, #tpu.memory_space<hbm>>, %arg6: memref<10000xi32, #tpu.memory_space<vmem>>, %arg7: memref<125x80xi32, #tpu.memory_space<vmem>>, %arg8: memref<80x128xf32, #tpu.memory_space<vmem>>, %arg9: memref<10000x128xf32, #tpu.memory_space<vmem_shared>>, %arg10: memref<80x128xf32, #tpu.memory_space<vmem>>, %arg11: memref<!tpu.dma_semaphore, #tpu.memory_space<semaphore_mem>>, %arg12: memref<!tpu.dma_semaphore, #tpu.memory_space<semaphore_mem>>) attributes {dimension_semantics = [#tpu.dimension_semantics<core_parallel>, #tpu.dimension_semantics<subcore_parallel>], iteration_bounds = array<i64: 2, 16>, scalar_prefetch = 0 : i64, scratch_operands = 7 : i64, tpu.core_type = #tpu.core_type<sc_vector_subcore>, window_params = [{transform_indices = #map}, {transform_indices = #map}, {transform_indices = #map1}, {transform_indices = #map1}]} {
    %mul3A = arith.constant 16 : i32
    %mul3A_0 = arith.muli %arg0, %mul3A : i32
    %add3A = arith.addi %mul3A_0, %arg1 : i32
    %dma_start3A = arith.constant 0 : i32
    %dma_start3A_1 = tpu.memref_slice %arg3[%add3A, %dma_start3A] : memref<32x10000xi32, #tpu.memory_space<hbm>> -> memref<1x10000xi32, #tpu.memory_space<hbm>>
    %dma_start3A_2 = tpu.memref_squeeze %dma_start3A_1 : memref<1x10000xi32, #tpu.memory_space<hbm>> -> memref<10000xi32, #tpu.memory_space<hbm>>
    %dma_start3A_3 = arith.constant 0 : i32
    %dma_start3A_4 = tpu.memref_slice %arg3[%add3A, %dma_start3A_3] : memref<32x10000xi32, #tpu.memory_space<hbm>> -> memref<1x10000xi32, #tpu.memory_space<hbm>>
    %dma_start3A_5 = tpu.memref_squeeze %dma_start3A_4 : memref<1x10000xi32, #tpu.memory_space<hbm>> -> memref<10000xi32, #tpu.memory_space<hbm>>
    tpu.enqueue_dma source(%dma_start3A_5 : memref<10000xi32, #tpu.memory_space<hbm>>) target(%arg6 : memref<10000xi32, #tpu.memory_space<vmem>>) target_semaphore(%arg11 : memref<!tpu.dma_semaphore, #tpu.memory_space<semaphore_mem>>)
    %dma_start3A_6 = arith.constant 0 : i32
    %dma_start3A_7 = arith.constant 0 : i32
    %dma_start3A_8 = tpu.memref_slice %arg4[%add3A, %dma_start3A_6, %dma_start3A_7] : memref<32x125x80xi32, #tpu.memory_space<hbm>> -> memref<1x125x80xi32, #tpu.memory_space<hbm>>
    %dma_start3A_9 = tpu.memref_squeeze %dma_start3A_8 : memref<1x125x80xi32, #tpu.memory_space<hbm>> -> memref<125x80xi32, #tpu.memory_space<hbm>>
    %dma_start3A_10 = arith.constant 0 : i32
    %dma_start3A_11 = arith.constant 0 : i32
    %dma_start3A_12 = tpu.memref_slice %arg4[%add3A, %dma_start3A_10, %dma_start3A_11] : memref<32x125x80xi32, #tpu.memory_space<hbm>> -> memref<1x125x80xi32, #tpu.memory_space<hbm>>
    %dma_start3A_13 = tpu.memref_squeeze %dma_start3A_12 : memref<1x125x80xi32, #tpu.memory_space<hbm>> -> memref<125x80xi32, #tpu.memory_space<hbm>>
    tpu.enqueue_dma source(%dma_start3A_13 : memref<125x80xi32, #tpu.memory_space<hbm>>) target(%arg7 : memref<125x80xi32, #tpu.memory_space<vmem>>) target_semaphore(%arg12 : memref<!tpu.dma_semaphore, #tpu.memory_space<semaphore_mem>>)
    %broadcast_in_dim3A = arith.constant 0.000000e+00 : f32
    %broadcast_in_dim3A_14 = vector.broadcast %broadcast_in_dim3A : f32 to vector<16xf32>
    %scan3A = arith.constant 0 : i32
    %scan3A_15 = arith.constant 0 : i32
    %scan3A_16 = arith.constant 80 : i32
    %scan3A_17 = arith.addi %scan3A_15, %scan3A_16 : i32
    %scan3A_18 = arith.constant 1 : i32
    scf.for %scan3A_90 = %scan3A_15 to %scan3A_17 step %scan3A_18  : i32 {
      %scan3A_91 = arith.constant 0 : i32
      %scan3A_92 = arith.constant 8 : i32
      %scan3A_93 = arith.addi %scan3A_91, %scan3A_92 : i32
      %scan3A_94 = arith.constant 1 : i32
      scf.for %scan3A_96 = %scan3A_91 to %scan3A_93 step %scan3A_94  : i32 {
        %mul3A_97 = arith.constant 16 : i32
        %mul3A_98 = arith.muli %scan3A_96, %mul3A_97 : i32
        %swap3A = arith.index_cast %scan3A_90 : i32 to index
        %swap3A_99 = arith.index_cast %mul3A_98 : i32 to index
        %swap3A_100 = tpu.vector_load %arg8[%swap3A, %swap3A_99] {strides = array<i32>} : memref<80x128xf32, #tpu.memory_space<vmem>>, vector<1x16xf32>,
        %swap3A_101 = vector.shape_cast %swap3A_100 : vector<1x16xf32> to vector<16xf32>
        %swap3A_102 = vector.shape_cast %broadcast_in_dim3A_14 : vector<16xf32> to vector<1x16xf32>
        tpu.vector_store %arg8[%swap3A, %swap3A_99], %swap3A_102 {strides = array<i32>} : memref<80x128xf32, #tpu.memory_space<vmem>>, vector<1x16xf32>,
      }
      %scan3A_95 = arith.constant 8 : i32
    }
    %scan3A_19 = arith.constant 80 : i32
    %scan3A_20 = arith.constant 0 : i32
    %scan3A_21 = arith.constant 0 : i32
    %scan3A_22 = arith.constant 8 : i32
    %scan3A_23 = arith.addi %scan3A_21, %scan3A_22 : i32
    %scan3A_24 = arith.constant 1 : i32
    scf.for %scan3A_90 = %scan3A_21 to %scan3A_23 step %scan3A_24  : i32 {
      %mul3A_91 = arith.constant 16 : i32
      %mul3A_92 = arith.muli %scan3A_90, %mul3A_91 : i32
      %add3A_93 = arith.addi %arg1, %mul3A_92 : i32
      %lt3A = arith.constant 125 : i32
      %lt3A_94 = arith.cmpi slt, %add3A_93, %lt3A : i32
      %convert_element_type3A = arith.extui %lt3A_94 : i1 to i32
      %cond3A = arith.constant 0 : i32
      %cond3A_95 = arith.cmpi ne, %convert_element_type3A, %cond3A : i32
      scf.if %cond3A_95 {
        %mul3A_96 = arith.constant 80 : i32
        %mul3A_97 = arith.muli %add3A_93, %mul3A_96 : i32
        "tpu.region"() ({
          %run_scoped3A_98 = tpu.sem_alloc : memref<!tpu.dma_semaphore, #tpu.memory_space<semaphore_mem>>
          %dma_start3A_99 = arith.constant 0 : i32
          %dma_start3A_100 = tpu.memref_slice %arg9[%mul3A_97, %dma_start3A_99] : memref<10000x128xf32, #tpu.memory_space<vmem_shared>> -> memref<80x128xf32, #tpu.memory_space<vmem_shared>>
          %dma_start3A_101 = arith.constant 0 : i32
          %dma_start3A_102 = tpu.memref_slice %arg9[%mul3A_97, %dma_start3A_101] : memref<10000x128xf32, #tpu.memory_space<vmem_shared>> -> memref<80x128xf32, #tpu.memory_space<vmem_shared>>
          tpu.enqueue_dma source(%arg8 : memref<80x128xf32, #tpu.memory_space<vmem>>) target(%dma_start3A_102 : memref<80x128xf32, #tpu.memory_space<vmem_shared>>) target_semaphore(%run_scoped3A_98 : memref<!tpu.dma_semaphore, #tpu.memory_space<semaphore_mem>>)
          %dma_wait3A_103 = arith.constant 0 : i32
          %dma_wait3A_104 = tpu.memref_slice %arg9[%mul3A_97, %dma_wait3A_103] : memref<10000x128xf32, #tpu.memory_space<vmem_shared>> -> memref<80x128xf32, #tpu.memory_space<vmem_shared>>
          %dma_wait3A_105 = arith.constant 0 : i32
          %dma_wait3A_106 = tpu.memref_slice %arg9[%mul3A_97, %dma_wait3A_105] : memref<10000x128xf32, #tpu.memory_space<vmem_shared>> -> memref<80x128xf32, #tpu.memory_space<vmem_shared>>
          tpu.wait_dma2 semaphore(%run_scoped3A_98 : memref<!tpu.dma_semaphore, #tpu.memory_space<semaphore_mem>>) src(%arg8 : memref<80x128xf32, #tpu.memory_space<vmem>>) dst(%dma_wait3A_106 : memref<80x128xf32, #tpu.memory_space<vmem_shared>>)
          tpu.yield
        }) : () -> ()
      } else {
      }
    }
    %scan3A_25 = arith.constant 8 : i32
    %dma_wait3A = arith.constant 0 : i32
    %dma_wait3A_26 = tpu.memref_slice %arg3[%add3A, %dma_wait3A] : memref<32x10000xi32, #tpu.memory_space<hbm>> -> memref<1x10000xi32, #tpu.memory_space<hbm>>
    %dma_wait3A_27 = tpu.memref_squeeze %dma_wait3A_26 : memref<1x10000xi32, #tpu.memory_space<hbm>> -> memref<10000xi32, #tpu.memory_space<hbm>>
    %dma_wait3A_28 = arith.constant 0 : i32
    %dma_wait3A_29 = tpu.memref_slice %arg3[%add3A, %dma_wait3A_28] : memref<32x10000xi32, #tpu.memory_space<hbm>> -> memref<1x10000xi32, #tpu.memory_space<hbm>>
    %dma_wait3A_30 = tpu.memref_squeeze %dma_wait3A_29 : memref<1x10000xi32, #tpu.memory_space<hbm>> -> memref<10000xi32, #tpu.memory_space<hbm>>
    tpu.wait_dma2 semaphore(%arg11 : memref<!tpu.dma_semaphore, #tpu.memory_space<semaphore_mem>>) src(%dma_wait3A_30 : memref<10000xi32, #tpu.memory_space<hbm>>) dst(%arg6 : memref<10000xi32, #tpu.memory_space<vmem>>)
    %dma_wait3A_31 = arith.constant 0 : i32
    %dma_wait3A_32 = arith.constant 0 : i32
    %dma_wait3A_33 = tpu.memref_slice %arg4[%add3A, %dma_wait3A_31, %dma_wait3A_32] : memref<32x125x80xi32, #tpu.memory_space<hbm>> -> memref<1x125x80xi32, #tpu.memory_space<hbm>>
    %dma_wait3A_34 = tpu.memref_squeeze %dma_wait3A_33 : memref<1x125x80xi32, #tpu.memory_space<hbm>> -> memref<125x80xi32, #tpu.memory_space<hbm>>
    %dma_wait3A_35 = arith.constant 0 : i32
    %dma_wait3A_36 = arith.constant 0 : i32
    %dma_wait3A_37 = tpu.memref_slice %arg4[%add3A, %dma_wait3A_35, %dma_wait3A_36] : memref<32x125x80xi32, #tpu.memory_space<hbm>> -> memref<1x125x80xi32, #tpu.memory_space<hbm>>
    %dma_wait3A_38 = tpu.memref_squeeze %dma_wait3A_37 : memref<1x125x80xi32, #tpu.memory_space<hbm>> -> memref<125x80xi32, #tpu.memory_space<hbm>>
    tpu.wait_dma2 semaphore(%arg12 : memref<!tpu.dma_semaphore, #tpu.memory_space<semaphore_mem>>) src(%dma_wait3A_38 : memref<125x80xi32, #tpu.memory_space<hbm>>) dst(%arg7 : memref<125x80xi32, #tpu.memory_space<vmem>>)
    %barrier3A = arith.constant 0 : index
    tpu.barrier barrier_id(%barrier3A)
    %dma_start3A_39 = arith.constant 0 : i32
    %dma_start3A_40 = arith.constant 0 : i32
    %dma_start3A_41 = tpu.memref_slice %arg8[%dma_start3A_39, %dma_start3A_40] : memref<80x128xf32, #tpu.memory_space<vmem>> -> memref<24x128xf32, #tpu.memory_space<vmem>>
    %dma_start3A_42 = arith.constant 0 : i32
    %dma_start3A_43 = tpu.memref_slice %arg6[%dma_start3A_42] : memref<10000xi32, #tpu.memory_space<vmem>> -> memref<24xi32, #tpu.memory_space<vmem>>
    %dma_start3A_44 = arith.constant 0 : i32
    %dma_start3A_45 = arith.constant 0 : i32
    %dma_start3A_46 = tpu.memref_slice %arg2[%dma_start3A_44, %dma_start3A_45] : memref<10000x128xf32, #tpu.memory_space<hbm>> -> memref<10000x128xf32, #tpu.memory_space<hbm>>
    tpu.enqueue_indirect_dma source(%dma_start3A_46 : memref<10000x128xf32, #tpu.memory_space<hbm>>) target(%dma_start3A_41 : memref<24x128xf32, #tpu.memory_space<vmem>>) offsets(%dma_start3A_43 : memref<24xi32, #tpu.memory_space<vmem>>) semaphore(%arg11 : memref<!tpu.dma_semaphore, #tpu.memory_space<semaphore_mem>>)
    %dma_start3A_47 = arith.constant 24 : i32
    %dma_start3A_48 = arith.constant 0 : i32
    %dma_start3A_49 = tpu.memref_slice %arg8[%dma_start3A_47, %dma_start3A_48] : memref<80x128xf32, #tpu.memory_space<vmem>> -> memref<24x128xf32, #tpu.memory_space<vmem>>
    %dma_start3A_50 = arith.constant 24 : i32
    %dma_start3A_51 = tpu.memref_slice %arg6[%dma_start3A_50] : memref<10000xi32, #tpu.memory_space<vmem>> -> memref<24xi32, #tpu.memory_space<vmem>>
    %dma_start3A_52 = arith.constant 0 : i32
    %dma_start3A_53 = arith.constant 0 : i32
    %dma_start3A_54 = tpu.memref_slice %arg2[%dma_start3A_52, %dma_start3A_53] : memref<10000x128xf32, #tpu.memory_space<hbm>> -> memref<10000x128xf32, #tpu.memory_space<hbm>>
    tpu.enqueue_indirect_dma source(%dma_start3A_54 : memref<10000x128xf32, #tpu.memory_space<hbm>>) target(%dma_start3A_49 : memref<24x128xf32, #tpu.memory_space<vmem>>) offsets(%dma_start3A_51 : memref<24xi32, #tpu.memory_space<vmem>>) semaphore(%arg11 : memref<!tpu.dma_semaphore, #tpu.memory_space<semaphore_mem>>)
    %dma_start3A_55 = arith.constant 48 : i32
    %dma_start3A_56 = arith.constant 0 : i32
    %dma_start3A_57 = tpu.memref_slice %arg8[%dma_start3A_55, %dma_start3A_56] : memref<80x128xf32, #tpu.memory_space<vmem>> -> memref<16x128xf32, #tpu.memory_space<vmem>>
    %dma_start3A_58 = arith.constant 48 : i32
    %dma_start3A_59 = tpu.memref_slice %arg6[%dma_start3A_58] : memref<10000xi32, #tpu.memory_space<vmem>> -> memref<16xi32, #tpu.memory_space<vmem>>
    %dma_start3A_60 = arith.constant 0 : i32
    %dma_start3A_61 = arith.constant 0 : i32
    %dma_start3A_62 = tpu.memref_slice %arg2[%dma_start3A_60, %dma_start3A_61] : memref<10000x128xf32, #tpu.memory_space<hbm>> -> memref<10000x128xf32, #tpu.memory_space<hbm>>
    tpu.enqueue_indirect_dma source(%dma_start3A_62 : memref<10000x128xf32, #tpu.memory_space<hbm>>) target(%dma_start3A_57 : memref<16x128xf32, #tpu.memory_space<vmem>>) offsets(%dma_start3A_59 : memref<16xi32, #tpu.memory_space<vmem>>) semaphore(%arg11 : memref<!tpu.dma_semaphore, #tpu.memory_space<semaphore_mem>>)
    %dma_start3A_63 = arith.constant 64 : i32
    %dma_start3A_64 = arith.constant 0 : i32
    %dma_start3A_65 = tpu.memref_slice %arg8[%dma_start3A_63, %dma_start3A_64] : memref<80x128xf32, #tpu.memory_space<vmem>> -> memref<16x128xf32, #tpu.memory_space<vmem>>
    %dma_start3A_66 = arith.constant 64 : i32
    %dma_start3A_67 = tpu.memref_slice %arg6[%dma_start3A_66] : memref<10000xi32, #tpu.memory_space<vmem>> -> memref<16xi32, #tpu.memory_space<vmem>>
    %dma_start3A_68 = arith.constant 0 : i32
    %dma_start3A_69 = arith.constant 0 : i32
    %dma_start3A_70 = tpu.memref_slice %arg2[%dma_start3A_68, %dma_start3A_69] : memref<10000x128xf32, #tpu.memory_space<hbm>> -> memref<10000x128xf32, #tpu.memory_space<hbm>>
    tpu.enqueue_indirect_dma source(%dma_start3A_70 : memref<10000x128xf32, #tpu.memory_space<hbm>>) target(%dma_start3A_65 : memref<16x128xf32, #tpu.memory_space<vmem>>) offsets(%dma_start3A_67 : memref<16xi32, #tpu.memory_space<vmem>>) semaphore(%arg11 : memref<!tpu.dma_semaphore, #tpu.memory_space<semaphore_mem>>)
    %scan3A_71 = arith.constant 0 : i32
    %scan3A_72 = arith.constant 0 : i32
    %scan3A_73 = arith.constant 62 : i32
    %scan3A_74 = arith.addi %scan3A_72, %scan3A_73 : i32
    %scan3A_75 = arith.constant 1 : i32
    scf.for %scan3A_90 = %scan3A_72 to %scan3A_74 step %scan3A_75  : i32 {
      %mul3A_91 = arith.constant 2 : i32
      %mul3A_92 = arith.muli %mul3A_91, %scan3A_90 : i32
      %add3A_93 = arith.constant 1 : i32
      %add3A_94 = arith.addi %mul3A_92, %add3A_93 : i32
      %mul3A_95 = arith.constant 80 : i32
      %mul3A_96 = arith.muli %add3A_94, %mul3A_95 : i32
      %add3A_97 = arith.constant 0 : i32
      %add3A_98 = arith.addi %mul3A_96, %add3A_97 : i32
      %dma_start3A_99 = arith.constant 0 : i32
      %dma_start3A_100 = arith.constant 0 : i32
      %dma_start3A_101 = tpu.memref_slice %arg10[%dma_start3A_99, %dma_start3A_100] : memref<80x128xf32, #tpu.memory_space<vmem>> -> memref<24x128xf32, #tpu.memory_space<vmem>>
      %dma_start3A_102 = tpu.memref_slice %arg6[%add3A_98] : memref<10000xi32, #tpu.memory_space<vmem>> -> memref<24xi32, #tpu.memory_space<vmem>>
      %dma_start3A_103 = arith.constant 0 : i32
      %dma_start3A_104 = arith.constant 0 : i32
      %dma_start3A_105 = tpu.memref_slice %arg2[%dma_start3A_103, %dma_start3A_104] : memref<10000x128xf32, #tpu.memory_space<hbm>> -> memref<10000x128xf32, #tpu.memory_space<hbm>>
      tpu.enqueue_indirect_dma source(%dma_start3A_105 : memref<10000x128xf32, #tpu.memory_space<hbm>>) target(%dma_start3A_101 : memref<24x128xf32, #tpu.memory_space<vmem>>) offsets(%dma_start3A_102 : memref<24xi32, #tpu.memory_space<vmem>>) semaphore(%arg12 : memref<!tpu.dma_semaphore, #tpu.memory_space<semaphore_mem>>)
      %mul3A_106 = arith.constant 80 : i32
      %mul3A_107 = arith.muli %add3A_94, %mul3A_106 : i32
      %add3A_108 = arith.constant 24 : i32
      %add3A_109 = arith.addi %mul3A_107, %add3A_108 : i32
      %dma_start3A_110 = arith.constant 24 : i32
      %dma_start3A_111 = arith.constant 0 : i32
      %dma_start3A_112 = tpu.memref_slice %arg10[%dma_start3A_110, %dma_start3A_111] : memref<80x128xf32, #tpu.memory_space<vmem>> -> memref<24x128xf32, #tpu.memory_space<vmem>>
      %dma_start3A_113 = tpu.memref_slice %arg6[%add3A_109] : memref<10000xi32, #tpu.memory_space<vmem>> -> memref<24xi32, #tpu.memory_space<vmem>>
      %dma_start3A_114 = arith.constant 0 : i32
      %dma_start3A_115 = arith.constant 0 : i32
      %dma_start3A_116 = tpu.memref_slice %arg2[%dma_start3A_114, %dma_start3A_115] : memref<10000x128xf32, #tpu.memory_space<hbm>> -> memref<10000x128xf32, #tpu.memory_space<hbm>>
      tpu.enqueue_indirect_dma source(%dma_start3A_116 : memref<10000x128xf32, #tpu.memory_space<hbm>>) target(%dma_start3A_112 : memref<24x128xf32, #tpu.memory_space<vmem>>) offsets(%dma_start3A_113 : memref<24xi32, #tpu.memory_space<vmem>>) semaphore(%arg12 : memref<!tpu.dma_semaphore, #tpu.memory_space<semaphore_mem>>)
      %mul3A_117 = arith.constant 80 : i32
      %mul3A_118 = arith.muli %add3A_94, %mul3A_117 : i32
      %add3A_119 = arith.constant 48 : i32
      %add3A_120 = arith.addi %mul3A_118, %add3A_119 : i32
      %dma_start3A_121 = arith.constant 48 : i32
      %dma_start3A_122 = arith.constant 0 : i32
      %dma_start3A_123 = tpu.memref_slice %arg10[%dma_start3A_121, %dma_start3A_122] : memref<80x128xf32, #tpu.memory_space<vmem>> -> memref<16x128xf32, #tpu.memory_space<vmem>>
      %dma_start3A_124 = tpu.memref_slice %arg6[%add3A_120] : memref<10000xi32, #tpu.memory_space<vmem>> -> memref<16xi32, #tpu.memory_space<vmem>>
      %dma_start3A_125 = arith.constant 0 : i32
      %dma_start3A_126 = arith.constant 0 : i32
      %dma_start3A_127 = tpu.memref_slice %arg2[%dma_start3A_125, %dma_start3A_126] : memref<10000x128xf32, #tpu.memory_space<hbm>> -> memref<10000x128xf32, #tpu.memory_space<hbm>>
      tpu.enqueue_indirect_dma source(%dma_start3A_127 : memref<10000x128xf32, #tpu.memory_space<hbm>>) target(%dma_start3A_123 : memref<16x128xf32, #tpu.memory_space<vmem>>) offsets(%dma_start3A_124 : memref<16xi32, #tpu.memory_space<vmem>>) semaphore(%arg12 : memref<!tpu.dma_semaphore, #tpu.memory_space<semaphore_mem>>)
      %mul3A_128 = arith.constant 80 : i32
      %mul3A_129 = arith.muli %add3A_94, %mul3A_128 : i32
      %add3A_130 = arith.constant 64 : i32
      %add3A_131 = arith.addi %mul3A_129, %add3A_130 : i32
      %dma_start3A_132 = arith.constant 64 : i32
      %dma_start3A_133 = arith.constant 0 : i32
      %dma_start3A_134 = tpu.memref_slice %arg10[%dma_start3A_132, %dma_start3A_133] : memref<80x128xf32, #tpu.memory_space<vmem>> -> memref<16x128xf32, #tpu.memory_space<vmem>>
      %dma_start3A_135 = tpu.memref_slice %arg6[%add3A_131] : memref<10000xi32, #tpu.memory_space<vmem>> -> memref<16xi32, #tpu.memory_space<vmem>>
      %dma_start3A_136 = arith.constant 0 : i32
      %dma_start3A_137 = arith.constant 0 : i32
      %dma_start3A_138 = tpu.memref_slice %arg2[%dma_start3A_136, %dma_start3A_137] : memref<10000x128xf32, #tpu.memory_space<hbm>> -> memref<10000x128xf32, #tpu.memory_space<hbm>>
      tpu.enqueue_indirect_dma source(%dma_start3A_138 : memref<10000x128xf32, #tpu.memory_space<hbm>>) target(%dma_start3A_134 : memref<16x128xf32, #tpu.memory_space<vmem>>) offsets(%dma_start3A_135 : memref<16xi32, #tpu.memory_space<vmem>>) semaphore(%arg12 : memref<!tpu.dma_semaphore, #tpu.memory_space<semaphore_mem>>)
      %dma_wait3A_139 = arith.constant 0 : i32
      %dma_wait3A_140 = arith.constant 0 : i32
      %dma_wait3A_141 = tpu.memref_slice %arg2[%dma_wait3A_139, %dma_wait3A_140] : memref<10000x128xf32, #tpu.memory_space<hbm>> -> memref<80x128xf32, #tpu.memory_space<hbm>>
      %dma_wait3A_142 = arith.constant 0 : i32
      %dma_wait3A_143 = arith.constant 0 : i32
      %dma_wait3A_144 = tpu.memref_slice %arg2[%dma_wait3A_142, %dma_wait3A_143] : memref<10000x128xf32, #tpu.memory_space<hbm>> -> memref<80x128xf32, #tpu.memory_space<hbm>>
      tpu.wait_dma2 semaphore(%arg11 : memref<!tpu.dma_semaphore, #tpu.memory_space<semaphore_mem>>) src(%dma_wait3A_144 : memref<80x128xf32, #tpu.memory_space<hbm>>) dst(%arg8 : memref<80x128xf32, #tpu.memory_space<vmem>>)
      "tpu.region"() ({
        %run_scoped3A_157 = tpu.sem_alloc : memref<!tpu.dma_semaphore, #tpu.memory_space<semaphore_mem>>
        %dma_start3A_158 = arith.constant 0 : i32
        %dma_start3A_159 = tpu.memref_slice %arg7[%mul3A_92, %dma_start3A_158] : memref<125x80xi32, #tpu.memory_space<vmem>> -> memref<1x80xi32, #tpu.memory_space<vmem>>
        %dma_start3A_160 = tpu.memref_squeeze %dma_start3A_159 : memref<1x80xi32, #tpu.memory_space<vmem>> -> memref<80xi32, #tpu.memory_space<vmem>>
        %dma_start3A_161 = arith.constant 0 : i32
        %dma_start3A_162 = arith.constant 0 : i32
        %dma_start3A_163 = tpu.memref_slice %arg9[%dma_start3A_161, %dma_start3A_162] : memref<10000x128xf32, #tpu.memory_space<vmem_shared>> -> memref<10000x128xf32, #tpu.memory_space<vmem_shared>>
        tpu.enqueue_indirect_dma source(%arg8 : memref<80x128xf32, #tpu.memory_space<vmem>>) target(%dma_start3A_163 : memref<10000x128xf32, #tpu.memory_space<vmem_shared>>) offsets(%dma_start3A_160 : memref<80xi32, #tpu.memory_space<vmem>>) semaphore(%run_scoped3A_157 : memref<!tpu.dma_semaphore, #tpu.memory_space<semaphore_mem>>) {add = true}
        %dma_wait3A_164 = arith.constant 0 : i32
        %dma_wait3A_165 = tpu.memref_slice %arg7[%mul3A_92, %dma_wait3A_164] : memref<125x80xi32, #tpu.memory_space<vmem>> -> memref<1x80xi32, #tpu.memory_space<vmem>>
        %dma_wait3A_166 = tpu.memref_squeeze %dma_wait3A_165 : memref<1x80xi32, #tpu.memory_space<vmem>> -> memref<80xi32, #tpu.memory_space<vmem>>
        %dma_wait3A_167 = arith.constant 0 : i32
        %dma_wait3A_168 = arith.constant 0 : i32
        %dma_wait3A_169 = tpu.memref_slice %arg9[%dma_wait3A_167, %dma_wait3A_168] : memref<10000x128xf32, #tpu.memory_space<vmem_shared>> -> memref<10000x128xf32, #tpu.memory_space<vmem_shared>>
        tpu.wait_indirect_dma semaphore(%run_scoped3A_157 : memref<!tpu.dma_semaphore, #tpu.memory_space<semaphore_mem>>) src(%arg8 : memref<80x128xf32, #tpu.memory_space<vmem>>) dst(%dma_wait3A_169 : memref<10000x128xf32, #tpu.memory_space<vmem_shared>>)
        tpu.yield
      }) : () -> ()
      %add3A_145 = arith.constant 2 : i32
      %add3A_146 = arith.addi %mul3A_92, %add3A_145 : i32
      %lt3A = arith.constant 125 : i32
      %lt3A_147 = arith.cmpi slt, %add3A_146, %lt3A : i32
      %convert_element_type3A = arith.extui %lt3A_147 : i1 to i32
      %cond3A = arith.constant 0 : i32
      %cond3A_148 = arith.cmpi ne, %convert_element_type3A, %cond3A : i32
      scf.if %cond3A_148 {
        %add3A_157 = arith.constant 2 : i32
        %add3A_158 = arith.addi %mul3A_92, %add3A_157 : i32
        %mul3A_159 = arith.constant 80 : i32
        %mul3A_160 = arith.muli %add3A_158, %mul3A_159 : i32
        %add3A_161 = arith.constant 0 : i32
        %add3A_162 = arith.addi %mul3A_160, %add3A_161 : i32
        %dma_start3A_163 = arith.constant 0 : i32
        %dma_start3A_164 = arith.constant 0 : i32
        %dma_start3A_165 = tpu.memref_slice %arg8[%dma_start3A_163, %dma_start3A_164] : memref<80x128xf32, #tpu.memory_space<vmem>> -> memref<24x128xf32, #tpu.memory_space<vmem>>
        %dma_start3A_166 = tpu.memref_slice %arg6[%add3A_162] : memref<10000xi32, #tpu.memory_space<vmem>> -> memref<24xi32, #tpu.memory_space<vmem>>
        %dma_start3A_167 = arith.constant 0 : i32
        %dma_start3A_168 = arith.constant 0 : i32
        %dma_start3A_169 = tpu.memref_slice %arg2[%dma_start3A_167, %dma_start3A_168] : memref<10000x128xf32, #tpu.memory_space<hbm>> -> memref<10000x128xf32, #tpu.memory_space<hbm>>
        tpu.enqueue_indirect_dma source(%dma_start3A_169 : memref<10000x128xf32, #tpu.memory_space<hbm>>) target(%dma_start3A_165 : memref<24x128xf32, #tpu.memory_space<vmem>>) offsets(%dma_start3A_166 : memref<24xi32, #tpu.memory_space<vmem>>) semaphore(%arg11 : memref<!tpu.dma_semaphore, #tpu.memory_space<semaphore_mem>>)
        %mul3A_170 = arith.constant 80 : i32
        %mul3A_171 = arith.muli %add3A_158, %mul3A_170 : i32
        %add3A_172 = arith.constant 24 : i32
        %add3A_173 = arith.addi %mul3A_171, %add3A_172 : i32
        %dma_start3A_174 = arith.constant 24 : i32
        %dma_start3A_175 = arith.constant 0 : i32
        %dma_start3A_176 = tpu.memref_slice %arg8[%dma_start3A_174, %dma_start3A_175] : memref<80x128xf32, #tpu.memory_space<vmem>> -> memref<24x128xf32, #tpu.memory_space<vmem>>
        %dma_start3A_177 = tpu.memref_slice %arg6[%add3A_173] : memref<10000xi32, #tpu.memory_space<vmem>> -> memref<24xi32, #tpu.memory_space<vmem>>
        %dma_start3A_178 = arith.constant 0 : i32
        %dma_start3A_179 = arith.constant 0 : i32
        %dma_start3A_180 = tpu.memref_slice %arg2[%dma_start3A_178, %dma_start3A_179] : memref<10000x128xf32, #tpu.memory_space<hbm>> -> memref<10000x128xf32, #tpu.memory_space<hbm>>
        tpu.enqueue_indirect_dma source(%dma_start3A_180 : memref<10000x128xf32, #tpu.memory_space<hbm>>) target(%dma_start3A_176 : memref<24x128xf32, #tpu.memory_space<vmem>>) offsets(%dma_start3A_177 : memref<24xi32, #tpu.memory_space<vmem>>) semaphore(%arg11 : memref<!tpu.dma_semaphore, #tpu.memory_space<semaphore_mem>>)
        %mul3A_181 = arith.constant 80 : i32
        %mul3A_182 = arith.muli %add3A_158, %mul3A_181 : i32
        %add3A_183 = arith.constant 48 : i32
        %add3A_184 = arith.addi %mul3A_182, %add3A_183 : i32
        %dma_start3A_185 = arith.constant 48 : i32
        %dma_start3A_186 = arith.constant 0 : i32
        %dma_start3A_187 = tpu.memref_slice %arg8[%dma_start3A_185, %dma_start3A_186] : memref<80x128xf32, #tpu.memory_space<vmem>> -> memref<16x128xf32, #tpu.memory_space<vmem>>
        %dma_start3A_188 = tpu.memref_slice %arg6[%add3A_184] : memref<10000xi32, #tpu.memory_space<vmem>> -> memref<16xi32, #tpu.memory_space<vmem>>
        %dma_start3A_189 = arith.constant 0 : i32
        %dma_start3A_190 = arith.constant 0 : i32
        %dma_start3A_191 = tpu.memref_slice %arg2[%dma_start3A_189, %dma_start3A_190] : memref<10000x128xf32, #tpu.memory_space<hbm>> -> memref<10000x128xf32, #tpu.memory_space<hbm>>
        tpu.enqueue_indirect_dma source(%dma_start3A_191 : memref<10000x128xf32, #tpu.memory_space<hbm>>) target(%dma_start3A_187 : memref<16x128xf32, #tpu.memory_space<vmem>>) offsets(%dma_start3A_188 : memref<16xi32, #tpu.memory_space<vmem>>) semaphore(%arg11 : memref<!tpu.dma_semaphore, #tpu.memory_space<semaphore_mem>>)
        %mul3A_192 = arith.constant 80 : i32
        %mul3A_193 = arith.muli %add3A_158, %mul3A_192 : i32
        %add3A_194 = arith.constant 64 : i32
        %add3A_195 = arith.addi %mul3A_193, %add3A_194 : i32
        %dma_start3A_196 = arith.constant 64 : i32
        %dma_start3A_197 = arith.constant 0 : i32
        %dma_start3A_198 = tpu.memref_slice %arg8[%dma_start3A_196, %dma_start3A_197] : memref<80x128xf32, #tpu.memory_space<vmem>> -> memref<16x128xf32, #tpu.memory_space<vmem>>
        %dma_start3A_199 = tpu.memref_slice %arg6[%add3A_195] : memref<10000xi32, #tpu.memory_space<vmem>> -> memref<16xi32, #tpu.memory_space<vmem>>
        %dma_start3A_200 = arith.constant 0 : i32
        %dma_start3A_201 = arith.constant 0 : i32
        %dma_start3A_202 = tpu.memref_slice %arg2[%dma_start3A_200, %dma_start3A_201] : memref<10000x128xf32, #tpu.memory_space<hbm>> -> memref<10000x128xf32, #tpu.memory_space<hbm>>
        tpu.enqueue_indirect_dma source(%dma_start3A_202 : memref<10000x128xf32, #tpu.memory_space<hbm>>) target(%dma_start3A_198 : memref<16x128xf32, #tpu.memory_space<vmem>>) offsets(%dma_start3A_199 : memref<16xi32, #tpu.memory_space<vmem>>) semaphore(%arg11 : memref<!tpu.dma_semaphore, #tpu.memory_space<semaphore_mem>>)
      } else {
      }
      %dma_wait3A_149 = arith.constant 0 : i32
      %dma_wait3A_150 = arith.constant 0 : i32
      %dma_wait3A_151 = tpu.memref_slice %arg2[%dma_wait3A_149, %dma_wait3A_150] : memref<10000x128xf32, #tpu.memory_space<hbm>> -> memref<80x128xf32, #tpu.memory_space<hbm>>
      %dma_wait3A_152 = arith.constant 0 : i32
      %dma_wait3A_153 = arith.constant 0 : i32
      %dma_wait3A_154 = tpu.memref_slice %arg2[%dma_wait3A_152, %dma_wait3A_153] : memref<10000x128xf32, #tpu.memory_space<hbm>> -> memref<80x128xf32, #tpu.memory_space<hbm>>
      tpu.wait_dma2 semaphore(%arg12 : memref<!tpu.dma_semaphore, #tpu.memory_space<semaphore_mem>>) src(%dma_wait3A_154 : memref<80x128xf32, #tpu.memory_space<hbm>>) dst(%arg10 : memref<80x128xf32, #tpu.memory_space<vmem>>)
      %add3A_155 = arith.constant 1 : i32
      %add3A_156 = arith.addi %mul3A_92, %add3A_155 : i32
      "tpu.region"() ({
        %run_scoped3A_157 = tpu.sem_alloc : memref<!tpu.dma_semaphore, #tpu.memory_space<semaphore_mem>>
        %dma_start3A_158 = arith.constant 0 : i32
        %dma_start3A_159 = tpu.memref_slice %arg7[%add3A_156, %dma_start3A_158] : memref<125x80xi32, #tpu.memory_space<vmem>> -> memref<1x80xi32, #tpu.memory_space<vmem>>
        %dma_start3A_160 = tpu.memref_squeeze %dma_start3A_159 : memref<1x80xi32, #tpu.memory_space<vmem>> -> memref<80xi32, #tpu.memory_space<vmem>>
        %dma_start3A_161 = arith.constant 0 : i32
        %dma_start3A_162 = arith.constant 0 : i32
        %dma_start3A_163 = tpu.memref_slice %arg9[%dma_start3A_161, %dma_start3A_162] : memref<10000x128xf32, #tpu.memory_space<vmem_shared>> -> memref<10000x128xf32, #tpu.memory_space<vmem_shared>>
        tpu.enqueue_indirect_dma source(%arg10 : memref<80x128xf32, #tpu.memory_space<vmem>>) target(%dma_start3A_163 : memref<10000x128xf32, #tpu.memory_space<vmem_shared>>) offsets(%dma_start3A_160 : memref<80xi32, #tpu.memory_space<vmem>>) semaphore(%run_scoped3A_157 : memref<!tpu.dma_semaphore, #tpu.memory_space<semaphore_mem>>) {add = true}
        %dma_wait3A_164 = arith.constant 0 : i32
        %dma_wait3A_165 = tpu.memref_slice %arg7[%add3A_156, %dma_wait3A_164] : memref<125x80xi32, #tpu.memory_space<vmem>> -> memref<1x80xi32, #tpu.memory_space<vmem>>
        %dma_wait3A_166 = tpu.memref_squeeze %dma_wait3A_165 : memref<1x80xi32, #tpu.memory_space<vmem>> -> memref<80xi32, #tpu.memory_space<vmem>>
        %dma_wait3A_167 = arith.constant 0 : i32
        %dma_wait3A_168 = arith.constant 0 : i32
        %dma_wait3A_169 = tpu.memref_slice %arg9[%dma_wait3A_167, %dma_wait3A_168] : memref<10000x128xf32, #tpu.memory_space<vmem_shared>> -> memref<10000x128xf32, #tpu.memory_space<vmem_shared>>
        tpu.wait_indirect_dma semaphore(%run_scoped3A_157 : memref<!tpu.dma_semaphore, #tpu.memory_space<semaphore_mem>>) src(%arg10 : memref<80x128xf32, #tpu.memory_space<vmem>>) dst(%dma_wait3A_169 : memref<10000x128xf32, #tpu.memory_space<vmem_shared>>)
        tpu.yield
      }) : () -> ()
    }
    %scan3A_76 = arith.constant 62 : i32
    %dma_wait3A_77 = arith.constant 0 : i32
    %dma_wait3A_78 = arith.constant 0 : i32
    %dma_wait3A_79 = tpu.memref_slice %arg2[%dma_wait3A_77, %dma_wait3A_78] : memref<10000x128xf32, #tpu.memory_space<hbm>> -> memref<80x128xf32, #tpu.memory_space<hbm>>
    %dma_wait3A_80 = arith.constant 0 : i32
    %dma_wait3A_81 = arith.constant 0 : i32
    %dma_wait3A_82 = tpu.memref_slice %arg2[%dma_wait3A_80, %dma_wait3A_81] : memref<10000x128xf32, #tpu.memory_space<hbm>> -> memref<80x128xf32, #tpu.memory_space<hbm>>
    tpu.wait_dma2 semaphore(%arg11 : memref<!tpu.dma_semaphore, #tpu.memory_space<semaphore_mem>>) src(%dma_wait3A_82 : memref<80x128xf32, #tpu.memory_space<hbm>>) dst(%arg8 : memref<80x128xf32, #tpu.memory_space<vmem>>)
    %run_scoped3A = arith.constant 124 : i32
    "tpu.region"() ({
      %run_scoped3A_90 = tpu.sem_alloc : memref<!tpu.dma_semaphore, #tpu.memory_space<semaphore_mem>>
      %dma_start3A_91 = arith.constant 0 : i32
      %dma_start3A_92 = tpu.memref_slice %arg7[%run_scoped3A, %dma_start3A_91] : memref<125x80xi32, #tpu.memory_space<vmem>> -> memref<1x80xi32, #tpu.memory_space<vmem>>
      %dma_start3A_93 = tpu.memref_squeeze %dma_start3A_92 : memref<1x80xi32, #tpu.memory_space<vmem>> -> memref<80xi32, #tpu.memory_space<vmem>>
      %dma_start3A_94 = arith.constant 0 : i32
      %dma_start3A_95 = arith.constant 0 : i32
      %dma_start3A_96 = tpu.memref_slice %arg9[%dma_start3A_94, %dma_start3A_95] : memref<10000x128xf32, #tpu.memory_space<vmem_shared>> -> memref<10000x128xf32, #tpu.memory_space<vmem_shared>>
      tpu.enqueue_indirect_dma source(%arg8 : memref<80x128xf32, #tpu.memory_space<vmem>>) target(%dma_start3A_96 : memref<10000x128xf32, #tpu.memory_space<vmem_shared>>) offsets(%dma_start3A_93 : memref<80xi32, #tpu.memory_space<vmem>>) semaphore(%run_scoped3A_90 : memref<!tpu.dma_semaphore, #tpu.memory_space<semaphore_mem>>) {add = true}
      %dma_wait3A_97 = arith.constant 0 : i32
      %dma_wait3A_98 = tpu.memref_slice %arg7[%run_scoped3A, %dma_wait3A_97] : memref<125x80xi32, #tpu.memory_space<vmem>> -> memref<1x80xi32, #tpu.memory_space<vmem>>
      %dma_wait3A_99 = tpu.memref_squeeze %dma_wait3A_98 : memref<1x80xi32, #tpu.memory_space<vmem>> -> memref<80xi32, #tpu.memory_space<vmem>>
      %dma_wait3A_100 = arith.constant 0 : i32
      %dma_wait3A_101 = arith.constant 0 : i32
      %dma_wait3A_102 = tpu.memref_slice %arg9[%dma_wait3A_100, %dma_wait3A_101] : memref<10000x128xf32, #tpu.memory_space<vmem_shared>> -> memref<10000x128xf32, #tpu.memory_space<vmem_shared>>
      tpu.wait_indirect_dma semaphore(%run_scoped3A_90 : memref<!tpu.dma_semaphore, #tpu.memory_space<semaphore_mem>>) src(%arg8 : memref<80x128xf32, #tpu.memory_space<vmem>>) dst(%dma_wait3A_102 : memref<10000x128xf32, #tpu.memory_space<vmem_shared>>)
      tpu.yield
    }) : () -> ()
    %barrier3A_83 = arith.constant 0 : index
    tpu.barrier barrier_id(%barrier3A_83)
    %scan3A_84 = arith.constant 0 : i32
    %scan3A_85 = arith.constant 0 : i32
    %scan3A_86 = arith.constant 8 : i32
    %scan3A_87 = arith.addi %scan3A_85, %scan3A_86 : i32
    %scan3A_88 = arith.constant 1 : i32
    scf.for %scan3A_90 = %scan3A_85 to %scan3A_87 step %scan3A_88  : i32 {
      %mul3A_91 = arith.constant 16 : i32
      %mul3A_92 = arith.muli %scan3A_90, %mul3A_91 : i32
      %add3A_93 = arith.addi %arg1, %mul3A_92 : i32
      %lt3A = arith.constant 125 : i32
      %lt3A_94 = arith.cmpi slt, %add3A_93, %lt3A : i32
      %convert_element_type3A = arith.extui %lt3A_94 : i1 to i32
      %cond3A = arith.constant 0 : i32
      %cond3A_95 = arith.cmpi ne, %convert_element_type3A, %cond3A : i32
      scf.if %cond3A_95 {
        %mul3A_96 = arith.constant 80 : i32
        %mul3A_97 = arith.muli %add3A_93, %mul3A_96 : i32
        %mul3A_98 = arith.constant 80 : i32
        %mul3A_99 = arith.muli %add3A_93, %mul3A_98 : i32
        "tpu.region"() ({
          %run_scoped3A_100 = tpu.sem_alloc : memref<!tpu.dma_semaphore, #tpu.memory_space<semaphore_mem>>
          %dma_start3A_101 = arith.constant 0 : i32
          %dma_start3A_102 = arith.constant 0 : i32
          %dma_start3A_103 = tpu.memref_slice %arg5[%arg0, %dma_start3A_101, %dma_start3A_102] : memref<2x10000x128xf32, #tpu.memory_space<hbm>> -> memref<1x10000x128xf32, #tpu.memory_space<hbm>>
          %dma_start3A_104 = tpu.memref_squeeze %dma_start3A_103 : memref<1x10000x128xf32, #tpu.memory_space<hbm>> -> memref<10000x128xf32, #tpu.memory_space<hbm>>
          %dma_start3A_105 = arith.constant 0 : i32
          %dma_start3A_106 = tpu.memref_slice %dma_start3A_104[%mul3A_99, %dma_start3A_105] : memref<10000x128xf32, #tpu.memory_space<hbm>> -> memref<80x128xf32, #tpu.memory_space<hbm>>
          %dma_start3A_107 = arith.constant 0 : i32
          %dma_start3A_108 = tpu.memref_slice %arg9[%mul3A_97, %dma_start3A_107] : memref<10000x128xf32, #tpu.memory_space<vmem_shared>> -> memref<80x128xf32, #tpu.memory_space<vmem_shared>>
          tpu.enqueue_dma source(%dma_start3A_108 : memref<80x128xf32, #tpu.memory_space<vmem_shared>>) target(%dma_start3A_106 : memref<80x128xf32, #tpu.memory_space<hbm>>) target_semaphore(%run_scoped3A_100 : memref<!tpu.dma_semaphore, #tpu.memory_space<semaphore_mem>>)
          %dma_wait3A_109 = arith.constant 0 : i32
          %dma_wait3A_110 = arith.constant 0 : i32
          %dma_wait3A_111 = tpu.memref_slice %arg5[%arg0, %dma_wait3A_109, %dma_wait3A_110] : memref<2x10000x128xf32, #tpu.memory_space<hbm>> -> memref<1x10000x128xf32, #tpu.memory_space<hbm>>
          %dma_wait3A_112 = tpu.memref_squeeze %dma_wait3A_111 : memref<1x10000x128xf32, #tpu.memory_space<hbm>> -> memref<10000x128xf32, #tpu.memory_space<hbm>>
          %dma_wait3A_113 = arith.constant 0 : i32
          %dma_wait3A_114 = tpu.memref_slice %dma_wait3A_112[%mul3A_99, %dma_wait3A_113] : memref<10000x128xf32, #tpu.memory_space<hbm>> -> memref<80x128xf32, #tpu.memory_space<hbm>>
          %dma_wait3A_115 = arith.constant 0 : i32
          %dma_wait3A_116 = tpu.memref_slice %arg9[%mul3A_97, %dma_wait3A_115] : memref<10000x128xf32, #tpu.memory_space<vmem_shared>> -> memref<80x128xf32, #tpu.memory_space<vmem_shared>>
          tpu.wait_dma2 semaphore(%run_scoped3A_100 : memref<!tpu.dma_semaphore, #tpu.memory_space<semaphore_mem>>) src(%dma_wait3A_116 : memref<80x128xf32, #tpu.memory_space<vmem_shared>>) dst(%dma_wait3A_114 : memref<80x128xf32, #tpu.memory_space<hbm>>)
          tpu.yield
        }) : () -> ()
      } else {
      }
    }
    %scan3A_89 = arith.constant 8 : i32
    return
  }
}

module attributes {stable_mosaic.version = 14 : i64} {
  func.func @body(%arg0: i32, %arg1: memref<1x1x12800xi32, #tpu.memory_space<vmem>>, %arg2: memref<80x128xf32, #tpu.memory_space<vmem>>, %arg3: memref<80x128xf32, #tpu.memory_space<vmem>>) attributes {dimension_semantics = [#tpu.dimension_semantics<arbitrary>], iteration_bounds = array<i64: 25>, scalar_prefetch = 0 : i64, scratch_operands = 1 : i64, tpu.core_type = #tpu.core_type<tc>, window_params = [{transform_indices = @transform_0, window_bounds = array<i64: 1, 1, 12800>}, {pipeline_mode = #tpu.pipeline_mode<synchronous>, transform_indices = @transform_1, window_bounds = array<i64: 80, 128>}]} {
    %eq3A = arith.constant 0 : i32
    %eq3A_0 = arith.cmpi eq, %arg0, %eq3A : i32
    %convert_element_type3A = arith.extui %eq3A_0 : i1 to i32
    %cond3A = arith.constant 0 : i32
    %cond3A_1 = arith.cmpi ne, %convert_element_type3A, %cond3A : i32
    scf.if %cond3A_1 {
      %broadcast_in_dim3A_33 = arith.constant 0.000000e+00 : f32
      %broadcast_in_dim3A_34 = vector.broadcast %broadcast_in_dim3A_33 : f32 to vector<80x128xf32>
      %swap3A_35 = arith.constant 0 : index
      %swap3A_36 = arith.constant 0 : index
      %swap3A_37 = vector.load %arg3[%swap3A_35, %swap3A_36] : memref<80x128xf32, #tpu.memory_space<vmem>>, vector<80x128xf32>
      tpu.vector_store %arg3[%swap3A_35, %swap3A_36], %broadcast_in_dim3A_34 {strides = array<i32>} : memref<80x128xf32, #tpu.memory_space<vmem>>, vector<80x128xf32>,
    } else {
    }
    %get3A = arith.constant 0 : index
    %get3A_2 = arith.constant 0 : index
    %get3A_3 = arith.constant 0 : index
    %get3A_4 = vector.load %arg1[%get3A, %get3A_2, %get3A_3] : memref<1x1x12800xi32, #tpu.memory_space<vmem>>, vector<1x1x12800xi32>
    %get3A_5 = vector.shape_cast %get3A_4 : vector<1x1x12800xi32> to vector<12800xi32>
    %shift_right_logical3A = arith.constant 7 : i32
    %shift_right_logical3A_6 = vector.broadcast %shift_right_logical3A : i32 to vector<12800xi32>
    %shift_right_logical3A_7 = arith.shrui %get3A_5, %shift_right_logical3A_6 : vector<12800xi32>
    %and3A = arith.constant 127 : i32
    %and3A_8 = vector.broadcast %and3A : i32 to vector<12800xi32>
    %and3A_9 = arith.andi %get3A_5, %and3A_8 : vector<12800xi32>
    %iota3A = tpu.iota {dimensions = array<i32: 0>} : vector<80x12800xi32>
    %broadcast_in_dim3A = vector.shape_cast %shift_right_logical3A_7 : vector<12800xi32> to vector<1x12800xi32>
    %eq3A_10 = vector.broadcast %broadcast_in_dim3A : vector<1x12800xi32> to vector<80x12800xi32>
    %eq3A_11 = arith.cmpi eq, %iota3A, %eq3A_10 : vector<80x12800xi32>
    %convert_element_type3A_12 = arith.extui %eq3A_11 : vector<80x12800xi1> to vector<80x12800xi32>
    %convert_element_type3A_13 = arith.sitofp %convert_element_type3A_12 : vector<80x12800xi32> to vector<80x12800xf32>
    %convert_element_type3A_14 = arith.truncf %convert_element_type3A_13 : vector<80x12800xf32> to vector<80x12800xbf16>
    %iota3A_15 = tpu.iota {dimensions = array<i32: 1>} : vector<12800x128xi32>
    %broadcast_in_dim3A_16 = vector.shape_cast %and3A_9 : vector<12800xi32> to vector<12800x1xi32>
    %eq3A_17 = vector.broadcast %broadcast_in_dim3A_16 : vector<12800x1xi32> to vector<12800x128xi32>
    %eq3A_18 = arith.cmpi eq, %iota3A_15, %eq3A_17 : vector<12800x128xi32>
    %convert_element_type3A_19 = arith.extui %eq3A_18 : vector<12800x128xi1> to vector<12800x128xi32>
    %convert_element_type3A_20 = arith.sitofp %convert_element_type3A_19 : vector<12800x128xi32> to vector<12800x128xf32>
    %convert_element_type3A_21 = arith.truncf %convert_element_type3A_20 : vector<12800x128xf32> to vector<12800x128xbf16>
    %get3A_22 = arith.constant 0 : index
    %get3A_23 = arith.constant 0 : index
    %get3A_24 = vector.load %arg3[%get3A_22, %get3A_23] : memref<80x128xf32, #tpu.memory_space<vmem>>, vector<80x128xf32>
    %dot_general3A = arith.constant dense<0.000000e+00> : vector<80x128xf32>
    %dot_general3A_25 = tpu.matmul %convert_element_type3A_14, %convert_element_type3A_21, %dot_general3A {dimension_numbers = #tpu.dot_dimension_numbers<[1], [0], [0], [1], [0, 0, 1, 1], [], []>, transpose_lhs_hint = false} : vector<80x12800xbf16>, vector<12800x128xbf16>, vector<80x128xf32> -> vector<80x128xf32>
    %add3A = arith.addf %get3A_24, %dot_general3A_25 : vector<80x128xf32>
    %swap3A = arith.constant 0 : index
    %swap3A_26 = arith.constant 0 : index
    %swap3A_27 = vector.load %arg3[%swap3A, %swap3A_26] : memref<80x128xf32, #tpu.memory_space<vmem>>, vector<80x128xf32>
    tpu.vector_store %arg3[%swap3A, %swap3A_26], %add3A {strides = array<i32>} : memref<80x128xf32, #tpu.memory_space<vmem>>, vector<80x128xf32>,
    %eq3A_28 = arith.constant 24 : i32
    %eq3A_29 = arith.cmpi eq, %arg0, %eq3A_28 : i32
    %convert_element_type3A_30 = arith.extui %eq3A_29 : i1 to i32
    %cond3A_31 = arith.constant 0 : i32
    %cond3A_32 = arith.cmpi ne, %convert_element_type3A_30, %cond3A_31 : i32
    scf.if %cond3A_32 {
      %get3A_33 = arith.constant 0 : index
      %get3A_34 = arith.constant 0 : index
      %get3A_35 = vector.load %arg3[%get3A_33, %get3A_34] : memref<80x128xf32, #tpu.memory_space<vmem>>, vector<80x128xf32>
      %swap3A_36 = arith.constant 0 : index
      %swap3A_37 = arith.constant 0 : index
      %swap3A_38 = vector.load %arg2[%swap3A_36, %swap3A_37] : memref<80x128xf32, #tpu.memory_space<vmem>>, vector<80x128xf32>
      tpu.vector_store %arg2[%swap3A_36, %swap3A_37], %get3A_35 {strides = array<i32>} : memref<80x128xf32, #tpu.memory_space<vmem>>, vector<80x128xf32>,
    } else {
    }
    return
  }
  func.func @transform_0(%arg0: i32) -> (i32, i32, i32) {
    %c0_i32 = arith.constant 0 : i32
    %c0_i32_0 = arith.constant 0 : i32
    %c0_i32_1 = arith.constant 0 : i32
    return %arg0, %c0_i32, %c0_i32_0 : i32, i32, i32
  }
  func.func @transform_1(%arg0: i32) -> (i32, i32) {
    %c0_i32 = arith.constant 0 : i32
    %c0_i32_0 = arith.constant 0 : i32
    %c0_i32_1 = arith.constant 0 : i32
    return %c0_i32, %c0_i32_0 : i32, i32
  }
}

module attributes {stable_mosaic.version = 14 : i64} {
  func.func @body(%arg0: i32, %arg1: memref<2x5000x128xf32, #tpu.memory_space<vmem>>, %arg2: memref<5000x1xf32, #tpu.memory_space<vmem>>, %arg3: memref<5000x128xf32, #tpu.memory_space<vmem>>, %arg4: memref<128x128xf32, #tpu.memory_space<vmem>>, %arg5: memref<128x128xf32, #tpu.memory_space<vmem>>, %arg6: memref<1x128xf32, #tpu.memory_space<vmem>>, %arg7: memref<5000x128xf32, #tpu.memory_space<vmem>>, %arg8: memref<5000x128xf32, #tpu.memory_space<vmem>>) attributes {dimension_semantics = [#tpu.dimension_semantics<arbitrary>], iteration_bounds = array<i64: 2>, scalar_prefetch = 0 : i64, scratch_operands = 0 : i64, tpu.core_type = #tpu.core_type<tc>, window_params = [{transform_indices = @transform_0, window_bounds = array<i64: 2, 5000, 128>}, {transform_indices = @transform_1, window_bounds = array<i64: 5000, 1>}, {transform_indices = @transform_2, window_bounds = array<i64: 5000, 128>}, {pipeline_mode = #tpu.pipeline_mode<synchronous>, transform_indices = @transform_3, window_bounds = array<i64: 128, 128>}, {pipeline_mode = #tpu.pipeline_mode<synchronous>, transform_indices = @transform_4, window_bounds = array<i64: 128, 128>}, {pipeline_mode = #tpu.pipeline_mode<synchronous>, transform_indices = @transform_5, window_bounds = array<i64: 1, 128>}, {transform_indices = @transform_6, window_bounds = array<i64: 5000, 128>}, {transform_indices = @transform_7, window_bounds = array<i64: 5000, 128>}]} {
    %get3A = arith.constant 0 : index
    %get3A_0 = arith.constant 0 : index
    %get3A_1 = vector.load %arg2[%get3A, %get3A_0] : memref<5000x1xf32, #tpu.memory_space<vmem>>, vector<5000x1xf32>
    %max3A = arith.constant 1.000000e+00 : f32
    %max3A_2 = vector.broadcast %max3A : f32 to vector<5000x1xf32>
    %max3A_3 = arith.maximumf %get3A_1, %max3A_2 : vector<5000x1xf32>
    %div3A = arith.constant 1.000000e+00 : f32
    %div3A_4 = vector.broadcast %div3A : f32 to vector<5000x1xf32>
    %div3A_5 = arith.divf %div3A_4, %max3A_3 : vector<5000x1xf32>
    %broadcast_in_dim3A = vector.shape_cast %div3A_5 : vector<5000x1xf32> to vector<5000x1xf32>
    %broadcast_in_dim3A_6 = vector.broadcast %broadcast_in_dim3A : vector<5000x1xf32> to vector<5000x128xf32>
    %swap3A = arith.constant 0 : index
    %swap3A_7 = arith.constant 0 : index
    %swap3A_8 = vector.load %arg8[%swap3A, %swap3A_7] : memref<5000x128xf32, #tpu.memory_space<vmem>>, vector<5000x128xf32>
    tpu.vector_store %arg8[%swap3A, %swap3A_7], %broadcast_in_dim3A_6 {strides = array<i32>} : memref<5000x128xf32, #tpu.memory_space<vmem>>, vector<5000x128xf32>,
    %get3A_9 = arith.constant 0 : index
    %get3A_10 = arith.constant 0 : index
    %get3A_11 = arith.constant 0 : index
    %get3A_12 = vector.load %arg1[%get3A_9, %get3A_10, %get3A_11] : memref<2x5000x128xf32, #tpu.memory_space<vmem>>, vector<1x5000x128xf32>
    %get3A_13 = vector.shape_cast %get3A_12 : vector<1x5000x128xf32> to vector<5000x128xf32>
    %get3A_14 = arith.constant 1 : index
    %get3A_15 = arith.constant 0 : index
    %get3A_16 = arith.constant 0 : index
    %get3A_17 = vector.load %arg1[%get3A_14, %get3A_15, %get3A_16] : memref<2x5000x128xf32, #tpu.memory_space<vmem>>, vector<1x5000x128xf32>
    %get3A_18 = vector.shape_cast %get3A_17 : vector<1x5000x128xf32> to vector<5000x128xf32>
    %add3A = arith.addf %get3A_13, %get3A_18 : vector<5000x128xf32>
    %mul3A = vector.broadcast %div3A_5 : vector<5000x1xf32> to vector<5000x128xf32>
    %mul3A_19 = arith.mulf %add3A, %mul3A : vector<5000x128xf32>
    %get3A_20 = arith.constant 0 : index
    %get3A_21 = arith.constant 0 : index
    %get3A_22 = vector.load %arg4[%get3A_20, %get3A_21] : memref<128x128xf32, #tpu.memory_space<vmem>>, vector<128x128xf32>
    %dot_general3A = arith.constant dense<0.000000e+00> : vector<5000x128xf32>
    %dot_general3A_23 = tpu.matmul %mul3A_19, %get3A_22, %dot_general3A {dimension_numbers = #tpu.dot_dimension_numbers<[1], [0], [0], [1], [0, 0, 1, 1], [], []>, transpose_lhs_hint = false} : vector<5000x128xf32>, vector<128x128xf32>, vector<5000x128xf32> -> vector<5000x128xf32>
    %get3A_24 = arith.constant 0 : index
    %get3A_25 = arith.constant 0 : index
    %get3A_26 = vector.load %arg3[%get3A_24, %get3A_25] : memref<5000x128xf32, #tpu.memory_space<vmem>>, vector<5000x128xf32>
    %get3A_27 = arith.constant 0 : index
    %get3A_28 = arith.constant 0 : index
    %get3A_29 = vector.load %arg5[%get3A_27, %get3A_28] : memref<128x128xf32, #tpu.memory_space<vmem>>, vector<128x128xf32>
    %dot_general3A_30 = arith.constant dense<0.000000e+00> : vector<5000x128xf32>
    %dot_general3A_31 = tpu.matmul %get3A_26, %get3A_29, %dot_general3A_30 {dimension_numbers = #tpu.dot_dimension_numbers<[1], [0], [0], [1], [0, 0, 1, 1], [], []>, transpose_lhs_hint = false} : vector<5000x128xf32>, vector<128x128xf32>, vector<5000x128xf32> -> vector<5000x128xf32>
    %add3A_32 = arith.addf %dot_general3A_23, %dot_general3A_31 : vector<5000x128xf32>
    %get3A_33 = arith.constant 0 : index
    %get3A_34 = arith.constant 0 : index
    %get3A_35 = vector.load %arg6[%get3A_33, %get3A_34] : memref<1x128xf32, #tpu.memory_space<vmem>>, vector<1x128xf32>
    %add3A_36 = vector.broadcast %get3A_35 : vector<1x128xf32> to vector<5000x128xf32>
    %add3A_37 = arith.addf %add3A_32, %add3A_36 : vector<5000x128xf32>
    %max3A_38 = arith.constant 0.000000e+00 : f32
    %max3A_39 = vector.broadcast %max3A_38 : f32 to vector<5000x128xf32>
    %max3A_40 = arith.maximumf %add3A_37, %max3A_39 : vector<5000x128xf32>
    %swap3A_41 = arith.constant 0 : index
    %swap3A_42 = arith.constant 0 : index
    %swap3A_43 = vector.load %arg7[%swap3A_41, %swap3A_42] : memref<5000x128xf32, #tpu.memory_space<vmem>>, vector<5000x128xf32>
    tpu.vector_store %arg7[%swap3A_41, %swap3A_42], %max3A_40 {strides = array<i32>} : memref<5000x128xf32, #tpu.memory_space<vmem>>, vector<5000x128xf32>,
    return
  }
  func.func @transform_0(%arg0: i32) -> (i32, i32, i32) {
    %c0_i32 = arith.constant 0 : i32
    %c0_i32_0 = arith.constant 0 : i32
    %c0_i32_1 = arith.constant 0 : i32
    return %c0_i32, %arg0, %c0_i32_0 : i32, i32, i32
  }
  func.func @transform_1(%arg0: i32) -> (i32, i32) {
    %c0_i32 = arith.constant 0 : i32
    %c0_i32_0 = arith.constant 0 : i32
    return %arg0, %c0_i32 : i32, i32
  }
  func.func @transform_2(%arg0: i32) -> (i32, i32) {
    %c0_i32 = arith.constant 0 : i32
    %c0_i32_0 = arith.constant 0 : i32
    return %arg0, %c0_i32 : i32, i32
  }
  func.func @transform_3(%arg0: i32) -> (i32, i32) {
    %c0_i32 = arith.constant 0 : i32
    %c0_i32_0 = arith.constant 0 : i32
    %c0_i32_1 = arith.constant 0 : i32
    return %c0_i32, %c0_i32_0 : i32, i32
  }
  func.func @transform_4(%arg0: i32) -> (i32, i32) {
    %c0_i32 = arith.constant 0 : i32
    %c0_i32_0 = arith.constant 0 : i32
    %c0_i32_1 = arith.constant 0 : i32
    return %c0_i32, %c0_i32_0 : i32, i32
  }
  func.func @transform_5(%arg0: i32) -> (i32, i32) {
    %c0_i32 = arith.constant 0 : i32
    %c0_i32_0 = arith.constant 0 : i32
    %c0_i32_1 = arith.constant 0 : i32
    return %c0_i32, %c0_i32_0 : i32, i32
  }
  func.func @transform_6(%arg0: i32) -> (i32, i32) {
    %c0_i32 = arith.constant 0 : i32
    %c0_i32_0 = arith.constant 0 : i32
    return %arg0, %c0_i32 : i32, i32
  }
  func.func @transform_7(%arg0: i32) -> (i32, i32) {
    %c0_i32 = arith.constant 0 : i32
    %c0_i32_0 = arith.constant 0 : i32
    return %arg0, %c0_i32 : i32, i32
  }
}

module attributes {stable_mosaic.version = 14 : i64} {
  func.func @body(%arg0: i32, %arg1: memref<2x5000x128xf32, #tpu.memory_space<vmem>>, %arg2: memref<5000x128xf32, #tpu.memory_space<vmem>>, %arg3: memref<5000x128xf32, #tpu.memory_space<vmem>>, %arg4: memref<128x128xf32, #tpu.memory_space<vmem>>, %arg5: memref<128x128xf32, #tpu.memory_space<vmem>>, %arg6: memref<1x128xf32, #tpu.memory_space<vmem>>, %arg7: memref<5000x128xf32, #tpu.memory_space<vmem>>) attributes {dimension_semantics = [#tpu.dimension_semantics<arbitrary>], iteration_bounds = array<i64: 2>, scalar_prefetch = 0 : i64, scratch_operands = 0 : i64, tpu.core_type = #tpu.core_type<tc>, window_params = [{transform_indices = @transform_0, window_bounds = array<i64: 2, 5000, 128>}, {transform_indices = @transform_1, window_bounds = array<i64: 5000, 128>}, {transform_indices = @transform_2, window_bounds = array<i64: 5000, 128>}, {pipeline_mode = #tpu.pipeline_mode<synchronous>, transform_indices = @transform_3, window_bounds = array<i64: 128, 128>}, {pipeline_mode = #tpu.pipeline_mode<synchronous>, transform_indices = @transform_4, window_bounds = array<i64: 128, 128>}, {pipeline_mode = #tpu.pipeline_mode<synchronous>, transform_indices = @transform_5, window_bounds = array<i64: 1, 128>}, {transform_indices = @transform_6, window_bounds = array<i64: 5000, 128>}]} {
    %get3A = arith.constant 0 : index
    %get3A_0 = arith.constant 0 : index
    %get3A_1 = arith.constant 0 : index
    %get3A_2 = vector.load %arg1[%get3A, %get3A_0, %get3A_1] : memref<2x5000x128xf32, #tpu.memory_space<vmem>>, vector<1x5000x128xf32>
    %get3A_3 = vector.shape_cast %get3A_2 : vector<1x5000x128xf32> to vector<5000x128xf32>
    %get3A_4 = arith.constant 1 : index
    %get3A_5 = arith.constant 0 : index
    %get3A_6 = arith.constant 0 : index
    %get3A_7 = vector.load %arg1[%get3A_4, %get3A_5, %get3A_6] : memref<2x5000x128xf32, #tpu.memory_space<vmem>>, vector<1x5000x128xf32>
    %get3A_8 = vector.shape_cast %get3A_7 : vector<1x5000x128xf32> to vector<5000x128xf32>
    %add3A = arith.addf %get3A_3, %get3A_8 : vector<5000x128xf32>
    %get3A_9 = arith.constant 0 : index
    %get3A_10 = arith.constant 0 : index
    %get3A_11 = vector.load %arg2[%get3A_9, %get3A_10] : memref<5000x128xf32, #tpu.memory_space<vmem>>, vector<5000x1xf32>
    %mul3A = vector.broadcast %get3A_11 : vector<5000x1xf32> to vector<5000x128xf32>
    %mul3A_12 = arith.mulf %add3A, %mul3A : vector<5000x128xf32>
    %get3A_13 = arith.constant 0 : index
    %get3A_14 = arith.constant 0 : index
    %get3A_15 = vector.load %arg4[%get3A_13, %get3A_14] : memref<128x128xf32, #tpu.memory_space<vmem>>, vector<128x128xf32>
    %dot_general3A = arith.constant dense<0.000000e+00> : vector<5000x128xf32>
    %dot_general3A_16 = tpu.matmul %mul3A_12, %get3A_15, %dot_general3A {dimension_numbers = #tpu.dot_dimension_numbers<[1], [0], [0], [1], [0, 0, 1, 1], [], []>, transpose_lhs_hint = false} : vector<5000x128xf32>, vector<128x128xf32>, vector<5000x128xf32> -> vector<5000x128xf32>
    %get3A_17 = arith.constant 0 : index
    %get3A_18 = arith.constant 0 : index
    %get3A_19 = vector.load %arg3[%get3A_17, %get3A_18] : memref<5000x128xf32, #tpu.memory_space<vmem>>, vector<5000x128xf32>
    %get3A_20 = arith.constant 0 : index
    %get3A_21 = arith.constant 0 : index
    %get3A_22 = vector.load %arg5[%get3A_20, %get3A_21] : memref<128x128xf32, #tpu.memory_space<vmem>>, vector<128x128xf32>
    %dot_general3A_23 = arith.constant dense<0.000000e+00> : vector<5000x128xf32>
    %dot_general3A_24 = tpu.matmul %get3A_19, %get3A_22, %dot_general3A_23 {dimension_numbers = #tpu.dot_dimension_numbers<[1], [0], [0], [1], [0, 0, 1, 1], [], []>, transpose_lhs_hint = false} : vector<5000x128xf32>, vector<128x128xf32>, vector<5000x128xf32> -> vector<5000x128xf32>
    %add3A_25 = arith.addf %dot_general3A_16, %dot_general3A_24 : vector<5000x128xf32>
    %get3A_26 = arith.constant 0 : index
    %get3A_27 = arith.constant 0 : index
    %get3A_28 = vector.load %arg6[%get3A_26, %get3A_27] : memref<1x128xf32, #tpu.memory_space<vmem>>, vector<1x128xf32>
    %add3A_29 = vector.broadcast %get3A_28 : vector<1x128xf32> to vector<5000x128xf32>
    %add3A_30 = arith.addf %add3A_25, %add3A_29 : vector<5000x128xf32>
    %max3A = arith.constant 0.000000e+00 : f32
    %max3A_31 = vector.broadcast %max3A : f32 to vector<5000x128xf32>
    %max3A_32 = arith.maximumf %add3A_30, %max3A_31 : vector<5000x128xf32>
    %swap3A = arith.constant 0 : index
    %swap3A_33 = arith.constant 0 : index
    %swap3A_34 = vector.load %arg7[%swap3A, %swap3A_33] : memref<5000x128xf32, #tpu.memory_space<vmem>>, vector<5000x128xf32>
    tpu.vector_store %arg7[%swap3A, %swap3A_33], %max3A_32 {strides = array<i32>} : memref<5000x128xf32, #tpu.memory_space<vmem>>, vector<5000x128xf32>,
    return
  }
  func.func @transform_0(%arg0: i32) -> (i32, i32, i32) {
    %c0_i32 = arith.constant 0 : i32
    %c0_i32_0 = arith.constant 0 : i32
    %c0_i32_1 = arith.constant 0 : i32
    return %c0_i32, %arg0, %c0_i32_0 : i32, i32, i32
  }
  func.func @transform_1(%arg0: i32) -> (i32, i32) {
    %c0_i32 = arith.constant 0 : i32
    %c0_i32_0 = arith.constant 0 : i32
    return %arg0, %c0_i32 : i32, i32
  }
  func.func @transform_2(%arg0: i32) -> (i32, i32) {
    %c0_i32 = arith.constant 0 : i32
    %c0_i32_0 = arith.constant 0 : i32
    return %arg0, %c0_i32 : i32, i32
  }
  func.func @transform_3(%arg0: i32) -> (i32, i32) {
    %c0_i32 = arith.constant 0 : i32
    %c0_i32_0 = arith.constant 0 : i32
    %c0_i32_1 = arith.constant 0 : i32
    return %c0_i32, %c0_i32_0 : i32, i32
  }
  func.func @transform_4(%arg0: i32) -> (i32, i32) {
    %c0_i32 = arith.constant 0 : i32
    %c0_i32_0 = arith.constant 0 : i32
    %c0_i32_1 = arith.constant 0 : i32
    return %c0_i32, %c0_i32_0 : i32, i32
  }
  func.func @transform_5(%arg0: i32) -> (i32, i32) {
    %c0_i32 = arith.constant 0 : i32
    %c0_i32_0 = arith.constant 0 : i32
    %c0_i32_1 = arith.constant 0 : i32
    return %c0_i32, %c0_i32_0 : i32, i32
  }
  func.func @transform_6(%arg0: i32) -> (i32, i32) {
    %c0_i32 = arith.constant 0 : i32
    %c0_i32_0 = arith.constant 0 : i32
    return %arg0, %c0_i32 : i32, i32
  }
}

module attributes {stable_mosaic.version = 14 : i64} {
  func.func @body(%arg0: i32, %arg1: memref<2x5000x128xf32, #tpu.memory_space<vmem>>, %arg2: memref<5000x128xf32, #tpu.memory_space<vmem>>, %arg3: memref<5000x128xf32, #tpu.memory_space<vmem>>, %arg4: memref<128x128xf32, #tpu.memory_space<vmem>>, %arg5: memref<128x128xf32, #tpu.memory_space<vmem>>, %arg6: memref<1x128xf32, #tpu.memory_space<vmem>>, %arg7: memref<5000x1xi32, #tpu.memory_space<vmem>>, %arg8: memref<128x128xf32, #tpu.memory_space<vmem>>, %arg9: memref<1x128xf32, #tpu.memory_space<vmem>>, %arg10: memref<128x16xf32, #tpu.memory_space<vmem>>, %arg11: memref<1x16xf32, #tpu.memory_space<vmem>>, %arg12: memref<64x16xf32, #tpu.memory_space<vmem>>, %arg13: memref<64x128xf32, #tpu.memory_space<vmem>>, %arg14: memref<64x1xf32, #tpu.memory_space<vmem>>) attributes {dimension_semantics = [#tpu.dimension_semantics<arbitrary>], iteration_bounds = array<i64: 2>, scalar_prefetch = 0 : i64, scratch_operands = 2 : i64, tpu.core_type = #tpu.core_type<tc>, window_params = [{transform_indices = @transform_0, window_bounds = array<i64: 2, 5000, 128>}, {transform_indices = @transform_1, window_bounds = array<i64: 5000, 128>}, {transform_indices = @transform_2, window_bounds = array<i64: 5000, 128>}, {pipeline_mode = #tpu.pipeline_mode<synchronous>, transform_indices = @transform_3, window_bounds = array<i64: 128, 128>}, {pipeline_mode = #tpu.pipeline_mode<synchronous>, transform_indices = @transform_4, window_bounds = array<i64: 128, 128>}, {pipeline_mode = #tpu.pipeline_mode<synchronous>, transform_indices = @transform_5, window_bounds = array<i64: 1, 128>}, {transform_indices = @transform_6, window_bounds = array<i64: 5000, 1>}, {pipeline_mode = #tpu.pipeline_mode<synchronous>, transform_indices = @transform_7, window_bounds = array<i64: 128, 128>}, {pipeline_mode = #tpu.pipeline_mode<synchronous>, transform_indices = @transform_8, window_bounds = array<i64: 1, 128>}, {pipeline_mode = #tpu.pipeline_mode<synchronous>, transform_indices = @transform_9, window_bounds = array<i64: 128, 16>}, {pipeline_mode = #tpu.pipeline_mode<synchronous>, transform_indices = @transform_10, window_bounds = array<i64: 1, 16>}, {pipeline_mode = #tpu.pipeline_mode<synchronous>, transform_indices = @transform_11, window_bounds = array<i64: 64, 16>}]} {
    %eq3A = arith.constant 0 : i32
    %eq3A_0 = arith.cmpi eq, %arg0, %eq3A : i32
    %convert_element_type3A = arith.extui %eq3A_0 : i1 to i32
    %cond3A = arith.constant 0 : i32
    %cond3A_1 = arith.cmpi ne, %convert_element_type3A, %cond3A : i32
    scf.if %cond3A_1 {
      %broadcast_in_dim3A_64 = arith.constant 0.000000e+00 : f32
      %broadcast_in_dim3A_65 = vector.broadcast %broadcast_in_dim3A_64 : f32 to vector<64x128xf32>
      %swap3A_66 = arith.constant 0 : index
      %swap3A_67 = arith.constant 0 : index
      %swap3A_68 = vector.load %arg13[%swap3A_66, %swap3A_67] : memref<64x128xf32, #tpu.memory_space<vmem>>, vector<64x128xf32>
      tpu.vector_store %arg13[%swap3A_66, %swap3A_67], %broadcast_in_dim3A_65 {strides = array<i32>} : memref<64x128xf32, #tpu.memory_space<vmem>>, vector<64x128xf32>,
      %broadcast_in_dim3A_69 = arith.constant 0.000000e+00 : f32
      %broadcast_in_dim3A_70 = vector.broadcast %broadcast_in_dim3A_69 : f32 to vector<64x1xf32>
      %swap3A_71 = arith.constant 0 : index
      %swap3A_72 = arith.constant 0 : index
      %swap3A_73 = vector.load %arg14[%swap3A_71, %swap3A_72] : memref<64x1xf32, #tpu.memory_space<vmem>>, vector<64x1xf32>
      tpu.vector_store %arg14[%swap3A_71, %swap3A_72], %broadcast_in_dim3A_70 {strides = array<i32>} : memref<64x1xf32, #tpu.memory_space<vmem>>, vector<64x1xf32>,
    } else {
    }
    %get3A = arith.constant 0 : index
    %get3A_2 = arith.constant 0 : index
    %get3A_3 = arith.constant 0 : index
    %get3A_4 = vector.load %arg1[%get3A, %get3A_2, %get3A_3] : memref<2x5000x128xf32, #tpu.memory_space<vmem>>, vector<1x5000x128xf32>
    %get3A_5 = vector.shape_cast %get3A_4 : vector<1x5000x128xf32> to vector<5000x128xf32>
    %get3A_6 = arith.constant 1 : index
    %get3A_7 = arith.constant 0 : index
    %get3A_8 = arith.constant 0 : index
    %get3A_9 = vector.load %arg1[%get3A_6, %get3A_7, %get3A_8] : memref<2x5000x128xf32, #tpu.memory_space<vmem>>, vector<1x5000x128xf32>
    %get3A_10 = vector.shape_cast %get3A_9 : vector<1x5000x128xf32> to vector<5000x128xf32>
    %add3A = arith.addf %get3A_5, %get3A_10 : vector<5000x128xf32>
    %get3A_11 = arith.constant 0 : index
    %get3A_12 = arith.constant 0 : index
    %get3A_13 = vector.load %arg2[%get3A_11, %get3A_12] : memref<5000x128xf32, #tpu.memory_space<vmem>>, vector<5000x1xf32>
    %mul3A = vector.broadcast %get3A_13 : vector<5000x1xf32> to vector<5000x128xf32>
    %mul3A_14 = arith.mulf %add3A, %mul3A : vector<5000x128xf32>
    %get3A_15 = arith.constant 0 : index
    %get3A_16 = arith.constant 0 : index
    %get3A_17 = vector.load %arg4[%get3A_15, %get3A_16] : memref<128x128xf32, #tpu.memory_space<vmem>>, vector<128x128xf32>
    %dot_general3A = arith.constant dense<0.000000e+00> : vector<5000x128xf32>
    %dot_general3A_18 = tpu.matmul %mul3A_14, %get3A_17, %dot_general3A {dimension_numbers = #tpu.dot_dimension_numbers<[1], [0], [0], [1], [0, 0, 1, 1], [], []>, transpose_lhs_hint = false} : vector<5000x128xf32>, vector<128x128xf32>, vector<5000x128xf32> -> vector<5000x128xf32>
    %get3A_19 = arith.constant 0 : index
    %get3A_20 = arith.constant 0 : index
    %get3A_21 = vector.load %arg3[%get3A_19, %get3A_20] : memref<5000x128xf32, #tpu.memory_space<vmem>>, vector<5000x128xf32>
    %get3A_22 = arith.constant 0 : index
    %get3A_23 = arith.constant 0 : index
    %get3A_24 = vector.load %arg5[%get3A_22, %get3A_23] : memref<128x128xf32, #tpu.memory_space<vmem>>, vector<128x128xf32>
    %dot_general3A_25 = arith.constant dense<0.000000e+00> : vector<5000x128xf32>
    %dot_general3A_26 = tpu.matmul %get3A_21, %get3A_24, %dot_general3A_25 {dimension_numbers = #tpu.dot_dimension_numbers<[1], [0], [0], [1], [0, 0, 1, 1], [], []>, transpose_lhs_hint = false} : vector<5000x128xf32>, vector<128x128xf32>, vector<5000x128xf32> -> vector<5000x128xf32>
    %add3A_27 = arith.addf %dot_general3A_18, %dot_general3A_26 : vector<5000x128xf32>
    %get3A_28 = arith.constant 0 : index
    %get3A_29 = arith.constant 0 : index
    %get3A_30 = vector.load %arg6[%get3A_28, %get3A_29] : memref<1x128xf32, #tpu.memory_space<vmem>>, vector<1x128xf32>
    %add3A_31 = vector.broadcast %get3A_30 : vector<1x128xf32> to vector<5000x128xf32>
    %add3A_32 = arith.addf %add3A_27, %add3A_31 : vector<5000x128xf32>
    %max3A = arith.constant 0.000000e+00 : f32
    %max3A_33 = vector.broadcast %max3A : f32 to vector<5000x128xf32>
    %max3A_34 = arith.maximumf %add3A_32, %max3A_33 : vector<5000x128xf32>
    %get3A_35 = arith.constant 0 : index
    %get3A_36 = arith.constant 0 : index
    %get3A_37 = vector.load %arg7[%get3A_35, %get3A_36] : memref<5000x1xi32, #tpu.memory_space<vmem>>, vector<5000x1xi32>
    %squeeze3A = vector.shape_cast %get3A_37 : vector<5000x1xi32> to vector<5000xi32>
    %iota3A = tpu.iota {dimensions = array<i32: 0>} : vector<64x5000xi32>
    %broadcast_in_dim3A = vector.shape_cast %squeeze3A : vector<5000xi32> to vector<1x5000xi32>
    %eq3A_38 = vector.broadcast %broadcast_in_dim3A : vector<1x5000xi32> to vector<64x5000xi32>
    %eq3A_39 = arith.cmpi eq, %iota3A, %eq3A_38 : vector<64x5000xi32>
    %convert_element_type3A_40 = arith.extui %eq3A_39 : vector<64x5000xi1> to vector<64x5000xi32>
    %convert_element_type3A_41 = arith.sitofp %convert_element_type3A_40 : vector<64x5000xi32> to vector<64x5000xf32>
    %get3A_42 = arith.constant 0 : index
    %get3A_43 = arith.constant 0 : index
    %get3A_44 = vector.load %arg13[%get3A_42, %get3A_43] : memref<64x128xf32, #tpu.memory_space<vmem>>, vector<64x128xf32>
    %dot_general3A_45 = arith.constant dense<0.000000e+00> : vector<64x128xf32>
    %dot_general3A_46 = tpu.matmul %convert_element_type3A_41, %max3A_34, %dot_general3A_45 {dimension_numbers = #tpu.dot_dimension_numbers<[1], [0], [0], [1], [0, 0, 1, 1], [], []>, transpose_lhs_hint = false} : vector<64x5000xf32>, vector<5000x128xf32>, vector<64x128xf32> -> vector<64x128xf32>
    %add3A_47 = arith.addf %get3A_44, %dot_general3A_46 : vector<64x128xf32>
    %swap3A = arith.constant 0 : index
    %swap3A_48 = arith.constant 0 : index
    %swap3A_49 = vector.load %arg13[%swap3A, %swap3A_48] : memref<64x128xf32, #tpu.memory_space<vmem>>, vector<64x128xf32>
    tpu.vector_store %arg13[%swap3A, %swap3A_48], %add3A_47 {strides = array<i32>} : memref<64x128xf32, #tpu.memory_space<vmem>>, vector<64x128xf32>,
    %get3A_50 = arith.constant 0 : index
    %get3A_51 = arith.constant 0 : index
    %get3A_52 = vector.load %arg14[%get3A_50, %get3A_51] : memref<64x1xf32, #tpu.memory_space<vmem>>, vector<64x1xf32>
    %reduce_sum3A = arith.constant dense<0.000000e+00> : vector<64xf32>
    %reduce_sum3A_53 = vector.multi_reduction <add>, %convert_element_type3A_41, %reduce_sum3A [1] : vector<64x5000xf32> to vector<64xf32>
    %broadcast_in_dim3A_54 = vector.shape_cast %reduce_sum3A_53 : vector<64xf32> to vector<64x1xf32>
    %add3A_55 = arith.addf %get3A_52, %broadcast_in_dim3A_54 : vector<64x1xf32>
    %swap3A_56 = arith.constant 0 : index
    %swap3A_57 = arith.constant 0 : index
    %swap3A_58 = vector.load %arg14[%swap3A_56, %swap3A_57] : memref<64x1xf32, #tpu.memory_space<vmem>>, vector<64x1xf32>
    tpu.vector_store %arg14[%swap3A_56, %swap3A_57], %add3A_55 {strides = array<i32>} : memref<64x1xf32, #tpu.memory_space<vmem>>, vector<64x1xf32>,
    %eq3A_59 = arith.constant 1 : i32
    %eq3A_60 = arith.cmpi eq, %arg0, %eq3A_59 : i32
    %convert_element_type3A_61 = arith.extui %eq3A_60 : i1 to i32
    %cond3A_62 = arith.constant 0 : i32
    %cond3A_63 = arith.cmpi ne, %convert_element_type3A_61, %cond3A_62 : i32
    scf.if %cond3A_63 {
      %get3A_64 = arith.constant 0 : index
      %get3A_65 = arith.constant 0 : index
      %get3A_66 = vector.load %arg13[%get3A_64, %get3A_65] : memref<64x128xf32, #tpu.memory_space<vmem>>, vector<64x128xf32>
      %get3A_67 = arith.constant 0 : index
      %get3A_68 = arith.constant 0 : index
      %get3A_69 = vector.load %arg14[%get3A_67, %get3A_68] : memref<64x1xf32, #tpu.memory_space<vmem>>, vector<64x1xf32>
      %max3A_70 = arith.constant 1.000000e+00 : f32
      %max3A_71 = vector.broadcast %max3A_70 : f32 to vector<64x1xf32>
      %max3A_72 = arith.maximumf %get3A_69, %max3A_71 : vector<64x1xf32>
      %div3A = vector.broadcast %max3A_72 : vector<64x1xf32> to vector<64x128xf32>
      %div3A_73 = arith.divf %get3A_66, %div3A : vector<64x128xf32>
      %get3A_74 = arith.constant 0 : index
      %get3A_75 = arith.constant 0 : index
      %get3A_76 = vector.load %arg8[%get3A_74, %get3A_75] : memref<128x128xf32, #tpu.memory_space<vmem>>, vector<128x128xf32>
      %dot_general3A_77 = arith.constant dense<0.000000e+00> : vector<64x128xf32>
      %dot_general3A_78 = tpu.matmul %div3A_73, %get3A_76, %dot_general3A_77 {dimension_numbers = #tpu.dot_dimension_numbers<[1], [0], [0], [1], [0, 0, 1, 1], [], []>, transpose_lhs_hint = false} : vector<64x128xf32>, vector<128x128xf32>, vector<64x128xf32> -> vector<64x128xf32>
      %get3A_79 = arith.constant 0 : index
      %get3A_80 = arith.constant 0 : index
      %get3A_81 = vector.load %arg9[%get3A_79, %get3A_80] : memref<1x128xf32, #tpu.memory_space<vmem>>, vector<1x128xf32>
      %add3A_82 = vector.broadcast %get3A_81 : vector<1x128xf32> to vector<64x128xf32>
      %add3A_83 = arith.addf %dot_general3A_78, %add3A_82 : vector<64x128xf32>
      %max3A_84 = arith.constant 0.000000e+00 : f32
      %max3A_85 = vector.broadcast %max3A_84 : f32 to vector<64x128xf32>
      %max3A_86 = arith.maximumf %add3A_83, %max3A_85 : vector<64x128xf32>
      %get3A_87 = arith.constant 0 : index
      %get3A_88 = arith.constant 0 : index
      %get3A_89 = vector.load %arg10[%get3A_87, %get3A_88] : memref<128x16xf32, #tpu.memory_space<vmem>>, vector<128x16xf32>
      %dot_general3A_90 = arith.constant dense<0.000000e+00> : vector<64x16xf32>
      %dot_general3A_91 = tpu.matmul %max3A_86, %get3A_89, %dot_general3A_90 {dimension_numbers = #tpu.dot_dimension_numbers<[1], [0], [0], [1], [0, 0, 1, 1], [], []>, transpose_lhs_hint = false} : vector<64x128xf32>, vector<128x16xf32>, vector<64x16xf32> -> vector<64x16xf32>
      %get3A_92 = arith.constant 0 : index
      %get3A_93 = arith.constant 0 : index
      %get3A_94 = vector.load %arg11[%get3A_92, %get3A_93] : memref<1x16xf32, #tpu.memory_space<vmem>>, vector<1x16xf32>
      %add3A_95 = vector.broadcast %get3A_94 : vector<1x16xf32> to vector<64x16xf32>
      %add3A_96 = arith.addf %dot_general3A_91, %add3A_95 : vector<64x16xf32>
      %reduce_max3A = arith.constant dense<0xFF800000> : vector<64xf32>
      %reduce_max3A_97 = vector.multi_reduction <maximumf>, %add3A_96, %reduce_max3A [1] : vector<64x16xf32> to vector<64xf32>
      %broadcast_in_dim3A_98 = vector.shape_cast %reduce_max3A_97 : vector<64xf32> to vector<64x1xf32>
      %sub3A = vector.broadcast %broadcast_in_dim3A_98 : vector<64x1xf32> to vector<64x16xf32>
      %sub3A_99 = arith.subf %add3A_96, %sub3A : vector<64x16xf32>
      %exp3A = math.exp %sub3A_99 : vector<64x16xf32>
      %sub3A_100 = vector.broadcast %broadcast_in_dim3A_98 : vector<64x1xf32> to vector<64x16xf32>
      %sub3A_101 = arith.subf %add3A_96, %sub3A_100 : vector<64x16xf32>
      %reduce_sum3A_102 = arith.constant dense<0.000000e+00> : vector<64xf32>
      %reduce_sum3A_103 = vector.multi_reduction <add>, %exp3A, %reduce_sum3A_102 [1] : vector<64x16xf32> to vector<64xf32>
      %broadcast_in_dim3A_104 = vector.shape_cast %reduce_sum3A_103 : vector<64xf32> to vector<64x1xf32>
      %log3A = math.log %broadcast_in_dim3A_104 : vector<64x1xf32>
      %sub3A_105 = vector.broadcast %log3A : vector<64x1xf32> to vector<64x16xf32>
      %sub3A_106 = arith.subf %sub3A_101, %sub3A_105 : vector<64x16xf32>
      %swap3A_107 = arith.constant 0 : index
      %swap3A_108 = arith.constant 0 : index
      %swap3A_109 = vector.load %arg12[%swap3A_107, %swap3A_108] : memref<64x16xf32, #tpu.memory_space<vmem>>, vector<64x16xf32>
      tpu.vector_store %arg12[%swap3A_107, %swap3A_108], %sub3A_106 {strides = array<i32>} : memref<64x16xf32, #tpu.memory_space<vmem>>, vector<64x16xf32>,
    } else {
    }
    return
  }
  func.func @transform_0(%arg0: i32) -> (i32, i32, i32) {
    %c0_i32 = arith.constant 0 : i32
    %c0_i32_0 = arith.constant 0 : i32
    %c0_i32_1 = arith.constant 0 : i32
    return %c0_i32, %arg0, %c0_i32_0 : i32, i32, i32
  }
  func.func @transform_1(%arg0: i32) -> (i32, i32) {
    %c0_i32 = arith.constant 0 : i32
    %c0_i32_0 = arith.constant 0 : i32
    return %arg0, %c0_i32 : i32, i32
  }
  func.func @transform_2(%arg0: i32) -> (i32, i32) {
    %c0_i32 = arith.constant 0 : i32
    %c0_i32_0 = arith.constant 0 : i32
    return %arg0, %c0_i32 : i32, i32
  }
  func.func @transform_3(%arg0: i32) -> (i32, i32) {
    %c0_i32 = arith.constant 0 : i32
    %c0_i32_0 = arith.constant 0 : i32
    %c0_i32_1 = arith.constant 0 : i32
    return %c0_i32, %c0_i32_0 : i32, i32
  }
  func.func @transform_4(%arg0: i32) -> (i32, i32) {
    %c0_i32 = arith.constant 0 : i32
    %c0_i32_0 = arith.constant 0 : i32
    %c0_i32_1 = arith.constant 0 : i32
    return %c0_i32, %c0_i32_0 : i32, i32
  }
  func.func @transform_5(%arg0: i32) -> (i32, i32) {
    %c0_i32 = arith.constant 0 : i32
    %c0_i32_0 = arith.constant 0 : i32
    %c0_i32_1 = arith.constant 0 : i32
    return %c0_i32, %c0_i32_0 : i32, i32
  }
  func.func @transform_6(%arg0: i32) -> (i32, i32) {
    %c0_i32 = arith.constant 0 : i32
    %c0_i32_0 = arith.constant 0 : i32
    return %arg0, %c0_i32 : i32, i32
  }
  func.func @transform_7(%arg0: i32) -> (i32, i32) {
    %c0_i32 = arith.constant 0 : i32
    %c0_i32_0 = arith.constant 0 : i32
    %c0_i32_1 = arith.constant 0 : i32
    return %c0_i32, %c0_i32_0 : i32, i32
  }
  func.func @transform_8(%arg0: i32) -> (i32, i32) {
    %c0_i32 = arith.constant 0 : i32
    %c0_i32_0 = arith.constant 0 : i32
    %c0_i32_1 = arith.constant 0 : i32
    return %c0_i32, %c0_i32_0 : i32, i32
  }
  func.func @transform_9(%arg0: i32) -> (i32, i32) {
    %c0_i32 = arith.constant 0 : i32
    %c0_i32_0 = arith.constant 0 : i32
    %c0_i32_1 = arith.constant 0 : i32
    return %c0_i32, %c0_i32_0 : i32, i32
  }
  func.func @transform_10(%arg0: i32) -> (i32, i32) {
    %c0_i32 = arith.constant 0 : i32
    %c0_i32_0 = arith.constant 0 : i32
    %c0_i32_1 = arith.constant 0 : i32
    return %c0_i32, %c0_i32_0 : i32, i32
  }
  func.func @transform_11(%arg0: i32) -> (i32, i32) {
    %c0_i32 = arith.constant 0 : i32
    %c0_i32_0 = arith.constant 0 : i32
    %c0_i32_1 = arith.constant 0 : i32
    return %c0_i32, %c0_i32_0 : i32, i32
  }
}

</mosaic_0001>

<sc_bundles>
// kernel: kernel.12.cloned.1.call-start
scs
__scs_entry_jumppad:
0x0: {  	(pc) =	sbr.rel $0x88, $3  }
0x1: {  	(tag) =	ssettag $0x0;
	lr =	simm.s32 $0x1  }
0x2: {  	[smem:$0x3F91] =	sst lr;
	_ =	strace $0xD0000000  }
0x3: {  	_ = 	snop  }
0x4: {  	_ = 	snop  }
0x5: {  	_ = 	snop  }
0x6: {  	_ = 	snop  }
0x7: {  	_ = 	snop  }
__scs_overlays_trampoline_lowered:
0x8: {  	[smem:$0x3FA0] =	sst s0  }
0x9: {  	[smem:$0x3FA1] =	sst s1  }
0xa: {  	[smem:$0x3FA2] =	sst s2  }
0xb: {  	[smem:$0x3FA3] =	sst s3  }
0xc: {  	[smem:$0x3FA4] =	sst s4  }
0xd: {  	[smem:$0x3FA5] =	sst s5  }
0xe: {  	[smem:$0x3FA6] =	sst s6  }
0xf: {  	[smem:$0x3FA7] =	sst s7  }
0x10: {  	[smem:$0x3FA8] =	sst s8  }
0x11: {  	[smem:$0x3FA9] =	sst s9;
	s0 =	simm.s32 @!p0 $0x0  }
0x12: {  	s1 =	sld [smem:$0x3F8F];
	s0 =	simm.s32 @p0 $0x1  }
0x13: {  	[smem:$0x3FAA] =	sst s0;
	s0 =	simm.s32 @!p1 $0x0  }
0x14: {  	s2 =	sld [smem:$0x3F8E];
	s0 =	simm.s32 @p1 $0x1  }
0x15: {  	[smem:$0x3FAB] =	sst s0;
	s0 =	simm.s32 @!p2 $0x0  }
0x16: {  	s3 =	sld [smem:$0x3FDB];
	s0 =	simm.s32 @p2 $0x1  }
0x17: {  	s4 =	simm.s32 $0x1BF5;
	[smem:$0x3FAD] =	sst s0  }
0x18: {  	s0 =	sld [smem:$0x3F90];
	_ =	swait.ge [sflag:s4], $0x0  }
0x19: {  	s7 =	sld [smem:$0x3F91]  }
0x1a: {  	s8 =	sadd.s32 $0xFFFFE003, lr  }
0x1b: {  	s9 =	sadd.s32 $0xFFFFFEF7, lr;
	s5 =	simm.s32 $0xFFFFFFFF;
	p2 =	slt.u32 s8, $0xFFFFF086  }
0x1c: {  	p1 =	slt.u32 s9, $0xF7A;
	s5 =	simm.s32 @!p2 $0x0  }
0x1d: {  	s5 =	simm.s32 @p1 $0x1;
	p0 =	seq.s32 s7, s2  }
0x1e: {  	s7 =	smul.u32 @!p0 $0xF7A, s2;
	p2 =	seq.s32 @!p0 s5, $0x0  }
0x1f: {  	s9 =	smul.u32 $0xF7A, s1;
	s8 =	simm.s32 @!p0 $0x1BF5;
	p2 =	por !p2, p0  }
0x20: {  	[sflag:s8] =	ssyncset.s32 @!p0 $0xFFFFF086;
	s6 =	sadd.s32 @!p0 s3, s7;
	s7 =	simm.s32 @!p0 $0x108  }
0x21: {  	s3 =	sadd.s32 s3, s9;
	s6 =	sadd.s32 @!p0 $0x88, s6;
	s7 =	simm.s32 @p2 $0x1082  }
0x22: {  	[simem:s7], [sflag:s8] =	dma.local @!p0 [hbm:s6], $0xF7A  }
0x23: {  	s9 =	sor.u32 $0xD0000000, s2;
	s6 =	simm.s32 $0x108;
	_ =	swait.ge @!p0 [sflag:s8], $0x0  }
0x24: {  	s3 =	sadd.s32 $0x88, s3;
	s6 =	simm.s32 @!p1 $0x1082;
	[sflag:s4] =	ssyncset.s32 $0xFFFFF086  }
0x25: {  	[simem:s6], [sflag:s4] =	dma.local [hbm:s3], $0xF7A  }
0x26: {  	[smem:$0x3F91] =	sst s1;
	(tag) =	ssettag s2;
	_ =	strace s9  }
0x27: {  	s1 =	sld [smem:$0x3FA1]  }
0x28: {  	s2 =	sld [smem:$0x3FA2]  }
0x29: {  	s4 =	sld [smem:$0x3FA4]  }
0x2a: {  	p0 =	seq.s32 s5, $0x0;
	s5 =	sld [smem:$0x3FA5]  }
0x2b: {  	s6 =	sld [smem:$0x3FA6]  }
0x2c: {  	s7 =	sld [smem:$0x3FA7]  }
0x2d: {  	s3 =	simm.s32 $0x108;
	s8 =	sld [smem:$0x3FA8]  }
0x2e: {  	s3 =	simm.s32 @!p0 $0x1082;
	s9 =	sld [smem:$0x3FA9]  }
0x2f: {  	lr =	sadd.s32 s0, s3;
	s0 =	sld [smem:$0x3FA0]  }
0x30: {  	s3 =	sld [smem:$0x3FA3]  }
0x31: {  	[smem:$0x3FAC] =	sst s10  }
0x32: {  	s10 =	sld [smem:$0x3FAA];
	_ =	sdelay $0x3  }
0x33: {  	p0 =	seq.s32 s10, $0x1;
	s10 =	sld [smem:$0x3FAC];
	_ =	sdelay $0x3  }
0x34: {  	[smem:$0x3FAC] =	sst s10  }
0x35: {  	s10 =	sld [smem:$0x3FAB];
	_ =	sdelay $0x3  }
0x36: {  	p1 =	seq.s32 s10, $0x1;
	s10 =	sld [smem:$0x3FAC];
	_ =	sdelay $0x3  }
0x37: {  	[smem:$0x3FAC] =	sst s10  }
0x38: {  	s10 =	sld [smem:$0x3FAD]  }
0x39: {  	_ = 	snop;
	(pc) =	sbr.ind lr, $3  }
0x3a: {  	_ = 	snop  }
0x3b: {  	_ = 	snop  }
0x3c: {  	p2 =	seq.s32 s10, $0x1;
	s10 =	sld [smem:$0x3FAC]  }
0x3d: {  	_ =	shalt  }
0x3e: {  	_ =	shalt  }
0x3f: {  	_ =	shalt  }
0x40: {  	_ =	shalt  }
0x41: {  	_ =	shalt  }
0x42: {  	_ =	shalt  }
0x43: {  	_ =	shalt  }
0x44: {  	_ =	shalt  }
0x45: {  	_ =	shalt  }
0x46: {  	_ =	shalt  }
0x47: {  	_ =	shalt  }
0x48: {  	_ =	shalt  }
0x49: {  	_ =	shalt  }
0x4a: {  	_ =	shalt  }
0x4b: {  	_ =	shalt  }
0x4c: {  	_ =	shalt  }
0x4d: {  	_ =	shalt  }
0x4e: {  	_ =	shalt  }
0x4f: {  	_ =	shalt  }
0x50: {  	_ =	shalt  }
0x51: {  	_ =	shalt  }
0x52: {  	_ =	shalt  }
0x53: {  	_ =	shalt  }
0x54: {  	_ =	shalt  }
0x55: {  	_ =	shalt  }
0x56: {  	_ =	shalt  }
0x57: {  	_ =	shalt  }
0x58: {  	_ =	shalt  }
0x59: {  	_ =	shalt  }
0x5a: {  	_ =	shalt  }
0x5b: {  	_ =	shalt  }
0x5c: {  	_ =	shalt  }
0x5d: {  	_ =	shalt  }
0x5e: {  	_ =	shalt  }
0x5f: {  	_ =	shalt  }
0x60: {  	_ =	shalt  }
0x61: {  	_ =	shalt  }
0x62: {  	_ =	shalt  }
0x63: {  	_ =	shalt  }
0x64: {  	_ =	shalt  }
0x65: {  	_ =	shalt  }
0x66: {  	_ =	shalt  }
0x67: {  	_ =	shalt  }
0x68: {  	_ =	shalt  }
0x69: {  	_ =	shalt  }
0x6a: {  	_ =	shalt  }
0x6b: {  	_ =	shalt  }
0x6c: {  	_ =	shalt  }
0x6d: {  	_ =	shalt  }
0x6e: {  	_ =	shalt  }
0x6f: {  	_ =	shalt  }
0x70: {  	_ =	shalt  }
0x71: {  	_ =	shalt  }
0x72: {  	_ =	shalt  }
0x73: {  	_ =	shalt  }
0x74: {  	_ =	shalt  }
0x75: {  	_ =	shalt  }
0x76: {  	_ =	shalt  }
0x77: {  	_ =	shalt  }
0x78: {  	_ =	shalt  }
0x79: {  	_ =	shalt  }
0x7a: {  	_ =	shalt  }
0x7b: {  	_ =	shalt  }
0x7c: {  	_ =	shalt  }
0x7d: {  	_ =	shalt  }
0x7e: {  	_ =	shalt  }
0x7f: {  	_ =	shalt  }
0x80: {  	_ =	shalt  }
0x81: {  	_ =	shalt  }
0x82: {  	_ =	shalt  }
0x83: {  	_ =	shalt  }
0x84: {  	_ =	shalt  }
0x85: {  	_ =	shalt  }
0x86: {  	_ =	shalt  }
0x87: {  	_ =	shalt  }
.Lfunc_end0:
.L_simem_size_0:
called_computation.1_lowered:
.L_overlay_start_0:
0x88: {  	s2 =	sld [smem:$0x3FD9]  }
0x89: {  	s3 =	sld [smem:$0x3FFE];
	_ =	sdelay $0x1  }
0x8a: {  	s1 =	srdreg.scid  }
0x8b: {  	s0 =	sand.u32 $0x1, s1  }
0x8c: {  	s16 =	sshll.u32 s0, $0xA;
	s2 =	sadd.s32 s3, s2  }
0x8d: {  	s2 =	sadd.s32 s2, s16  }
0x8e: {  	[smem:$0x3FB8] =	sst s2  }
0x8f: {  	_ = 	snop  }
0x90: {  	(tm) =	ssettm $0x1  }
0x91: {  	s17 =	sld [smem:$0x3FFB];
	_ =	sdelay $0x3  }
0x92: {  	_ =	strace s17  }
0x93: {  	s2 =	sld [smem:$0x3FFC];
	_ =	sdelay $0x3  }
0x94: {  	_ =	strace s2  }
0x95: {  	s2 =	sld [smem:$0x3FFD];
	_ =	sdelay $0x3  }
0x96: {  	_ =	strace s2  }
0x97: {  	_ =	strace $0x8FFFFFFF  }
0x98: {  	s18 =	sld [smem:$0x3FDB];
	_ =	sdelay $0x1  }
0x99: {  	s19 =	simm.s32 $_scs_section_size  }
0x9a: {  	s4 =	simm.s32 $_size__tile_overlayer_lowered;
	s5 =	simm.s32 $_tile_overlayer_lowered  }
0x9b: {  	s22 =	simm.s32 $0x1BFF;
	s21 =	sshll.u32 s5, $0x1;
	s2 =	sadd.s32 s19, s18  }
0x9c: {  	s6 =	simm.s32 $0x0;
	s20 =	sshll.u32 s4, $0x1;
	s4 =	sadd.s32 s21, s2  }
0x9d: {  	[timem:s6], [sflag:s22] =	dma.local [hbm:s4], s20  }
0x9e: {  	_ =	swait.ge [sflag:s22], s20  }
0x9f: {  	s3 =	ssub.s32 $0x0, s20;
	[sflag:s22] =	ssyncset.done $0x0  }
0xa0: {  	[sflag:s22] =	ssyncadd.s32 s3;
	_ =	sdelay $0x1  }
0xa1: {  	s23 =	simm.s32 $0x1B8B  }
0xa2: {  	_ =	swait.ge [sflag:s23], $0x1  }
0xa3: {  	[sflag:s23] =	ssyncset.done $0x0  }
0xa4: {  	s25 =	simm.s32 $0x1B8E;
	s24 =	sld [smem:$0x3FFE];
	[sflag:s23] =	ssyncadd.s32 $0xFFFFFFFF  }
0xa5: {  	s26 =	simm.s32 $execute0_lowered;
	[smem:$0x3FD2] =	sst s25  }
0xa6: {  	s4 =	sshll.u32 s26, $0x1;
	_ =	strace $0x80000049;
	[dreg:$0x1] =	wrdreg $0xFFFFFFFF  }
0xa7: {  	s28 =	simm.s32 $_size_execute0_lowered;
	s2 =	sadd.s32 s2, s4;
	[dreg:$0x0] =	wrdreg $0x0  }
0xa8: {  	s4 =	sshll.u32 s28, $0x1;
	[dreg:$0x2] =	wrdreg s2  }
0xa9: {  	[dreg:$0x3] =	wrdreg s4  }
0xaa: {  	[dreg:$0x4] =	wrdreg $0xC0  }
0xab: {  	_ =	task [dreg:s6], $0x5FFFF  }
0xac: {  	[dreg:$0x1] =	wrdreg $0xFFFFFFFF  }
0xad: {  	[dreg:$0x0] =	wrdreg $0x60  }
0xae: {  	[dreg:$0x2] =	wrdreg s24  }
0xaf: {  	[dreg:$0x3] =	wrdreg $0x8F800  }
0xb0: {  	[dreg:$0x4] =	wrdreg $0x9  }
0xb1: {  	_ =	task.clear_ibuf [dreg:s6], $0x5FFFF;
	_ =	strace $0x90000049  }
0xb2: {  	s29 =	simm.s32 $0x9;
	_ =	strace $0x8000004B  }
0xb3: {  	_ =	swait.ge [sflag:s29], $0x1  }
0xb4: {  	[sflag:s29] =	ssyncadd.s32 $0xFFFFFFFF  }
0xb5: {  	_ =	strace $0x9000004B  }
0xb6: {  	_ =	sfence  }
0xb7: {  	s30 =	sld [smem:$0x0];
	_ =	sdelay $0x2  }
0xb8: {  	s31 =	sshll.u32 s1, $0xD;
	s1 =	sshrl.u32 s1, $0x2  }
0xb9: {  	s3 =	sand.u32 $0x4000, s31;
	s1 =	sadd.s32 s1, s30  }
0xba: {  	s0 =	sor.u32 s3, s0;
	s1 =	sshll.u32 s1, $0x11  }
0xbb: {  	s0 =	sor.u32 s1, s0  }
0xbc: {  	s0 =	sadd.s32 $0x8F2B, s0  }
0xbd: {  	[sflag:s0] =	ssyncadd.remote.s32 $0x1  }
0xbe: {  	_ =	sfence.sel $0xFFFF  }
0xbf: {  	[dreg:$0x0] =	wrdreg $0xFFFFFFFF;
	(pc) =	sbr.abs _section_cstart, $3  }
0xc0: {  	[dreg:$0x1] =	wrdreg $0xFFFFFFFF  }
0xc1: {  	_ =	task.clear_ibuf [dreg:s6], $0x2FFFF;
	_ =	strace $0x9FFFFFFF  }
0xc2: {  	(tm) =	ssettm $0x7FFFFFFF  }
0xc3: {  	_ =	shalt  }
tec
execute0_lowered:
.L_overlay_start_1:
0x0: {  	(tag) =	ssettag $0x1  }
0x1: {  	s0 =	srdreg.scid;
	s3 =	rddreg [dreg:$0x0]  }
0x2: {  	s9 =	stileid.u32;
	s2 =	rddreg [dreg:$0x1]  }
0x3: {  	s6 =	simm.s32 $0x0;
	s28 =	simm.s32 $0x6780;
	s7 =	smul.u32 $0xA000, s9  }
0x4: {  	s29 =	simm.s32 $0x3;
	s0 =	sand.u32 $0x1, s0;
	s20 =	smul.u32 $0x500, s9  }
0x5: {  	s30 =	simm.s32 $0x1;
	s10 =	sor.u32 $0x10, s9;
	s24 =	smul.u32 $0x27100, s0  }
0x6: {  	s31 =	simm.s32 $0x2;
	s11 =	sor.u32 $0x20, s9;
	s25 =	smul.u32 $0xA000, s10  }
0x7: {  	s5 =	sshll.u32 s9, $0x7;
	s13 =	sor.u32 $0x30, s9;
	s12 =	smul.u32 $0xA000, s11  }
0x8: {  	[smem:$0x7FF] =	sst s6;
	s15 =	sor.u32 $0x40, s9;
	s14 =	smul.u32 $0xA000, s13  }
0x9: {  	s17 =	sor.u32 $0x50, s9;
	s18 =	sor.u32 $0x60, s9;
	s16 =	smul.u32 $0xA000, s15  }
0xa: {  	s19 =	sor.u32 $0x70, s9;
	s1 =	sshll.u32 s0, $0x4;
	s26 =	smul.u32 $0xA000, s17  }
0xb: {  	s5 =	sand.u32 $0x380, s5;
	_ =	strace $0x8000004A;
	s21 =	smul.u32 $0x500, s11  }
0xc: {  	s0 =	ssub.s32 $0x2, s0;
	s17 =	smul.u32 $0x500, s17;
	p0 =	sgt.u32 s19, $0x7C  }
0xd: {  	s1 =	sor.u32 s9, s1;
	s8 =	sshrl.u32 s0, $0x1;
	s7 =	sshrl.u32 s7, $0x2  }
0xe: {  	s4 =	sshrl.u32 s1, $0x3;
	s1 =	sshll.u32 s1, $0xB;
	s0 =	ssub.s32 s0, s8  }
0xf: {  	s6 =	sshrl.u32 s25, $0x2;
	s8 =	sadd.s32 s7, s2;
	s22 =	sshrl.u32 s12, $0x2  }
0x10: {  	s23 =	sshrl.u32 s14, $0x2;
	s25 =	sshrl.u32 s16, $0x2;
	s16 =	simm.s32 $0x7380  }
0x11: {  	s7 =	simm.s32 $0x1E800;
	s4 =	smul.u32 $0x13C00, s4;
	s1 =	sadd.s32 s1, s3  }
0x12: {  	s0 =	smax.u32 s0, $0x1;
	s9 =	sadd.s32 s6, s2;
	s6 =	smul.u32 $0x500, s10  }
0x13: {  	s10 =	sadd.s32 s22, s2;
	s11 =	sadd.s32 s23, s2;
	s12 =	sadd.s32 s25, s2  }
0x14: {  	s1 =	sadd.s32 $0x3800, s1;
	[dreg:$0x5] =	wrdreg s0;
	s0 =	smul.u32 $0xA000, s19  }
0x15: {  	s5 =	sor.u32 s5, s4;
	[dreg:$0x4] =	wrdreg s1;
	s1 =	smul.u32 $0xA000, s18  }
0x16: {  	s4 =	sadd.s32 $0x1D600, s3;
	s18 =	smul.u32 $0x500, s18;
	s5 =	sshrl.u32 s5, $0x3  }
0x17: {  	s0 =	sshrl.u32 s0, $0x2;
	s5 =	sadd.s32 s5, s3;
	s3 =	sadd.s32 s24, s3  }
0x18: {  	s24 =	smul.u32 $0x500, s13;
	s5 =	sadd.s32 $0x13800, s5;
	s3 =	sadd.s32 $0x44800, s3  }
0x19: {  	[dreg:$0x3] =	wrdreg s5;
	s5 =	sshrl.u32 s26, $0x2;
	s26 =	smul.u32 $0x500, s15  }
0x1a: {  	s15 =	sadd.s32 s0, s2;
	s0 =	smul.u32 $0x500, s19;
	s19 =	sadd.s32 s20, s3  }
0x1b: {  	s1 =	sshrl.u32 s1, $0x2;
	s20 =	sadd.s32 s6, s3;
	[dreg:$0x6] =	wrdreg s19  }
0x1c: {  	s14 =	sadd.s32 s1, s2;
	s22 =	sadd.s32 s21, s3;
	[dreg:$0x7] =	wrdreg s20  }
0x1d: {  	s1 =	simm.s32 $0x18;
	s23 =	sadd.s32 s24, s3;
	[dreg:$0x8] =	wrdreg s22  }
0x1e: {  	s25 =	sadd.s32 s17, s3;
	s6 =	simm.s32 $0x1E000;
	[dreg:$0x9] =	wrdreg s23  }
0x1f: {  	s17 =	simm.s32 $0x50;
	s13 =	sadd.s32 s5, s2;
	[dreg:$0xb] =	wrdreg s25  }
0x20: {  	s25 =	simm.s32 $0x10;
	s5 =	simm.s32 $0x1D400;
	s24 =	sadd.s32 s26, s3  }
0x21: {  	s26 =	sadd.s32 s18, s3;
	s0 =	sadd.s32 @!p0 s0, s3;
	[dreg:$0xa] =	wrdreg s24  }
0x22: {  	s3 =	simm.s32 $0x1C800;
	s18 =	simm.s32 $0x0;
	[dreg:$0xc] =	wrdreg s26  }
0x23: {  	v0 =	vimm.f32 $0.0e+00;
	[dreg:$0xd] =	wrdreg s0;
	s26 =	simm.s32 $0x7F80;
	s0 =	simm.s32 $0x8780  }
.LBB2_1:
0x24: {  	s19 =	simm.s32 $0x0  }
0x25: {  	s20 =	rddreg [dreg:$0x3];
	s21 =	simm.s32 $0x80;
	s22 =	simm.s32 $0x400  }
0x26: {  	[tilespmem:s19], [sflag:$0x1] =	stream.strided.gather [hbm4b:s20+s21], $0x2780, s22, s21, $0x38;
	[tilespmem:$0x1F000] =	vst v63  }
0x27: {  	s23 =	rddreg [dreg:$0x4];
	s24 =	simm.s32 $0x2780  }
0x28: {  	[tilespmem:s24], [sflag:$0x2] =	stream.linear.gather [hbm4b:s23+s19], $0x3E80, $0x38;
	[tilespmem:$0x1F000] =	vst v63  }
0x29: {  	s20 =	simm.s32 $0x3C0;
	s19 =	simm.s32 $0x70  }
.LBB2_2:
0x2a: {  	p1 =	sne.s32 s20, $0x9FC0;
	[tilespmem:s19+$0x6780] =	vst v0  }
0x2b: {  	[tilespmem:s19+$0x6710] =	vst v0  }
0x2c: {  	[tilespmem:s19+$0x6720] =	vst v0  }
.Ltmp0:
0x2d: {  	[tilespmem:s19+$0x6730] =	vst v0;
	(pc) =	sbr.rel @p1 .LBB2_2-.Ltmp0, $4  }
0x2e: {  	[tilespmem:s19+$0x6740] =	vst v0  }
0x2f: {  	[tilespmem:s19+$0x6750] =	vst v0  }
0x30: {  	[tilespmem:s19+$0x6760] =	vst v0  }
0x31: {  	[tilespmem:s19+$0x6770] =	vst v0;
	s19 =	sshra.s32 s20, $0x2;
	s20 =	sadd.s32 $0x200, s20  }
0x32: {  	[tilespmem:s19+$0x6780] =	vst v0  }
0x33: {  	[tilespmem:s19+$0x6710] =	vst v0  }
0x34: {  	[tilespmem:s19+$0x6720] =	vst v0  }
0x35: {  	[tilespmem:s19+$0x6730] =	vst v0  }
0x36: {  	[tilespmem:s19+$0x6740] =	vst v0  }
0x37: {  	[tilespmem:s19+$0x6750] =	vst v0  }
0x38: {  	[tilespmem:s19+$0x6760] =	vst v0  }
0x39: {  	[tilespmem:s19+$0x6770] =	vst v0  }
0x3a: {  	[spmem:s8] =	stream.linear.scatter [tilespmem:s28], [sflag:$0x3], $0x2800, $0x38;
	[tilespmem:$0x1F000] =	vst v63  }
0x3b: {  	_ =	swait.ge [sflag:s29], $0x2800  }
0x3c: {  	[sflag:s29] =	ssyncset.done $0x0  }
0x3d: {  	[sflag:s29] =	ssyncadd.s32 $0xFFFFD800  }
0x3e: {  	[spmem:s9] =	stream.linear.scatter [tilespmem:s28], [sflag:$0x3], $0x2800, $0x38;
	[tilespmem:$0x1F000] =	vst v63  }
0x3f: {  	_ =	swait.ge [sflag:s29], $0x2800  }
0x40: {  	[sflag:s29] =	ssyncset.done $0x0  }
0x41: {  	[sflag:s29] =	ssyncadd.s32 $0xFFFFD800  }
0x42: {  	[spmem:s10] =	stream.linear.scatter [tilespmem:s28], [sflag:$0x3], $0x2800, $0x38;
	[tilespmem:$0x1F000] =	vst v63  }
0x43: {  	_ =	swait.ge [sflag:s29], $0x2800  }
0x44: {  	[sflag:s29] =	ssyncset.done $0x0  }
0x45: {  	[sflag:s29] =	ssyncadd.s32 $0xFFFFD800  }
0x46: {  	[spmem:s11] =	stream.linear.scatter [tilespmem:s28], [sflag:$0x3], $0x2800, $0x38;
	[tilespmem:$0x1F000] =	vst v63  }
0x47: {  	_ =	swait.ge [sflag:s29], $0x2800  }
0x48: {  	[sflag:s29] =	ssyncset.done $0x0  }
0x49: {  	[sflag:s29] =	ssyncadd.s32 $0xFFFFD800  }
0x4a: {  	[spmem:s12] =	stream.linear.scatter [tilespmem:s28], [sflag:$0x3], $0x2800, $0x38;
	[tilespmem:$0x1F000] =	vst v63  }
0x4b: {  	_ =	swait.ge [sflag:s29], $0x2800  }
0x4c: {  	[sflag:s29] =	ssyncset.done $0x0  }
0x4d: {  	[sflag:s29] =	ssyncadd.s32 $0xFFFFD800  }
0x4e: {  	[spmem:s13] =	stream.linear.scatter [tilespmem:s28], [sflag:$0x3], $0x2800, $0x38;
	[tilespmem:$0x1F000] =	vst v63  }
0x4f: {  	_ =	swait.ge [sflag:s29], $0x2800  }
0x50: {  	[sflag:s29] =	ssyncset.done $0x0  }
0x51: {  	[sflag:s29] =	ssyncadd.s32 $0xFFFFD800  }
0x52: {  	[spmem:s14] =	stream.linear.scatter [tilespmem:s28], [sflag:$0x3], $0x2800, $0x38;
	[tilespmem:$0x1F000] =	vst v63  }
0x53: {  	_ =	swait.ge [sflag:s29], $0x2800  }
0x54: {  	[sflag:s29] =	ssyncset.done $0x0  }
0x55: {  	s19 =	simm.s32 @!p0 $0x6780;
	[sflag:s29] =	ssyncadd.s32 $0xFFFFD800  }
0x56: {  	[spmem:s15] =	stream.linear.scatter @!p0 [tilespmem:s19], [sflag:$0x3], $0x2800, $0x38;
	[tilespmem:$0x1F000] =	vst v63  }
0x57: {  	s19 =	simm.s32 @!p0 $0x3  }
0x58: {  	_ =	swait.ge @!p0 [sflag:s19], $0x2800  }
0x59: {  	[sflag:s19] =	ssyncset.done @!p0 $0x0  }
0x5a: {  	[sflag:s19] =	ssyncadd.s32 @!p0 $0xFFFFD800  }
0x5b: {  	_ =	swait.ge [sflag:s30], $0x2780  }
0x5c: {  	[sflag:s30] =	ssyncset.done $0x0  }
0x5d: {  	[sflag:s30] =	ssyncadd.s32 $0xFFFFD880  }
0x5e: {  	_ =	swait.ge [sflag:s31], $0x3E80  }
0x5f: {  	[sflag:s31] =	ssyncset.done $0x0  }
0x60: {  	[sflag:s31] =	ssyncadd.s32 $0xFFFFC180  }
0x61: {  	s22 =	simm.s32 $0x0;
	[bflag:$0x0] =	sbarrier.arrive $0xFFFF  }
0x62: {  	[tilespmem:s28], [sflag:$0x1] =	stream.indirect.gather [hbm4b:s4+s1], $0x80, s22, s1, $0xb8;
	[tilespmem:$0x1F000] =	vst v63  }
0x63: {  	_ = 	snop  }
0x64: {  	[tilespmem:s16], [sflag:$0x1] =	stream.indirect.gather [hbm4b:s4+s1], $0x80, s1, s1, $0xb8;
	[tilespmem:$0x1F000] =	vst v63  }
0x65: {  	s23 =	simm.s32 $0x30  }
0x66: {  	[tilespmem:s26], [sflag:$0x1] =	stream.indirect.gather [hbm4b:s4+s25], $0x80, s23, s25, $0xb8;
	[tilespmem:$0x1F000] =	vst v63  }
0x67: {  	s24 =	simm.s32 $0x40  }
0x68: {  	[tilespmem:s0], [sflag:$0x1] =	stream.indirect.gather [hbm4b:s4+s25], $0x80, s24, s25, $0xb8;
	[tilespmem:$0x1F000] =	vst v63  }
0x69: {  	s20 =	simm.s32 $0x50  }
0x6a: {  	[tilespmem:s3], [sflag:$0x2] =	stream.indirect.gather [hbm4b:s4+s1], $0x80, s20, s1, $0xb8;
	[tilespmem:$0x1F000] =	vst v63  }
0x6b: {  	s21 =	simm.s32 $0x68  }
0x6c: {  	[tilespmem:s5], [sflag:$0x2] =	stream.indirect.gather [hbm4b:s4+s1], $0x80, s21, s1, $0xb8;
	[tilespmem:$0x1F000] =	vst v63  }
0x6d: {  	s22 =	simm.s32 $0x80  }
0x6e: {  	[tilespmem:s6], [sflag:$0x2] =	stream.indirect.gather [hbm4b:s4+s25], $0x80, s22, s25, $0xb8;
	[tilespmem:$0x1F000] =	vst v63  }
0x6f: {  	s23 =	simm.s32 $0x90  }
0x70: {  	[tilespmem:s7], [sflag:$0x2] =	stream.indirect.gather [hbm4b:s4+s25], $0x80, s23, s25, $0xb8;
	[tilespmem:$0x1F000] =	vst v63  }
0x71: {  	_ =	swait.ge [sflag:s30], $0x2800  }
0x72: {  	[sflag:s30] =	ssyncset.done $0x0  }
0x73: {  	s24 =	simm.s32 $0x2780;
	[sflag:s30] =	ssyncadd.s32 $0xFFFFD800  }
0x74: {  	[spmem:s2] =	stream.indirect.scatter.add.f32 [tilespmem:s28], [sflag:$0x3], $0x80, s24, s17, $0xb8;
	[tilespmem:$0x1F000] =	vst v63  }
0x75: {  	_ =	swait.ge [sflag:s29], $0x2800  }
0x76: {  	[sflag:s29] =	ssyncset.done $0x0  }
0x77: {  	s20 =	simm.s32 $0xA0;
	[sflag:s29] =	ssyncadd.s32 $0xFFFFD800  }
0x78: {  	[tilespmem:s28], [sflag:$0x1] =	stream.indirect.gather [hbm4b:s4+s1], $0x80, s20, s1, $0xb8;
	[tilespmem:$0x1F000] =	vst v63  }
0x79: {  	s21 =	simm.s32 $0xB8  }
0x7a: {  	[tilespmem:s16], [sflag:$0x1] =	stream.indirect.gather [hbm4b:s4+s1], $0x80, s21, s1, $0xb8;
	[tilespmem:$0x1F000] =	vst v63  }
0x7b: {  	s22 =	simm.s32 $0xD0  }
0x7c: {  	[tilespmem:s26], [sflag:$0x1] =	stream.indirect.gather [hbm4b:s4+s25], $0x80, s22, s25, $0xb8;
	[tilespmem:$0x1F000] =	vst v63  }
0x7d: {  	s23 =	simm.s32 $0xE0  }
0x7e: {  	[tilespmem:s0], [sflag:$0x1] =	stream.indirect.gather [hbm4b:s4+s25], $0x80, s23, s25, $0xb8;
	[tilespmem:$0x1F000] =	vst v63  }
0x7f: {  	_ =	swait.ge [sflag:s31], $0x2800  }
0x80: {  	[sflag:s31] =	ssyncset.done $0x0  }
0x81: {  	s24 =	simm.s32 $0x2800;
	[sflag:s31] =	ssyncadd.s32 $0xFFFFD800  }
0x82: {  	[spmem:s2] =	stream.indirect.scatter.add.f32 [tilespmem:s3], [sflag:$0x3], $0x80, s24, s17, $0xb8;
	[tilespmem:$0x1F000] =	vst v63  }
0x83: {  	s19 =	simm.s32 $0x2880;
	_ =	swait.ge [sflag:s29], $0x2800  }
0x84: {  	s20 =	simm.s32 $0xA0;
	s21 =	simm.s32 $0x500;
	[sflag:s29] =	ssyncset.done $0x0  }
.LBB2_4:
0x85: {  	s22 =	sadd.s32 $0x50, s20  }
0x86: {  	[sflag:s29] =	ssyncadd.s32 $0xFFFFD800;
	s23 =	smov.u32 s21;
	s24 =	sadd.s32 $0x280, s21  }
0x87: {  	[tilespmem:s3], [sflag:$0x2] =	stream.indirect.gather [hbm4b:s4+s1], $0x80, s22, s1, $0xb8;
	[tilespmem:$0x1F000] =	vst v63  }
0x88: {  	p1 =	sne.s32 s21, $0x9880;
	s21 =	sadd.s32 $0x68, s20  }
0x89: {  	[tilespmem:s5], [sflag:$0x2] =	stream.indirect.gather [hbm4b:s4+s1], $0x80, s21, s1, $0xb8;
	[tilespmem:$0x1F000] =	vst v63  }
0x8a: {  	s21 =	sadd.s32 $0x80, s20  }
0x8b: {  	[tilespmem:s6], [sflag:$0x2] =	stream.indirect.gather [hbm4b:s4+s25], $0x80, s21, s25, $0xb8;
	[tilespmem:$0x1F000] =	vst v63  }
0x8c: {  	s21 =	sadd.s32 $0x90, s20  }
0x8d: {  	[tilespmem:s7], [sflag:$0x2] =	stream.indirect.gather [hbm4b:s4+s25], $0x80, s21, s25, $0xb8;
	[tilespmem:$0x1F000] =	vst v63  }
0x8e: {  	_ =	swait.ge [sflag:s30], $0x2800  }
0x8f: {  	[sflag:s30] =	ssyncset.done $0x0  }
0x90: {  	[sflag:s30] =	ssyncadd.s32 $0xFFFFD800  }
0x91: {  	[spmem:s2] =	stream.indirect.scatter.add.f32 [tilespmem:s28], [sflag:$0x3], $0x80, s19, s17, $0xb8;
	[tilespmem:$0x1F000] =	vst v63  }
0x92: {  	_ =	swait.ge [sflag:s29], $0x2800  }
0x93: {  	[sflag:s29] =	ssyncset.done $0x0  }
0x94: {  	s21 =	sadd.s32 $0xA0, s20;
	[sflag:s29] =	ssyncadd.s32 $0xFFFFD800  }
0x95: {  	[tilespmem:s28], [sflag:$0x1] =	stream.indirect.gather [hbm4b:s4+s1], $0x80, s21, s1, $0xb8;
	[tilespmem:$0x1F000] =	vst v63  }
0x96: {  	s21 =	sadd.s32 $0xB8, s20  }
0x97: {  	[tilespmem:s16], [sflag:$0x1] =	stream.indirect.gather [hbm4b:s4+s1], $0x80, s21, s1, $0xb8;
	[tilespmem:$0x1F000] =	vst v63  }
0x98: {  	s21 =	sadd.s32 $0xD0, s20  }
0x99: {  	[tilespmem:s26], [sflag:$0x1] =	stream.indirect.gather [hbm4b:s4+s25], $0x80, s21, s25, $0xb8;
	[tilespmem:$0x1F000] =	vst v63  }
0x9a: {  	s20 =	sadd.s32 $0xE0, s20  }
0x9b: {  	[tilespmem:s0], [sflag:$0x1] =	stream.indirect.gather [hbm4b:s4+s25], $0x80, s20, s25, $0xb8;
	[tilespmem:$0x1F000] =	vst v63  }
0x9c: {  	_ =	swait.ge [sflag:s31], $0x2800  }
.Ltmp1:
0x9d: {  	[sflag:s31] =	ssyncset.done $0x0;
	(pc) =	sbr.rel @p1 .LBB2_4-.Ltmp1, $4  }
0x9e: {  	s20 =	sadd.s32 $0x80, s19;
	[sflag:s31] =	ssyncadd.s32 $0xFFFFD800  }
0x9f: {  	[spmem:s2] =	stream.indirect.scatter.add.f32 [tilespmem:s3], [sflag:$0x3], $0x80, s20, s17, $0xb8;
	[tilespmem:$0x1F000] =	vst v63  }
0xa0: {  	s21 =	smov.u32 s24;
	_ =	swait.ge [sflag:s29], $0x2800  }
0xa1: {  	s19 =	sadd.s32 $0x100, s19;
	s20 =	sshra.s32 s23, $0x2;
	[sflag:s29] =	ssyncset.done $0x0  }
0xa2: {  	s21 =	sadd.s32 $0x50, s20;
	[sflag:s29] =	ssyncadd.s32 $0xFFFFD800  }
0xa3: {  	[tilespmem:s3], [sflag:$0x2] =	stream.indirect.gather [hbm4b:s4+s1], $0x80, s21, s1, $0xb8;
	[tilespmem:$0x1F000] =	vst v63  }
0xa4: {  	s22 =	sadd.s32 $0x68, s20  }
0xa5: {  	[tilespmem:s5], [sflag:$0x2] =	stream.indirect.gather [hbm4b:s4+s1], $0x80, s22, s1, $0xb8;
	[tilespmem:$0x1F000] =	vst v63  }
0xa6: {  	s23 =	sadd.s32 $0x80, s20  }
0xa7: {  	[tilespmem:s6], [sflag:$0x2] =	stream.indirect.gather [hbm4b:s4+s25], $0x80, s23, s25, $0xb8;
	[tilespmem:$0x1F000] =	vst v63  }
0xa8: {  	s24 =	sadd.s32 $0x90, s20  }
0xa9: {  	[tilespmem:s7], [sflag:$0x2] =	stream.indirect.gather [hbm4b:s4+s25], $0x80, s24, s25, $0xb8;
	[tilespmem:$0x1F000] =	vst v63  }
0xaa: {  	_ =	swait.ge [sflag:s30], $0x2800  }
0xab: {  	[sflag:s30] =	ssyncset.done $0x0  }
0xac: {  	[sflag:s30] =	ssyncadd.s32 $0xFFFFD800  }
0xad: {  	[spmem:s2] =	stream.indirect.scatter.add.f32 [tilespmem:s28], [sflag:$0x3], $0x80, s19, s17, $0xb8;
	[tilespmem:$0x1F000] =	vst v63  }
0xae: {  	_ =	swait.ge [sflag:s29], $0x2800  }
0xaf: {  	[sflag:s29] =	ssyncset.done $0x0  }
0xb0: {  	s22 =	sadd.s32 $0xA0, s20;
	[sflag:s29] =	ssyncadd.s32 $0xFFFFD800  }
0xb1: {  	[tilespmem:s28], [sflag:$0x1] =	stream.indirect.gather [hbm4b:s4+s1], $0x80, s22, s1, $0xb8;
	[tilespmem:$0x1F000] =	vst v63  }
0xb2: {  	s23 =	sadd.s32 $0xB8, s20  }
0xb3: {  	[tilespmem:s16], [sflag:$0x1] =	stream.indirect.gather [hbm4b:s4+s1], $0x80, s23, s1, $0xb8;
	[tilespmem:$0x1F000] =	vst v63  }
0xb4: {  	s24 =	sadd.s32 $0xD0, s20  }
0xb5: {  	[tilespmem:s26], [sflag:$0x1] =	stream.indirect.gather [hbm4b:s4+s25], $0x80, s24, s25, $0xb8;
	[tilespmem:$0x1F000] =	vst v63  }
0xb6: {  	s22 =	sadd.s32 $0xE0, s20  }
0xb7: {  	[tilespmem:s0], [sflag:$0x1] =	stream.indirect.gather [hbm4b:s4+s25], $0x80, s22, s25, $0xb8;
	[tilespmem:$0x1F000] =	vst v63  }
0xb8: {  	_ =	swait.ge [sflag:s31], $0x2800  }
0xb9: {  	[sflag:s31] =	ssyncset.done $0x0  }
0xba: {  	s23 =	sadd.s32 $0x80, s19;
	[sflag:s31] =	ssyncadd.s32 $0xFFFFD800  }
0xbb: {  	[spmem:s2] =	stream.indirect.scatter.add.f32 [tilespmem:s3], [sflag:$0x3], $0x80, s23, s17, $0xb8;
	[tilespmem:$0x1F000] =	vst v63  }
0xbc: {  	_ =	swait.ge [sflag:s29], $0x2800  }
0xbd: {  	[sflag:s29] =	ssyncset.done $0x0  }
0xbe: {  	[sflag:s29] =	ssyncadd.s32 $0xFFFFD800  }
0xbf: {  	_ =	swait.ge [sflag:s30], $0x2800  }
0xc0: {  	[sflag:s30] =	ssyncset.done $0x0  }
0xc1: {  	s24 =	simm.s32 $0x6580;
	[sflag:s30] =	ssyncadd.s32 $0xFFFFD800  }
0xc2: {  	[spmem:s2] =	stream.indirect.scatter.add.f32 [tilespmem:s28], [sflag:$0x3], $0x80, s24, s17, $0xb8;
	[tilespmem:$0x1F000] =	vst v63  }
0xc3: {  	_ =	swait.ge [sflag:s29], $0x2800  }
0xc4: {  	[sflag:s29] =	ssyncset.done $0x0  }
0xc5: {  	s20 =	stileid.u32;
	[sflag:s29] =	ssyncadd.s32 $0xFFFFD800  }
0xc6: {  	s19 =	sshll.u32 s20, $0x6;
	[bflag:$0x0] =	sbarrier.arrive $0xFFFF  }
0xc7: {  	s21 =	sshrl.u32 s8, $0x3;
	s19 =	sor.u32 $0x1C03, s19;
	s22 =	rddreg [dreg:$0x6]  }
0xc8: {  	[hbm:s22], [sflag:s19] =	dma.local [spmem:s21], $0x500  }
0xc9: {  	_ =	swait.ge [sflag:s29], $0x500  }
0xca: {  	[sflag:s29] =	ssyncset.done $0x0  }
0xcb: {  	s23 =	sshrl.u32 s9, $0x3;
	s24 =	rddreg [dreg:$0x7];
	[sflag:s29] =	ssyncadd.s32 $0xFFFFFB00  }
0xcc: {  	[hbm:s24], [sflag:s19] =	dma.local [spmem:s23], $0x500  }
0xcd: {  	_ =	swait.ge [sflag:s29], $0x500  }
0xce: {  	[sflag:s29] =	ssyncset.done $0x0  }
0xcf: {  	s21 =	sshrl.u32 s10, $0x3;
	s22 =	rddreg [dreg:$0x8];
	[sflag:s29] =	ssyncadd.s32 $0xFFFFFB00  }
0xd0: {  	[hbm:s22], [sflag:s19] =	dma.local [spmem:s21], $0x500  }
0xd1: {  	_ =	swait.ge [sflag:s29], $0x500  }
0xd2: {  	[sflag:s29] =	ssyncset.done $0x0  }
0xd3: {  	s23 =	sshrl.u32 s11, $0x3;
	s24 =	rddreg [dreg:$0x9];
	[sflag:s29] =	ssyncadd.s32 $0xFFFFFB00  }
0xd4: {  	[hbm:s24], [sflag:s19] =	dma.local [spmem:s23], $0x500  }
0xd5: {  	_ =	swait.ge [sflag:s29], $0x500  }
0xd6: {  	[sflag:s29] =	ssyncset.done $0x0  }
0xd7: {  	s21 =	sshrl.u32 s12, $0x3;
	s22 =	rddreg [dreg:$0xa];
	[sflag:s29] =	ssyncadd.s32 $0xFFFFFB00  }
0xd8: {  	[hbm:s22], [sflag:s19] =	dma.local [spmem:s21], $0x500  }
0xd9: {  	_ =	swait.ge [sflag:s29], $0x500  }
0xda: {  	[sflag:s29] =	ssyncset.done $0x0  }
0xdb: {  	s23 =	sshrl.u32 s13, $0x3;
	s24 =	rddreg [dreg:$0xb];
	[sflag:s29] =	ssyncadd.s32 $0xFFFFFB00  }
0xdc: {  	[hbm:s24], [sflag:s19] =	dma.local [spmem:s23], $0x500  }
0xdd: {  	_ =	swait.ge [sflag:s29], $0x500  }
0xde: {  	[sflag:s29] =	ssyncset.done $0x0  }
0xdf: {  	s22 =	sshrl.u32 s14, $0x3;
	s23 =	rddreg [dreg:$0xc];
	[sflag:s29] =	ssyncadd.s32 $0xFFFFFB00  }
0xe0: {  	[hbm:s23], [sflag:s19] =	dma.local [spmem:s22], $0x500  }
0xe1: {  	_ =	swait.ge [sflag:s29], $0x500  }
0xe2: {  	[sflag:s29] =	ssyncset.done $0x0  }
0xe3: {  	s20 =	sshrl.u32 @!p0 s15, $0x3;
	s21 =	rddreg [dreg:$0xd];
	[sflag:s29] =	ssyncadd.s32 $0xFFFFFB00  }
0xe4: {  	[hbm:s21], [sflag:s19] =	dma.local @!p0 [spmem:s20], $0x500  }
0xe5: {  	s19 =	simm.s32 @!p0 $0x3  }
0xe6: {  	_ =	swait.ge @!p0 [sflag:s19], $0x500  }
0xe7: {  	s18 =	sadd.s32 $0x1, s18;
	s24 =	rddreg [dreg:$0x5]  }
0xe8: {  	p1 =	sne.s32 s18, s24  }
.Ltmp2:
0xe9: {  	_ = 	snop;
	(pc) =	sbr.rel @p1 .LBB2_1-.Ltmp2, $3  }
0xea: {  	_ =	sdelay $0x1  }
0xeb: {  	[sflag:s19] =	ssyncset.done @!p0 $0x0  }
0xec: {  	[sflag:s19] =	ssyncadd.s32 @!p0 $0xFFFFFB00  }
0xed: {  	_ =	sfence.sel $0x180000  }
0xee: {  	[bflag:$0x0] =	sbarrier.arrive $0xFFFF  }
0xef: {  	_ =	strace $0x9000004A  }
0xf0: {  	s0 =	stileid.u32;
	[bflag:$0x2] =	sbarrier.arrive $0xFFFF  }
0xf1: {  	p0 =	sne.s32 s0, $0x0;
	s0 =	rddreg [dreg:$0x2]  }
0xf2: {  	s0 =	sadd.s32 @!p0 $0x100000, s0  }
0xf3: {  	[sflag:s0] =	ssyncadd.tile.s32 @!p0 $0x1;
	_ =	shalt  }
.Lfunc_end2:
_tile_overlayer_lowered:
.L_overlay_start_2:
0xf4: {  	(tag) =	ssettag $0x2  }
0xf5: {  	s0 =	rddreg [dreg:$0x0];
	s2 =	stileid.u32  }
0xf6: {  	s1 =	rddreg [dreg:$0x1];
	p0 =	sne.s32 s2, $0x0  }
0xf7: {  	s3 =	rddreg [dreg:$0x2];
	[bflag:$0x3] =	sbarrier.arrive $0xFFFF;
	s2 =	simm.s32 @!p0 $0x1C03  }
0xf8: {  	[timem:s3], [sflag:s2] =	dma.local @!p0 [hbm:s0], s1  }
0xf9: {  	s0 =	simm.s32 @!p0 $0x3  }
0xfa: {  	_ =	swait.ge @!p0 [sflag:s0], s1  }
0xfb: {  	s1 =	ssub.s32 @!p0 $0x0, s1;
	[sflag:s0] =	ssyncset.done @!p0 $0x0  }
0xfc: {  	[sflag:s0] =	ssyncadd.s32 @!p0 s1  }
0xfd: {  	[bflag:$0x3] =	sbarrier.arrive $0xFFFF  }
0xfe: {  	_ =	shalt  }

// kernel: kernel.15.cloned.1.call-start
scs
__scs_entry_jumppad:
0x0: {  	(pc) =	sbr.rel $0x88, $3  }
0x1: {  	(tag) =	ssettag $0x0;
	lr =	simm.s32 $0x1  }
0x2: {  	[smem:$0x3F91] =	sst lr;
	_ =	strace $0xD0000000  }
0x3: {  	_ = 	snop  }
0x4: {  	_ = 	snop  }
0x5: {  	_ = 	snop  }
0x6: {  	_ = 	snop  }
0x7: {  	_ = 	snop  }
__scs_overlays_trampoline_lowered:
0x8: {  	[smem:$0x3FA0] =	sst s0  }
0x9: {  	[smem:$0x3FA1] =	sst s1  }
0xa: {  	[smem:$0x3FA2] =	sst s2  }
0xb: {  	[smem:$0x3FA3] =	sst s3  }
0xc: {  	[smem:$0x3FA4] =	sst s4  }
0xd: {  	[smem:$0x3FA5] =	sst s5  }
0xe: {  	[smem:$0x3FA6] =	sst s6  }
0xf: {  	[smem:$0x3FA7] =	sst s7  }
0x10: {  	[smem:$0x3FA8] =	sst s8  }
0x11: {  	[smem:$0x3FA9] =	sst s9;
	s0 =	simm.s32 @!p0 $0x0  }
0x12: {  	s1 =	sld [smem:$0x3F8F];
	s0 =	simm.s32 @p0 $0x1  }
0x13: {  	[smem:$0x3FAA] =	sst s0;
	s0 =	simm.s32 @!p1 $0x0  }
0x14: {  	s2 =	sld [smem:$0x3F8E];
	s0 =	simm.s32 @p1 $0x1  }
0x15: {  	[smem:$0x3FAB] =	sst s0;
	s0 =	simm.s32 @!p2 $0x0  }
0x16: {  	s3 =	sld [smem:$0x3FDB];
	s0 =	simm.s32 @p2 $0x1  }
0x17: {  	s4 =	simm.s32 $0x1BF5;
	[smem:$0x3FAD] =	sst s0  }
0x18: {  	s0 =	sld [smem:$0x3F90];
	_ =	swait.ge [sflag:s4], $0x0  }
0x19: {  	s7 =	sld [smem:$0x3F91]  }
0x1a: {  	s8 =	sadd.s32 $0xFFFFE003, lr  }
0x1b: {  	s9 =	sadd.s32 $0xFFFFFEF7, lr;
	s5 =	simm.s32 $0xFFFFFFFF;
	p2 =	slt.u32 s8, $0xFFFFF086  }
0x1c: {  	p1 =	slt.u32 s9, $0xF7A;
	s5 =	simm.s32 @!p2 $0x0  }
0x1d: {  	s5 =	simm.s32 @p1 $0x1;
	p0 =	seq.s32 s7, s2  }
0x1e: {  	s7 =	smul.u32 @!p0 $0xF7A, s2;
	p2 =	seq.s32 @!p0 s5, $0x0  }
0x1f: {  	s9 =	smul.u32 $0xF7A, s1;
	s8 =	simm.s32 @!p0 $0x1BF5;
	p2 =	por !p2, p0  }
0x20: {  	[sflag:s8] =	ssyncset.s32 @!p0 $0xFFFFF086;
	s6 =	sadd.s32 @!p0 s3, s7;
	s7 =	simm.s32 @!p0 $0x108  }
0x21: {  	s3 =	sadd.s32 s3, s9;
	s6 =	sadd.s32 @!p0 $0x88, s6;
	s7 =	simm.s32 @p2 $0x1082  }
0x22: {  	[simem:s7], [sflag:s8] =	dma.local @!p0 [hbm:s6], $0xF7A  }
0x23: {  	s9 =	sor.u32 $0xD0000000, s2;
	s6 =	simm.s32 $0x108;
	_ =	swait.ge @!p0 [sflag:s8], $0x0  }
0x24: {  	s3 =	sadd.s32 $0x88, s3;
	s6 =	simm.s32 @!p1 $0x1082;
	[sflag:s4] =	ssyncset.s32 $0xFFFFF086  }
0x25: {  	[simem:s6], [sflag:s4] =	dma.local [hbm:s3], $0xF7A  }
0x26: {  	[smem:$0x3F91] =	sst s1;
	(tag) =	ssettag s2;
	_ =	strace s9  }
0x27: {  	s1 =	sld [smem:$0x3FA1]  }
0x28: {  	s2 =	sld [smem:$0x3FA2]  }
0x29: {  	s4 =	sld [smem:$0x3FA4]  }
0x2a: {  	p0 =	seq.s32 s5, $0x0;
	s5 =	sld [smem:$0x3FA5]  }
0x2b: {  	s6 =	sld [smem:$0x3FA6]  }
0x2c: {  	s7 =	sld [smem:$0x3FA7]  }
0x2d: {  	s3 =	simm.s32 $0x108;
	s8 =	sld [smem:$0x3FA8]  }
0x2e: {  	s3 =	simm.s32 @!p0 $0x1082;
	s9 =	sld [smem:$0x3FA9]  }
0x2f: {  	lr =	sadd.s32 s0, s3;
	s0 =	sld [smem:$0x3FA0]  }
0x30: {  	s3 =	sld [smem:$0x3FA3]  }
0x31: {  	[smem:$0x3FAC] =	sst s10  }
0x32: {  	s10 =	sld [smem:$0x3FAA];
	_ =	sdelay $0x3  }
0x33: {  	p0 =	seq.s32 s10, $0x1;
	s10 =	sld [smem:$0x3FAC];
	_ =	sdelay $0x3  }
0x34: {  	[smem:$0x3FAC] =	sst s10  }
0x35: {  	s10 =	sld [smem:$0x3FAB];
	_ =	sdelay $0x3  }
0x36: {  	p1 =	seq.s32 s10, $0x1;
	s10 =	sld [smem:$0x3FAC];
	_ =	sdelay $0x3  }
0x37: {  	[smem:$0x3FAC] =	sst s10  }
0x38: {  	s10 =	sld [smem:$0x3FAD]  }
0x39: {  	_ = 	snop;
	(pc) =	sbr.ind lr, $3  }
0x3a: {  	_ = 	snop  }
0x3b: {  	_ = 	snop  }
0x3c: {  	p2 =	seq.s32 s10, $0x1;
	s10 =	sld [smem:$0x3FAC]  }
0x3d: {  	_ =	shalt  }
0x3e: {  	_ =	shalt  }
0x3f: {  	_ =	shalt  }
0x40: {  	_ =	shalt  }
0x41: {  	_ =	shalt  }
0x42: {  	_ =	shalt  }
0x43: {  	_ =	shalt  }
0x44: {  	_ =	shalt  }
0x45: {  	_ =	shalt  }
0x46: {  	_ =	shalt  }
0x47: {  	_ =	shalt  }
0x48: {  	_ =	shalt  }
0x49: {  	_ =	shalt  }
0x4a: {  	_ =	shalt  }
0x4b: {  	_ =	shalt  }
0x4c: {  	_ =	shalt  }
0x4d: {  	_ =	shalt  }
0x4e: {  	_ =	shalt  }
0x4f: {  	_ =	shalt  }
0x50: {  	_ =	shalt  }
0x51: {  	_ =	shalt  }
0x52: {  	_ =	shalt  }
0x53: {  	_ =	shalt  }
0x54: {  	_ =	shalt  }
0x55: {  	_ =	shalt  }
0x56: {  	_ =	shalt  }
0x57: {  	_ =	shalt  }
0x58: {  	_ =	shalt  }
0x59: {  	_ =	shalt  }
0x5a: {  	_ =	shalt  }
0x5b: {  	_ =	shalt  }
0x5c: {  	_ =	shalt  }
0x5d: {  	_ =	shalt  }
0x5e: {  	_ =	shalt  }
0x5f: {  	_ =	shalt  }
0x60: {  	_ =	shalt  }
0x61: {  	_ =	shalt  }
0x62: {  	_ =	shalt  }
0x63: {  	_ =	shalt  }
0x64: {  	_ =	shalt  }
0x65: {  	_ =	shalt  }
0x66: {  	_ =	shalt  }
0x67: {  	_ =	shalt  }
0x68: {  	_ =	shalt  }
0x69: {  	_ =	shalt  }
0x6a: {  	_ =	shalt  }
0x6b: {  	_ =	shalt  }
0x6c: {  	_ =	shalt  }
0x6d: {  	_ =	shalt  }
0x6e: {  	_ =	shalt  }
0x6f: {  	_ =	shalt  }
0x70: {  	_ =	shalt  }
0x71: {  	_ =	shalt  }
0x72: {  	_ =	shalt  }
0x73: {  	_ =	shalt  }
0x74: {  	_ =	shalt  }
0x75: {  	_ =	shalt  }
0x76: {  	_ =	shalt  }
0x77: {  	_ =	shalt  }
0x78: {  	_ =	shalt  }
0x79: {  	_ =	shalt  }
0x7a: {  	_ =	shalt  }
0x7b: {  	_ =	shalt  }
0x7c: {  	_ =	shalt  }
0x7d: {  	_ =	shalt  }
0x7e: {  	_ =	shalt  }
0x7f: {  	_ =	shalt  }
0x80: {  	_ =	shalt  }
0x81: {  	_ =	shalt  }
0x82: {  	_ =	shalt  }
0x83: {  	_ =	shalt  }
0x84: {  	_ =	shalt  }
0x85: {  	_ =	shalt  }
0x86: {  	_ =	shalt  }
0x87: {  	_ =	shalt  }
.Lfunc_end0:
.L_simem_size_0:
called_computation.2_lowered:
.L_overlay_start_0:
0x88: {  	s2 =	sld [smem:$0x3FD9]  }
0x89: {  	s3 =	sld [smem:$0x3FFE];
	_ =	sdelay $0x1  }
0x8a: {  	s1 =	srdreg.scid  }
0x8b: {  	s0 =	sand.u32 $0x1, s1  }
0x8c: {  	s16 =	sshll.u32 s0, $0xA;
	s2 =	sadd.s32 s3, s2  }
0x8d: {  	s2 =	sadd.s32 s2, s16  }
0x8e: {  	[smem:$0x3FB8] =	sst s2  }
0x8f: {  	_ = 	snop  }
0x90: {  	(tm) =	ssettm $0x1  }
0x91: {  	s17 =	sld [smem:$0x3FFB];
	_ =	sdelay $0x3  }
0x92: {  	_ =	strace s17  }
0x93: {  	s2 =	sld [smem:$0x3FFC];
	_ =	sdelay $0x3  }
0x94: {  	_ =	strace s2  }
0x95: {  	s2 =	sld [smem:$0x3FFD];
	_ =	sdelay $0x3  }
0x96: {  	_ =	strace s2  }
0x97: {  	_ =	strace $0x8FFFFFFF  }
0x98: {  	s18 =	sld [smem:$0x3FDB];
	_ =	sdelay $0x1  }
0x99: {  	s19 =	simm.s32 $_scs_section_size  }
0x9a: {  	s4 =	simm.s32 $_size__tile_overlayer_lowered;
	s5 =	simm.s32 $_tile_overlayer_lowered  }
0x9b: {  	s22 =	simm.s32 $0x1BFF;
	s21 =	sshll.u32 s5, $0x1;
	s2 =	sadd.s32 s19, s18  }
0x9c: {  	s6 =	simm.s32 $0x0;
	s20 =	sshll.u32 s4, $0x1;
	s4 =	sadd.s32 s21, s2  }
0x9d: {  	[timem:s6], [sflag:s22] =	dma.local [hbm:s4], s20  }
0x9e: {  	_ =	swait.ge [sflag:s22], s20  }
0x9f: {  	s3 =	ssub.s32 $0x0, s20;
	[sflag:s22] =	ssyncset.done $0x0  }
0xa0: {  	[sflag:s22] =	ssyncadd.s32 s3;
	_ =	sdelay $0x1  }
0xa1: {  	s23 =	simm.s32 $0x1B8B  }
0xa2: {  	_ =	swait.ge [sflag:s23], $0x1  }
0xa3: {  	[sflag:s23] =	ssyncset.done $0x0  }
0xa4: {  	s25 =	simm.s32 $0x1B8E;
	s24 =	sld [smem:$0x3FFE];
	[sflag:s23] =	ssyncadd.s32 $0xFFFFFFFF  }
0xa5: {  	s26 =	simm.s32 $execute0_lowered;
	[smem:$0x3FD2] =	sst s25  }
0xa6: {  	s4 =	sshll.u32 s26, $0x1;
	_ =	strace $0x8000004C;
	[dreg:$0x1] =	wrdreg $0xFFFFFFFF  }
0xa7: {  	s28 =	simm.s32 $_size_execute0_lowered;
	s2 =	sadd.s32 s2, s4;
	[dreg:$0x0] =	wrdreg $0x0  }
0xa8: {  	s4 =	sshll.u32 s28, $0x1;
	[dreg:$0x2] =	wrdreg s2  }
0xa9: {  	[dreg:$0x3] =	wrdreg s4  }
0xaa: {  	[dreg:$0x4] =	wrdreg $0xC0  }
0xab: {  	_ =	task [dreg:s6], $0x5FFFF  }
0xac: {  	[dreg:$0x1] =	wrdreg $0xFFFFFFFF  }
0xad: {  	[dreg:$0x0] =	wrdreg $0x60  }
0xae: {  	[dreg:$0x2] =	wrdreg s24  }
0xaf: {  	[dreg:$0x3] =	wrdreg $0x8F800  }
0xb0: {  	[dreg:$0x4] =	wrdreg $0x9  }
0xb1: {  	_ =	task.clear_ibuf [dreg:s6], $0x5FFFF;
	_ =	strace $0x9000004C  }
0xb2: {  	s29 =	simm.s32 $0x9;
	_ =	strace $0x8000004E  }
0xb3: {  	_ =	swait.ge [sflag:s29], $0x1  }
0xb4: {  	[sflag:s29] =	ssyncadd.s32 $0xFFFFFFFF  }
0xb5: {  	_ =	strace $0x9000004E  }
0xb6: {  	_ =	sfence  }
0xb7: {  	s30 =	sld [smem:$0x0];
	_ =	sdelay $0x2  }
0xb8: {  	s31 =	sshll.u32 s1, $0xD;
	s1 =	sshrl.u32 s1, $0x2  }
0xb9: {  	s3 =	sand.u32 $0x4000, s31;
	s1 =	sadd.s32 s1, s30  }
0xba: {  	s0 =	sor.u32 s3, s0;
	s1 =	sshll.u32 s1, $0x11  }
0xbb: {  	s0 =	sor.u32 s1, s0  }
0xbc: {  	s0 =	sadd.s32 $0x8F2B, s0  }
0xbd: {  	[sflag:s0] =	ssyncadd.remote.s32 $0x1  }
0xbe: {  	_ =	sfence.sel $0xFFFF  }
0xbf: {  	[dreg:$0x0] =	wrdreg $0xFFFFFFFF;
	(pc) =	sbr.abs _section_cstart, $3  }
0xc0: {  	[dreg:$0x1] =	wrdreg $0xFFFFFFFF  }
0xc1: {  	_ =	task.clear_ibuf [dreg:s6], $0x2FFFF;
	_ =	strace $0x9FFFFFFF  }
0xc2: {  	(tm) =	ssettm $0x7FFFFFFF  }
0xc3: {  	_ =	shalt  }
tec
execute0_lowered:
.L_overlay_start_1:
0x0: {  	(tag) =	ssettag $0x1  }
0x1: {  	s0 =	srdreg.scid;
	s3 =	rddreg [dreg:$0x0]  }
0x2: {  	s9 =	stileid.u32;
	s2 =	rddreg [dreg:$0x1]  }
0x3: {  	s6 =	simm.s32 $0x0;
	s28 =	simm.s32 $0x6780;
	s7 =	smul.u32 $0xA000, s9  }
0x4: {  	s29 =	simm.s32 $0x3;
	s0 =	sand.u32 $0x1, s0;
	s20 =	smul.u32 $0x500, s9  }
0x5: {  	s30 =	simm.s32 $0x1;
	s10 =	sor.u32 $0x10, s9;
	s24 =	smul.u32 $0x27100, s0  }
0x6: {  	s31 =	simm.s32 $0x2;
	s11 =	sor.u32 $0x20, s9;
	s25 =	smul.u32 $0xA000, s10  }
0x7: {  	s5 =	sshll.u32 s9, $0x7;
	s13 =	sor.u32 $0x30, s9;
	s12 =	smul.u32 $0xA000, s11  }
0x8: {  	[smem:$0x7FF] =	sst s6;
	s15 =	sor.u32 $0x40, s9;
	s14 =	smul.u32 $0xA000, s13  }
0x9: {  	s17 =	sor.u32 $0x50, s9;
	s18 =	sor.u32 $0x60, s9;
	s16 =	smul.u32 $0xA000, s15  }
0xa: {  	s19 =	sor.u32 $0x70, s9;
	s1 =	sshll.u32 s0, $0x4;
	s26 =	smul.u32 $0xA000, s17  }
0xb: {  	s5 =	sand.u32 $0x380, s5;
	_ =	strace $0x8000004D;
	s21 =	smul.u32 $0x500, s11  }
0xc: {  	s0 =	ssub.s32 $0x2, s0;
	s17 =	smul.u32 $0x500, s17;
	p0 =	sgt.u32 s19, $0x7C  }
0xd: {  	s1 =	sor.u32 s9, s1;
	s8 =	sshrl.u32 s0, $0x1;
	s7 =	sshrl.u32 s7, $0x2  }
0xe: {  	s4 =	sshrl.u32 s1, $0x3;
	s1 =	sshll.u32 s1, $0xB;
	s0 =	ssub.s32 s0, s8  }
0xf: {  	s6 =	sshrl.u32 s25, $0x2;
	s8 =	sadd.s32 s7, s2;
	s22 =	sshrl.u32 s12, $0x2  }
0x10: {  	s23 =	sshrl.u32 s14, $0x2;
	s25 =	sshrl.u32 s16, $0x2;
	s16 =	simm.s32 $0x7380  }
0x11: {  	s7 =	simm.s32 $0x1E800;
	s4 =	smul.u32 $0x13C00, s4;
	s1 =	sadd.s32 s1, s3  }
0x12: {  	s0 =	smax.u32 s0, $0x1;
	s9 =	sadd.s32 s6, s2;
	s6 =	smul.u32 $0x500, s10  }
0x13: {  	s10 =	sadd.s32 s22, s2;
	s11 =	sadd.s32 s23, s2;
	s12 =	sadd.s32 s25, s2  }
0x14: {  	s1 =	sadd.s32 $0x3800, s1;
	[dreg:$0x5] =	wrdreg s0;
	s0 =	smul.u32 $0xA000, s19  }
0x15: {  	s5 =	sor.u32 s5, s4;
	[dreg:$0x4] =	wrdreg s1;
	s1 =	smul.u32 $0xA000, s18  }
0x16: {  	s4 =	sadd.s32 $0x1D600, s3;
	s18 =	smul.u32 $0x500, s18;
	s5 =	sshrl.u32 s5, $0x3  }
0x17: {  	s0 =	sshrl.u32 s0, $0x2;
	s5 =	sadd.s32 s5, s3;
	s3 =	sadd.s32 s24, s3  }
0x18: {  	s24 =	smul.u32 $0x500, s13;
	s5 =	sadd.s32 $0x13800, s5;
	s3 =	sadd.s32 $0x44800, s3  }
0x19: {  	[dreg:$0x3] =	wrdreg s5;
	s5 =	sshrl.u32 s26, $0x2;
	s26 =	smul.u32 $0x500, s15  }
0x1a: {  	s15 =	sadd.s32 s0, s2;
	s0 =	smul.u32 $0x500, s19;
	s19 =	sadd.s32 s20, s3  }
0x1b: {  	s1 =	sshrl.u32 s1, $0x2;
	s20 =	sadd.s32 s6, s3;
	[dreg:$0x6] =	wrdreg s19  }
0x1c: {  	s14 =	sadd.s32 s1, s2;
	s22 =	sadd.s32 s21, s3;
	[dreg:$0x7] =	wrdreg s20  }
0x1d: {  	s1 =	simm.s32 $0x18;
	s23 =	sadd.s32 s24, s3;
	[dreg:$0x8] =	wrdreg s22  }
0x1e: {  	s25 =	sadd.s32 s17, s3;
	s6 =	simm.s32 $0x1E000;
	[dreg:$0x9] =	wrdreg s23  }
0x1f: {  	s17 =	simm.s32 $0x50;
	s13 =	sadd.s32 s5, s2;
	[dreg:$0xb] =	wrdreg s25  }
0x20: {  	s25 =	simm.s32 $0x10;
	s5 =	simm.s32 $0x1D400;
	s24 =	sadd.s32 s26, s3  }
0x21: {  	s26 =	sadd.s32 s18, s3;
	s0 =	sadd.s32 @!p0 s0, s3;
	[dreg:$0xa] =	wrdreg s24  }
0x22: {  	s3 =	simm.s32 $0x1C800;
	s18 =	simm.s32 $0x0;
	[dreg:$0xc] =	wrdreg s26  }
0x23: {  	v0 =	vimm.f32 $0.0e+00;
	[dreg:$0xd] =	wrdreg s0;
	s26 =	simm.s32 $0x7F80;
	s0 =	simm.s32 $0x8780  }
.LBB2_1:
0x24: {  	s19 =	simm.s32 $0x0  }
0x25: {  	s20 =	rddreg [dreg:$0x3];
	s21 =	simm.s32 $0x80;
	s22 =	simm.s32 $0x400  }
0x26: {  	[tilespmem:s19], [sflag:$0x1] =	stream.strided.gather [hbm4b:s20+s21], $0x2780, s22, s21, $0x38;
	[tilespmem:$0x1F000] =	vst v63  }
0x27: {  	s23 =	rddreg [dreg:$0x4];
	s24 =	simm.s32 $0x2780  }
0x28: {  	[tilespmem:s24], [sflag:$0x2] =	stream.linear.gather [hbm4b:s23+s19], $0x3E80, $0x38;
	[tilespmem:$0x1F000] =	vst v63  }
0x29: {  	s20 =	simm.s32 $0x3C0;
	s19 =	simm.s32 $0x70  }
.LBB2_2:
0x2a: {  	p1 =	sne.s32 s20, $0x9FC0;
	[tilespmem:s19+$0x6780] =	vst v0  }
0x2b: {  	[tilespmem:s19+$0x6710] =	vst v0  }
0x2c: {  	[tilespmem:s19+$0x6720] =	vst v0  }
.Ltmp0:
0x2d: {  	[tilespmem:s19+$0x6730] =	vst v0;
	(pc) =	sbr.rel @p1 .LBB2_2-.Ltmp0, $4  }
0x2e: {  	[tilespmem:s19+$0x6740] =	vst v0  }
0x2f: {  	[tilespmem:s19+$0x6750] =	vst v0  }
0x30: {  	[tilespmem:s19+$0x6760] =	vst v0  }
0x31: {  	[tilespmem:s19+$0x6770] =	vst v0;
	s19 =	sshra.s32 s20, $0x2;
	s20 =	sadd.s32 $0x200, s20  }
0x32: {  	[tilespmem:s19+$0x6780] =	vst v0  }
0x33: {  	[tilespmem:s19+$0x6710] =	vst v0  }
0x34: {  	[tilespmem:s19+$0x6720] =	vst v0  }
0x35: {  	[tilespmem:s19+$0x6730] =	vst v0  }
0x36: {  	[tilespmem:s19+$0x6740] =	vst v0  }
0x37: {  	[tilespmem:s19+$0x6750] =	vst v0  }
0x38: {  	[tilespmem:s19+$0x6760] =	vst v0  }
0x39: {  	[tilespmem:s19+$0x6770] =	vst v0  }
0x3a: {  	[spmem:s8] =	stream.linear.scatter [tilespmem:s28], [sflag:$0x3], $0x2800, $0x38;
	[tilespmem:$0x1F000] =	vst v63  }
0x3b: {  	_ =	swait.ge [sflag:s29], $0x2800  }
0x3c: {  	[sflag:s29] =	ssyncset.done $0x0  }
0x3d: {  	[sflag:s29] =	ssyncadd.s32 $0xFFFFD800  }
0x3e: {  	[spmem:s9] =	stream.linear.scatter [tilespmem:s28], [sflag:$0x3], $0x2800, $0x38;
	[tilespmem:$0x1F000] =	vst v63  }
0x3f: {  	_ =	swait.ge [sflag:s29], $0x2800  }
0x40: {  	[sflag:s29] =	ssyncset.done $0x0  }
0x41: {  	[sflag:s29] =	ssyncadd.s32 $0xFFFFD800  }
0x42: {  	[spmem:s10] =	stream.linear.scatter [tilespmem:s28], [sflag:$0x3], $0x2800, $0x38;
	[tilespmem:$0x1F000] =	vst v63  }
0x43: {  	_ =	swait.ge [sflag:s29], $0x2800  }
0x44: {  	[sflag:s29] =	ssyncset.done $0x0  }
0x45: {  	[sflag:s29] =	ssyncadd.s32 $0xFFFFD800  }
0x46: {  	[spmem:s11] =	stream.linear.scatter [tilespmem:s28], [sflag:$0x3], $0x2800, $0x38;
	[tilespmem:$0x1F000] =	vst v63  }
0x47: {  	_ =	swait.ge [sflag:s29], $0x2800  }
0x48: {  	[sflag:s29] =	ssyncset.done $0x0  }
0x49: {  	[sflag:s29] =	ssyncadd.s32 $0xFFFFD800  }
0x4a: {  	[spmem:s12] =	stream.linear.scatter [tilespmem:s28], [sflag:$0x3], $0x2800, $0x38;
	[tilespmem:$0x1F000] =	vst v63  }
0x4b: {  	_ =	swait.ge [sflag:s29], $0x2800  }
0x4c: {  	[sflag:s29] =	ssyncset.done $0x0  }
0x4d: {  	[sflag:s29] =	ssyncadd.s32 $0xFFFFD800  }
0x4e: {  	[spmem:s13] =	stream.linear.scatter [tilespmem:s28], [sflag:$0x3], $0x2800, $0x38;
	[tilespmem:$0x1F000] =	vst v63  }
0x4f: {  	_ =	swait.ge [sflag:s29], $0x2800  }
0x50: {  	[sflag:s29] =	ssyncset.done $0x0  }
0x51: {  	[sflag:s29] =	ssyncadd.s32 $0xFFFFD800  }
0x52: {  	[spmem:s14] =	stream.linear.scatter [tilespmem:s28], [sflag:$0x3], $0x2800, $0x38;
	[tilespmem:$0x1F000] =	vst v63  }
0x53: {  	_ =	swait.ge [sflag:s29], $0x2800  }
0x54: {  	[sflag:s29] =	ssyncset.done $0x0  }
0x55: {  	s19 =	simm.s32 @!p0 $0x6780;
	[sflag:s29] =	ssyncadd.s32 $0xFFFFD800  }
0x56: {  	[spmem:s15] =	stream.linear.scatter @!p0 [tilespmem:s19], [sflag:$0x3], $0x2800, $0x38;
	[tilespmem:$0x1F000] =	vst v63  }
0x57: {  	s19 =	simm.s32 @!p0 $0x3  }
0x58: {  	_ =	swait.ge @!p0 [sflag:s19], $0x2800  }
0x59: {  	[sflag:s19] =	ssyncset.done @!p0 $0x0  }
0x5a: {  	[sflag:s19] =	ssyncadd.s32 @!p0 $0xFFFFD800  }
0x5b: {  	_ =	swait.ge [sflag:s30], $0x2780  }
0x5c: {  	[sflag:s30] =	ssyncset.done $0x0  }
0x5d: {  	[sflag:s30] =	ssyncadd.s32 $0xFFFFD880  }
0x5e: {  	_ =	swait.ge [sflag:s31], $0x3E80  }
0x5f: {  	[sflag:s31] =	ssyncset.done $0x0  }
0x60: {  	[sflag:s31] =	ssyncadd.s32 $0xFFFFC180  }
0x61: {  	s22 =	simm.s32 $0x0;
	[bflag:$0x0] =	sbarrier.arrive $0xFFFF  }
0x62: {  	[tilespmem:s28], [sflag:$0x1] =	stream.indirect.gather [hbm4b:s4+s1], $0x80, s22, s1, $0xb8;
	[tilespmem:$0x1F000] =	vst v63  }
0x63: {  	_ = 	snop  }
0x64: {  	[tilespmem:s16], [sflag:$0x1] =	stream.indirect.gather [hbm4b:s4+s1], $0x80, s1, s1, $0xb8;
	[tilespmem:$0x1F000] =	vst v63  }
0x65: {  	s23 =	simm.s32 $0x30  }
0x66: {  	[tilespmem:s26], [sflag:$0x1] =	stream.indirect.gather [hbm4b:s4+s25], $0x80, s23, s25, $0xb8;
	[tilespmem:$0x1F000] =	vst v63  }
0x67: {  	s24 =	simm.s32 $0x40  }
0x68: {  	[tilespmem:s0], [sflag:$0x1] =	stream.indirect.gather [hbm4b:s4+s25], $0x80, s24, s25, $0xb8;
	[tilespmem:$0x1F000] =	vst v63  }
0x69: {  	s20 =	simm.s32 $0x50  }
0x6a: {  	[tilespmem:s3], [sflag:$0x2] =	stream.indirect.gather [hbm4b:s4+s1], $0x80, s20, s1, $0xb8;
	[tilespmem:$0x1F000] =	vst v63  }
0x6b: {  	s21 =	simm.s32 $0x68  }
0x6c: {  	[tilespmem:s5], [sflag:$0x2] =	stream.indirect.gather [hbm4b:s4+s1], $0x80, s21, s1, $0xb8;
	[tilespmem:$0x1F000] =	vst v63  }
0x6d: {  	s22 =	simm.s32 $0x80  }
0x6e: {  	[tilespmem:s6], [sflag:$0x2] =	stream.indirect.gather [hbm4b:s4+s25], $0x80, s22, s25, $0xb8;
	[tilespmem:$0x1F000] =	vst v63  }
0x6f: {  	s23 =	simm.s32 $0x90  }
0x70: {  	[tilespmem:s7], [sflag:$0x2] =	stream.indirect.gather [hbm4b:s4+s25], $0x80, s23, s25, $0xb8;
	[tilespmem:$0x1F000] =	vst v63  }
0x71: {  	_ =	swait.ge [sflag:s30], $0x2800  }
0x72: {  	[sflag:s30] =	ssyncset.done $0x0  }
0x73: {  	s24 =	simm.s32 $0x2780;
	[sflag:s30] =	ssyncadd.s32 $0xFFFFD800  }
0x74: {  	[spmem:s2] =	stream.indirect.scatter.add.f32 [tilespmem:s28], [sflag:$0x3], $0x80, s24, s17, $0xb8;
	[tilespmem:$0x1F000] =	vst v63  }
0x75: {  	_ =	swait.ge [sflag:s29], $0x2800  }
0x76: {  	[sflag:s29] =	ssyncset.done $0x0  }
0x77: {  	s20 =	simm.s32 $0xA0;
	[sflag:s29] =	ssyncadd.s32 $0xFFFFD800  }
0x78: {  	[tilespmem:s28], [sflag:$0x1] =	stream.indirect.gather [hbm4b:s4+s1], $0x80, s20, s1, $0xb8;
	[tilespmem:$0x1F000] =	vst v63  }
0x79: {  	s21 =	simm.s32 $0xB8  }
0x7a: {  	[tilespmem:s16], [sflag:$0x1] =	stream.indirect.gather [hbm4b:s4+s1], $0x80, s21, s1, $0xb8;
	[tilespmem:$0x1F000] =	vst v63  }
0x7b: {  	s22 =	simm.s32 $0xD0  }
0x7c: {  	[tilespmem:s26], [sflag:$0x1] =	stream.indirect.gather [hbm4b:s4+s25], $0x80, s22, s25, $0xb8;
	[tilespmem:$0x1F000] =	vst v63  }
0x7d: {  	s23 =	simm.s32 $0xE0  }
0x7e: {  	[tilespmem:s0], [sflag:$0x1] =	stream.indirect.gather [hbm4b:s4+s25], $0x80, s23, s25, $0xb8;
	[tilespmem:$0x1F000] =	vst v63  }
0x7f: {  	_ =	swait.ge [sflag:s31], $0x2800  }
0x80: {  	[sflag:s31] =	ssyncset.done $0x0  }
0x81: {  	s24 =	simm.s32 $0x2800;
	[sflag:s31] =	ssyncadd.s32 $0xFFFFD800  }
0x82: {  	[spmem:s2] =	stream.indirect.scatter.add.f32 [tilespmem:s3], [sflag:$0x3], $0x80, s24, s17, $0xb8;
	[tilespmem:$0x1F000] =	vst v63  }
0x83: {  	s19 =	simm.s32 $0x2880;
	_ =	swait.ge [sflag:s29], $0x2800  }
0x84: {  	s20 =	simm.s32 $0xA0;
	s21 =	simm.s32 $0x500;
	[sflag:s29] =	ssyncset.done $0x0  }
.LBB2_4:
0x85: {  	s22 =	sadd.s32 $0x50, s20  }
0x86: {  	[sflag:s29] =	ssyncadd.s32 $0xFFFFD800;
	s23 =	smov.u32 s21;
	s24 =	sadd.s32 $0x280, s21  }
0x87: {  	[tilespmem:s3], [sflag:$0x2] =	stream.indirect.gather [hbm4b:s4+s1], $0x80, s22, s1, $0xb8;
	[tilespmem:$0x1F000] =	vst v63  }
0x88: {  	p1 =	sne.s32 s21, $0x9880;
	s21 =	sadd.s32 $0x68, s20  }
0x89: {  	[tilespmem:s5], [sflag:$0x2] =	stream.indirect.gather [hbm4b:s4+s1], $0x80, s21, s1, $0xb8;
	[tilespmem:$0x1F000] =	vst v63  }
0x8a: {  	s21 =	sadd.s32 $0x80, s20  }
0x8b: {  	[tilespmem:s6], [sflag:$0x2] =	stream.indirect.gather [hbm4b:s4+s25], $0x80, s21, s25, $0xb8;
	[tilespmem:$0x1F000] =	vst v63  }
0x8c: {  	s21 =	sadd.s32 $0x90, s20  }
0x8d: {  	[tilespmem:s7], [sflag:$0x2] =	stream.indirect.gather [hbm4b:s4+s25], $0x80, s21, s25, $0xb8;
	[tilespmem:$0x1F000] =	vst v63  }
0x8e: {  	_ =	swait.ge [sflag:s30], $0x2800  }
0x8f: {  	[sflag:s30] =	ssyncset.done $0x0  }
0x90: {  	[sflag:s30] =	ssyncadd.s32 $0xFFFFD800  }
0x91: {  	[spmem:s2] =	stream.indirect.scatter.add.f32 [tilespmem:s28], [sflag:$0x3], $0x80, s19, s17, $0xb8;
	[tilespmem:$0x1F000] =	vst v63  }
0x92: {  	_ =	swait.ge [sflag:s29], $0x2800  }
0x93: {  	[sflag:s29] =	ssyncset.done $0x0  }
0x94: {  	s21 =	sadd.s32 $0xA0, s20;
	[sflag:s29] =	ssyncadd.s32 $0xFFFFD800  }
0x95: {  	[tilespmem:s28], [sflag:$0x1] =	stream.indirect.gather [hbm4b:s4+s1], $0x80, s21, s1, $0xb8;
	[tilespmem:$0x1F000] =	vst v63  }
0x96: {  	s21 =	sadd.s32 $0xB8, s20  }
0x97: {  	[tilespmem:s16], [sflag:$0x1] =	stream.indirect.gather [hbm4b:s4+s1], $0x80, s21, s1, $0xb8;
	[tilespmem:$0x1F000] =	vst v63  }
0x98: {  	s21 =	sadd.s32 $0xD0, s20  }
0x99: {  	[tilespmem:s26], [sflag:$0x1] =	stream.indirect.gather [hbm4b:s4+s25], $0x80, s21, s25, $0xb8;
	[tilespmem:$0x1F000] =	vst v63  }
0x9a: {  	s20 =	sadd.s32 $0xE0, s20  }
0x9b: {  	[tilespmem:s0], [sflag:$0x1] =	stream.indirect.gather [hbm4b:s4+s25], $0x80, s20, s25, $0xb8;
	[tilespmem:$0x1F000] =	vst v63  }
0x9c: {  	_ =	swait.ge [sflag:s31], $0x2800  }
.Ltmp1:
0x9d: {  	[sflag:s31] =	ssyncset.done $0x0;
	(pc) =	sbr.rel @p1 .LBB2_4-.Ltmp1, $4  }
0x9e: {  	s20 =	sadd.s32 $0x80, s19;
	[sflag:s31] =	ssyncadd.s32 $0xFFFFD800  }
0x9f: {  	[spmem:s2] =	stream.indirect.scatter.add.f32 [tilespmem:s3], [sflag:$0x3], $0x80, s20, s17, $0xb8;
	[tilespmem:$0x1F000] =	vst v63  }
0xa0: {  	s21 =	smov.u32 s24;
	_ =	swait.ge [sflag:s29], $0x2800  }
0xa1: {  	s19 =	sadd.s32 $0x100, s19;
	s20 =	sshra.s32 s23, $0x2;
	[sflag:s29] =	ssyncset.done $0x0  }
0xa2: {  	s21 =	sadd.s32 $0x50, s20;
	[sflag:s29] =	ssyncadd.s32 $0xFFFFD800  }
0xa3: {  	[tilespmem:s3], [sflag:$0x2] =	stream.indirect.gather [hbm4b:s4+s1], $0x80, s21, s1, $0xb8;
	[tilespmem:$0x1F000] =	vst v63  }
0xa4: {  	s22 =	sadd.s32 $0x68, s20  }
0xa5: {  	[tilespmem:s5], [sflag:$0x2] =	stream.indirect.gather [hbm4b:s4+s1], $0x80, s22, s1, $0xb8;
	[tilespmem:$0x1F000] =	vst v63  }
0xa6: {  	s23 =	sadd.s32 $0x80, s20  }
0xa7: {  	[tilespmem:s6], [sflag:$0x2] =	stream.indirect.gather [hbm4b:s4+s25], $0x80, s23, s25, $0xb8;
	[tilespmem:$0x1F000] =	vst v63  }
0xa8: {  	s24 =	sadd.s32 $0x90, s20  }
0xa9: {  	[tilespmem:s7], [sflag:$0x2] =	stream.indirect.gather [hbm4b:s4+s25], $0x80, s24, s25, $0xb8;
	[tilespmem:$0x1F000] =	vst v63  }
0xaa: {  	_ =	swait.ge [sflag:s30], $0x2800  }
0xab: {  	[sflag:s30] =	ssyncset.done $0x0  }
0xac: {  	[sflag:s30] =	ssyncadd.s32 $0xFFFFD800  }
0xad: {  	[spmem:s2] =	stream.indirect.scatter.add.f32 [tilespmem:s28], [sflag:$0x3], $0x80, s19, s17, $0xb8;
	[tilespmem:$0x1F000] =	vst v63  }
0xae: {  	_ =	swait.ge [sflag:s29], $0x2800  }
0xaf: {  	[sflag:s29] =	ssyncset.done $0x0  }
0xb0: {  	s22 =	sadd.s32 $0xA0, s20;
	[sflag:s29] =	ssyncadd.s32 $0xFFFFD800  }
0xb1: {  	[tilespmem:s28], [sflag:$0x1] =	stream.indirect.gather [hbm4b:s4+s1], $0x80, s22, s1, $0xb8;
	[tilespmem:$0x1F000] =	vst v63  }
0xb2: {  	s23 =	sadd.s32 $0xB8, s20  }
0xb3: {  	[tilespmem:s16], [sflag:$0x1] =	stream.indirect.gather [hbm4b:s4+s1], $0x80, s23, s1, $0xb8;
	[tilespmem:$0x1F000] =	vst v63  }
0xb4: {  	s24 =	sadd.s32 $0xD0, s20  }
0xb5: {  	[tilespmem:s26], [sflag:$0x1] =	stream.indirect.gather [hbm4b:s4+s25], $0x80, s24, s25, $0xb8;
	[tilespmem:$0x1F000] =	vst v63  }
0xb6: {  	s22 =	sadd.s32 $0xE0, s20  }
0xb7: {  	[tilespmem:s0], [sflag:$0x1] =	stream.indirect.gather [hbm4b:s4+s25], $0x80, s22, s25, $0xb8;
	[tilespmem:$0x1F000] =	vst v63  }
0xb8: {  	_ =	swait.ge [sflag:s31], $0x2800  }
0xb9: {  	[sflag:s31] =	ssyncset.done $0x0  }
0xba: {  	s23 =	sadd.s32 $0x80, s19;
	[sflag:s31] =	ssyncadd.s32 $0xFFFFD800  }
0xbb: {  	[spmem:s2] =	stream.indirect.scatter.add.f32 [tilespmem:s3], [sflag:$0x3], $0x80, s23, s17, $0xb8;
	[tilespmem:$0x1F000] =	vst v63  }
0xbc: {  	_ =	swait.ge [sflag:s29], $0x2800  }
0xbd: {  	[sflag:s29] =	ssyncset.done $0x0  }
0xbe: {  	[sflag:s29] =	ssyncadd.s32 $0xFFFFD800  }
0xbf: {  	_ =	swait.ge [sflag:s30], $0x2800  }
0xc0: {  	[sflag:s30] =	ssyncset.done $0x0  }
0xc1: {  	s24 =	simm.s32 $0x6580;
	[sflag:s30] =	ssyncadd.s32 $0xFFFFD800  }
0xc2: {  	[spmem:s2] =	stream.indirect.scatter.add.f32 [tilespmem:s28], [sflag:$0x3], $0x80, s24, s17, $0xb8;
	[tilespmem:$0x1F000] =	vst v63  }
0xc3: {  	_ =	swait.ge [sflag:s29], $0x2800  }
0xc4: {  	[sflag:s29] =	ssyncset.done $0x0  }
0xc5: {  	s20 =	stileid.u32;
	[sflag:s29] =	ssyncadd.s32 $0xFFFFD800  }
0xc6: {  	s19 =	sshll.u32 s20, $0x6;
	[bflag:$0x0] =	sbarrier.arrive $0xFFFF  }
0xc7: {  	s21 =	sshrl.u32 s8, $0x3;
	s19 =	sor.u32 $0x1C03, s19;
	s22 =	rddreg [dreg:$0x6]  }
0xc8: {  	[hbm:s22], [sflag:s19] =	dma.local [spmem:s21], $0x500  }
0xc9: {  	_ =	swait.ge [sflag:s29], $0x500  }
0xca: {  	[sflag:s29] =	ssyncset.done $0x0  }
0xcb: {  	s23 =	sshrl.u32 s9, $0x3;
	s24 =	rddreg [dreg:$0x7];
	[sflag:s29] =	ssyncadd.s32 $0xFFFFFB00  }
0xcc: {  	[hbm:s24], [sflag:s19] =	dma.local [spmem:s23], $0x500  }
0xcd: {  	_ =	swait.ge [sflag:s29], $0x500  }
0xce: {  	[sflag:s29] =	ssyncset.done $0x0  }
0xcf: {  	s21 =	sshrl.u32 s10, $0x3;
	s22 =	rddreg [dreg:$0x8];
	[sflag:s29] =	ssyncadd.s32 $0xFFFFFB00  }
0xd0: {  	[hbm:s22], [sflag:s19] =	dma.local [spmem:s21], $0x500  }
0xd1: {  	_ =	swait.ge [sflag:s29], $0x500  }
0xd2: {  	[sflag:s29] =	ssyncset.done $0x0  }
0xd3: {  	s23 =	sshrl.u32 s11, $0x3;
	s24 =	rddreg [dreg:$0x9];
	[sflag:s29] =	ssyncadd.s32 $0xFFFFFB00  }
0xd4: {  	[hbm:s24], [sflag:s19] =	dma.local [spmem:s23], $0x500  }
0xd5: {  	_ =	swait.ge [sflag:s29], $0x500  }
0xd6: {  	[sflag:s29] =	ssyncset.done $0x0  }
0xd7: {  	s21 =	sshrl.u32 s12, $0x3;
	s22 =	rddreg [dreg:$0xa];
	[sflag:s29] =	ssyncadd.s32 $0xFFFFFB00  }
0xd8: {  	[hbm:s22], [sflag:s19] =	dma.local [spmem:s21], $0x500  }
0xd9: {  	_ =	swait.ge [sflag:s29], $0x500  }
0xda: {  	[sflag:s29] =	ssyncset.done $0x0  }
0xdb: {  	s23 =	sshrl.u32 s13, $0x3;
	s24 =	rddreg [dreg:$0xb];
	[sflag:s29] =	ssyncadd.s32 $0xFFFFFB00  }
0xdc: {  	[hbm:s24], [sflag:s19] =	dma.local [spmem:s23], $0x500  }
0xdd: {  	_ =	swait.ge [sflag:s29], $0x500  }
0xde: {  	[sflag:s29] =	ssyncset.done $0x0  }
0xdf: {  	s22 =	sshrl.u32 s14, $0x3;
	s23 =	rddreg [dreg:$0xc];
	[sflag:s29] =	ssyncadd.s32 $0xFFFFFB00  }
0xe0: {  	[hbm:s23], [sflag:s19] =	dma.local [spmem:s22], $0x500  }
0xe1: {  	_ =	swait.ge [sflag:s29], $0x500  }
0xe2: {  	[sflag:s29] =	ssyncset.done $0x0  }
0xe3: {  	s20 =	sshrl.u32 @!p0 s15, $0x3;
	s21 =	rddreg [dreg:$0xd];
	[sflag:s29] =	ssyncadd.s32 $0xFFFFFB00  }
0xe4: {  	[hbm:s21], [sflag:s19] =	dma.local @!p0 [spmem:s20], $0x500  }
0xe5: {  	s19 =	simm.s32 @!p0 $0x3  }
0xe6: {  	_ =	swait.ge @!p0 [sflag:s19], $0x500  }
0xe7: {  	s18 =	sadd.s32 $0x1, s18;
	s24 =	rddreg [dreg:$0x5]  }
0xe8: {  	p1 =	sne.s32 s18, s24  }
.Ltmp2:
0xe9: {  	_ = 	snop;
	(pc) =	sbr.rel @p1 .LBB2_1-.Ltmp2, $3  }
0xea: {  	_ =	sdelay $0x1  }
0xeb: {  	[sflag:s19] =	ssyncset.done @!p0 $0x0  }
0xec: {  	[sflag:s19] =	ssyncadd.s32 @!p0 $0xFFFFFB00  }
0xed: {  	_ =	sfence.sel $0x180000  }
0xee: {  	[bflag:$0x0] =	sbarrier.arrive $0xFFFF  }
0xef: {  	_ =	strace $0x9000004D  }
0xf0: {  	s0 =	stileid.u32;
	[bflag:$0x2] =	sbarrier.arrive $0xFFFF  }
0xf1: {  	p0 =	sne.s32 s0, $0x0;
	s0 =	rddreg [dreg:$0x2]  }
0xf2: {  	s0 =	sadd.s32 @!p0 $0x100000, s0  }
0xf3: {  	[sflag:s0] =	ssyncadd.tile.s32 @!p0 $0x1;
	_ =	shalt  }
.Lfunc_end2:
_tile_overlayer_lowered:
.L_overlay_start_2:
0xf4: {  	(tag) =	ssettag $0x2  }
0xf5: {  	s0 =	rddreg [dreg:$0x0];
	s2 =	stileid.u32  }
0xf6: {  	s1 =	rddreg [dreg:$0x1];
	p0 =	sne.s32 s2, $0x0  }
0xf7: {  	s3 =	rddreg [dreg:$0x2];
	[bflag:$0x3] =	sbarrier.arrive $0xFFFF;
	s2 =	simm.s32 @!p0 $0x1C03  }
0xf8: {  	[timem:s3], [sflag:s2] =	dma.local @!p0 [hbm:s0], s1  }
0xf9: {  	s0 =	simm.s32 @!p0 $0x3  }
0xfa: {  	_ =	swait.ge @!p0 [sflag:s0], s1  }
0xfb: {  	s1 =	ssub.s32 @!p0 $0x0, s1;
	[sflag:s0] =	ssyncset.done @!p0 $0x0  }
0xfc: {  	[sflag:s0] =	ssyncadd.s32 @!p0 s1  }
0xfd: {  	[bflag:$0x3] =	sbarrier.arrive $0xFFFF  }
0xfe: {  	_ =	shalt  }

// kernel: kernel.9.cloned.1.call-start
scs
__scs_entry_jumppad:
0x0: {  	(pc) =	sbr.rel $0x88, $3  }
0x1: {  	(tag) =	ssettag $0x0;
	lr =	simm.s32 $0x1  }
0x2: {  	[smem:$0x3F91] =	sst lr;
	_ =	strace $0xD0000000  }
0x3: {  	_ = 	snop  }
0x4: {  	_ = 	snop  }
0x5: {  	_ = 	snop  }
0x6: {  	_ = 	snop  }
0x7: {  	_ = 	snop  }
__scs_overlays_trampoline_lowered:
0x8: {  	[smem:$0x3FA0] =	sst s0  }
0x9: {  	[smem:$0x3FA1] =	sst s1  }
0xa: {  	[smem:$0x3FA2] =	sst s2  }
0xb: {  	[smem:$0x3FA3] =	sst s3  }
0xc: {  	[smem:$0x3FA4] =	sst s4  }
0xd: {  	[smem:$0x3FA5] =	sst s5  }
0xe: {  	[smem:$0x3FA6] =	sst s6  }
0xf: {  	[smem:$0x3FA7] =	sst s7  }
0x10: {  	[smem:$0x3FA8] =	sst s8  }
0x11: {  	[smem:$0x3FA9] =	sst s9;
	s0 =	simm.s32 @!p0 $0x0  }
0x12: {  	s1 =	sld [smem:$0x3F8F];
	s0 =	simm.s32 @p0 $0x1  }
0x13: {  	[smem:$0x3FAA] =	sst s0;
	s0 =	simm.s32 @!p1 $0x0  }
0x14: {  	s2 =	sld [smem:$0x3F8E];
	s0 =	simm.s32 @p1 $0x1  }
0x15: {  	[smem:$0x3FAB] =	sst s0;
	s0 =	simm.s32 @!p2 $0x0  }
0x16: {  	s3 =	sld [smem:$0x3FDB];
	s0 =	simm.s32 @p2 $0x1  }
0x17: {  	s4 =	simm.s32 $0x1BF5;
	[smem:$0x3FAD] =	sst s0  }
0x18: {  	s0 =	sld [smem:$0x3F90];
	_ =	swait.ge [sflag:s4], $0x0  }
0x19: {  	s7 =	sld [smem:$0x3F91]  }
0x1a: {  	s8 =	sadd.s32 $0xFFFFE003, lr  }
0x1b: {  	s9 =	sadd.s32 $0xFFFFFEF7, lr;
	s5 =	simm.s32 $0xFFFFFFFF;
	p2 =	slt.u32 s8, $0xFFFFF086  }
0x1c: {  	p1 =	slt.u32 s9, $0xF7A;
	s5 =	simm.s32 @!p2 $0x0  }
0x1d: {  	s5 =	simm.s32 @p1 $0x1;
	p0 =	seq.s32 s7, s2  }
0x1e: {  	s7 =	smul.u32 @!p0 $0xF7A, s2;
	p2 =	seq.s32 @!p0 s5, $0x0  }
0x1f: {  	s9 =	smul.u32 $0xF7A, s1;
	s8 =	simm.s32 @!p0 $0x1BF5;
	p2 =	por !p2, p0  }
0x20: {  	[sflag:s8] =	ssyncset.s32 @!p0 $0xFFFFF086;
	s6 =	sadd.s32 @!p0 s3, s7;
	s7 =	simm.s32 @!p0 $0x108  }
0x21: {  	s3 =	sadd.s32 s3, s9;
	s6 =	sadd.s32 @!p0 $0x88, s6;
	s7 =	simm.s32 @p2 $0x1082  }
0x22: {  	[simem:s7], [sflag:s8] =	dma.local @!p0 [hbm:s6], $0xF7A  }
0x23: {  	s9 =	sor.u32 $0xD0000000, s2;
	s6 =	simm.s32 $0x108;
	_ =	swait.ge @!p0 [sflag:s8], $0x0  }
0x24: {  	s3 =	sadd.s32 $0x88, s3;
	s6 =	simm.s32 @!p1 $0x1082;
	[sflag:s4] =	ssyncset.s32 $0xFFFFF086  }
0x25: {  	[simem:s6], [sflag:s4] =	dma.local [hbm:s3], $0xF7A  }
0x26: {  	[smem:$0x3F91] =	sst s1;
	(tag) =	ssettag s2;
	_ =	strace s9  }
0x27: {  	s1 =	sld [smem:$0x3FA1]  }
0x28: {  	s2 =	sld [smem:$0x3FA2]  }
0x29: {  	s4 =	sld [smem:$0x3FA4]  }
0x2a: {  	p0 =	seq.s32 s5, $0x0;
	s5 =	sld [smem:$0x3FA5]  }
0x2b: {  	s6 =	sld [smem:$0x3FA6]  }
0x2c: {  	s7 =	sld [smem:$0x3FA7]  }
0x2d: {  	s3 =	simm.s32 $0x108;
	s8 =	sld [smem:$0x3FA8]  }
0x2e: {  	s3 =	simm.s32 @!p0 $0x1082;
	s9 =	sld [smem:$0x3FA9]  }
0x2f: {  	lr =	sadd.s32 s0, s3;
	s0 =	sld [smem:$0x3FA0]  }
0x30: {  	s3 =	sld [smem:$0x3FA3]  }
0x31: {  	[smem:$0x3FAC] =	sst s10  }
0x32: {  	s10 =	sld [smem:$0x3FAA];
	_ =	sdelay $0x3  }
0x33: {  	p0 =	seq.s32 s10, $0x1;
	s10 =	sld [smem:$0x3FAC];
	_ =	sdelay $0x3  }
0x34: {  	[smem:$0x3FAC] =	sst s10  }
0x35: {  	s10 =	sld [smem:$0x3FAB];
	_ =	sdelay $0x3  }
0x36: {  	p1 =	seq.s32 s10, $0x1;
	s10 =	sld [smem:$0x3FAC];
	_ =	sdelay $0x3  }
0x37: {  	[smem:$0x3FAC] =	sst s10  }
0x38: {  	s10 =	sld [smem:$0x3FAD]  }
0x39: {  	_ = 	snop;
	(pc) =	sbr.ind lr, $3  }
0x3a: {  	_ = 	snop  }
0x3b: {  	_ = 	snop  }
0x3c: {  	p2 =	seq.s32 s10, $0x1;
	s10 =	sld [smem:$0x3FAC]  }
0x3d: {  	_ =	shalt  }
0x3e: {  	_ =	shalt  }
0x3f: {  	_ =	shalt  }
0x40: {  	_ =	shalt  }
0x41: {  	_ =	shalt  }
0x42: {  	_ =	shalt  }
0x43: {  	_ =	shalt  }
0x44: {  	_ =	shalt  }
0x45: {  	_ =	shalt  }
0x46: {  	_ =	shalt  }
0x47: {  	_ =	shalt  }
0x48: {  	_ =	shalt  }
0x49: {  	_ =	shalt  }
0x4a: {  	_ =	shalt  }
0x4b: {  	_ =	shalt  }
0x4c: {  	_ =	shalt  }
0x4d: {  	_ =	shalt  }
0x4e: {  	_ =	shalt  }
0x4f: {  	_ =	shalt  }
0x50: {  	_ =	shalt  }
0x51: {  	_ =	shalt  }
0x52: {  	_ =	shalt  }
0x53: {  	_ =	shalt  }
0x54: {  	_ =	shalt  }
0x55: {  	_ =	shalt  }
0x56: {  	_ =	shalt  }
0x57: {  	_ =	shalt  }
0x58: {  	_ =	shalt  }
0x59: {  	_ =	shalt  }
0x5a: {  	_ =	shalt  }
0x5b: {  	_ =	shalt  }
0x5c: {  	_ =	shalt  }
0x5d: {  	_ =	shalt  }
0x5e: {  	_ =	shalt  }
0x5f: {  	_ =	shalt  }
0x60: {  	_ =	shalt  }
0x61: {  	_ =	shalt  }
0x62: {  	_ =	shalt  }
0x63: {  	_ =	shalt  }
0x64: {  	_ =	shalt  }
0x65: {  	_ =	shalt  }
0x66: {  	_ =	shalt  }
0x67: {  	_ =	shalt  }
0x68: {  	_ =	shalt  }
0x69: {  	_ =	shalt  }
0x6a: {  	_ =	shalt  }
0x6b: {  	_ =	shalt  }
0x6c: {  	_ =	shalt  }
0x6d: {  	_ =	shalt  }
0x6e: {  	_ =	shalt  }
0x6f: {  	_ =	shalt  }
0x70: {  	_ =	shalt  }
0x71: {  	_ =	shalt  }
0x72: {  	_ =	shalt  }
0x73: {  	_ =	shalt  }
0x74: {  	_ =	shalt  }
0x75: {  	_ =	shalt  }
0x76: {  	_ =	shalt  }
0x77: {  	_ =	shalt  }
0x78: {  	_ =	shalt  }
0x79: {  	_ =	shalt  }
0x7a: {  	_ =	shalt  }
0x7b: {  	_ =	shalt  }
0x7c: {  	_ =	shalt  }
0x7d: {  	_ =	shalt  }
0x7e: {  	_ =	shalt  }
0x7f: {  	_ =	shalt  }
0x80: {  	_ =	shalt  }
0x81: {  	_ =	shalt  }
0x82: {  	_ =	shalt  }
0x83: {  	_ =	shalt  }
0x84: {  	_ =	shalt  }
0x85: {  	_ =	shalt  }
0x86: {  	_ =	shalt  }
0x87: {  	_ =	shalt  }
.Lfunc_end0:
.L_simem_size_0:
called_computation_lowered:
.L_overlay_start_0:
0x88: {  	s2 =	sld [smem:$0x3FD9]  }
0x89: {  	s3 =	sld [smem:$0x3FFE];
	_ =	sdelay $0x1  }
0x8a: {  	s1 =	srdreg.scid  }
0x8b: {  	s0 =	sand.u32 $0x1, s1  }
0x8c: {  	s17 =	sshll.u32 s0, $0xA;
	s2 =	sadd.s32 s3, s2  }
0x8d: {  	s2 =	sadd.s32 s2, s17  }
0x8e: {  	[smem:$0x3FB8] =	sst s2  }
0x8f: {  	_ = 	snop  }
0x90: {  	s2 =	sld [smem:$0x3FC9];
	(tm) =	ssettm $0x1  }
0x91: {  	s18 =	sld [smem:$0x3FFB];
	_ =	sdelay $0x3  }
0x92: {  	_ =	strace s18  }
0x93: {  	s3 =	sld [smem:$0x3FFC];
	_ =	sdelay $0x3  }
0x94: {  	_ =	strace s3  }
0x95: {  	s3 =	sld [smem:$0x3FFD];
	_ =	sdelay $0x3  }
0x96: {  	_ =	strace s3  }
0x97: {  	_ =	strace $0x8FFFFFFF  }
0x98: {  	s19 =	sld [smem:$0x3FDB];
	_ =	sdelay $0x1  }
0x99: {  	s4 =	simm.s32 $_scs_section_size  }
0x9a: {  	s5 =	simm.s32 $_size__tile_overlayer_lowered;
	s6 =	simm.s32 $_tile_overlayer_lowered  }
0x9b: {  	s22 =	simm.s32 $0x1BFF;
	s21 =	sshll.u32 s6, $0x1;
	s3 =	sadd.s32 s4, s19  }
0x9c: {  	s7 =	simm.s32 $0x0;
	s20 =	sshll.u32 s5, $0x1;
	s5 =	sadd.s32 s21, s3  }
0x9d: {  	[timem:s7], [sflag:s22] =	dma.local [hbm:s5], s20  }
0x9e: {  	_ =	swait.ge [sflag:s22], s20  }
0x9f: {  	s4 =	ssub.s32 $0x0, s20;
	[sflag:s22] =	ssyncset.done $0x0  }
0xa0: {  	[sflag:s22] =	ssyncadd.s32 s4;
	_ =	sdelay $0x1  }
0xa1: {  	s23 =	simm.s32 $0x1B8B  }
0xa2: {  	_ =	swait.ge [sflag:s23], $0x1  }
0xa3: {  	[sflag:s23] =	ssyncset.done $0x0  }
0xa4: {  	s25 =	simm.s32 $0x1B8E;
	s24 =	sld [smem:$0x3FFE];
	[sflag:s23] =	ssyncadd.s32 $0xFFFFFFFF  }
0xa5: {  	s26 =	simm.s32 $execute0_lowered;
	[smem:$0x3FD2] =	sst s25  }
0xa6: {  	s5 =	sshll.u32 s26, $0x1;
	_ =	strace $0x80000046;
	[dreg:$0x1] =	wrdreg $0xFFFFFFFF  }
0xa7: {  	s28 =	simm.s32 $_size_execute0_lowered;
	s3 =	sadd.s32 s3, s5;
	[dreg:$0x0] =	wrdreg $0x0  }
0xa8: {  	s5 =	sshll.u32 s28, $0x1;
	[dreg:$0x2] =	wrdreg s3  }
0xa9: {  	[dreg:$0x3] =	wrdreg s5  }
0xaa: {  	[dreg:$0x4] =	wrdreg $0xC0  }
0xab: {  	_ =	task [dreg:s7], $0x5FFFF  }
0xac: {  	[dreg:$0x1] =	wrdreg $0xFFFFFFFF  }
0xad: {  	[dreg:$0x0] =	wrdreg $0x60  }
0xae: {  	[dreg:$0x2] =	wrdreg s2  }
0xaf: {  	[dreg:$0x3] =	wrdreg s24  }
0xb0: {  	[dreg:$0x4] =	wrdreg $0x8F800  }
0xb1: {  	[dreg:$0x5] =	wrdreg $0x9  }
0xb2: {  	_ =	task.clear_ibuf [dreg:s7], $0x6FFFF;
	_ =	strace $0x90000046  }
0xb3: {  	s29 =	simm.s32 $0x9;
	_ =	strace $0x80000048  }
0xb4: {  	_ =	swait.ge [sflag:s29], $0x1  }
0xb5: {  	[sflag:s29] =	ssyncadd.s32 $0xFFFFFFFF  }
0xb6: {  	_ =	strace $0x90000048  }
0xb7: {  	_ =	sfence  }
0xb8: {  	s30 =	sld [smem:$0x0];
	_ =	sdelay $0x2  }
0xb9: {  	s31 =	sshll.u32 s1, $0xD;
	s1 =	sshrl.u32 s1, $0x2  }
0xba: {  	s3 =	sand.u32 $0x4000, s31;
	s1 =	sadd.s32 s1, s30  }
0xbb: {  	s0 =	sor.u32 s3, s0;
	s1 =	sshll.u32 s1, $0x11  }
0xbc: {  	s0 =	sor.u32 s1, s0  }
0xbd: {  	s0 =	sadd.s32 $0x8F2B, s0  }
0xbe: {  	[sflag:s0] =	ssyncadd.remote.s32 $0x1  }
0xbf: {  	_ =	sfence.sel $0xFFFF  }
0xc0: {  	[dreg:$0x0] =	wrdreg $0xFFFFFFFF;
	(pc) =	sbr.abs _section_cstart, $3  }
0xc1: {  	[dreg:$0x1] =	wrdreg $0xFFFFFFFF  }
0xc2: {  	_ =	task.clear_ibuf [dreg:s7], $0x2FFFF;
	_ =	strace $0x9FFFFFFF  }
0xc3: {  	(tm) =	ssettm $0x7FFFFFFF  }
tec
execute0_lowered:
.L_overlay_start_1:
0x0: {  	(tag) =	ssettag $0x1  }
0x1: {  	s0 =	srdreg.scid;
	s1 =	rddreg [dreg:$0x0]  }
0x2: {  	s9 =	stileid.u32;
	s4 =	rddreg [dreg:$0x1]  }
0x3: {  	s3 =	rddreg [dreg:$0x2];
	s7 =	simm.s32 $0x0;
	s24 =	smul.u32 $0xA000, s9  }
0x4: {  	s28 =	simm.s32 $0x6780;
	s0 =	sand.u32 $0x1, s0;
	s20 =	smul.u32 $0x500, s9  }
0x5: {  	s29 =	simm.s32 $0x3;
	s10 =	sor.u32 $0x10, s9;
	s23 =	smul.u32 $0x27100, s0  }
0x6: {  	s30 =	simm.s32 $0x1;
	s11 =	sor.u32 $0x20, s9;
	s25 =	smul.u32 $0xA000, s10  }
0x7: {  	s31 =	simm.s32 $0x2;
	s13 =	sor.u32 $0x30, s9;
	s12 =	smul.u32 $0xA000, s11  }
0x8: {  	s6 =	sshll.u32 s9, $0x7;
	s15 =	sor.u32 $0x40, s9;
	s14 =	smul.u32 $0xA000, s13  }
0x9: {  	[smem:$0x7FF] =	sst s7;
	s17 =	sor.u32 $0x50, s9;
	s16 =	smul.u32 $0xA000, s15  }
0xa: {  	s18 =	sor.u32 $0x60, s9;
	s19 =	sor.u32 $0x70, s9;
	s26 =	smul.u32 $0xA000, s17  }
0xb: {  	s2 =	sshll.u32 s0, $0x4;
	s6 =	sand.u32 $0x380, s6;
	s21 =	smul.u32 $0x500, s11  }
0xc: {  	_ =	strace $0x80000047;
	s0 =	ssub.s32 $0x2, s0;
	s17 =	smul.u32 $0x500, s17  }
0xd: {  	p0 =	sgt.u32 s19, $0x7C;
	s2 =	sor.u32 s9, s2;
	s8 =	sshrl.u32 s0, $0x1  }
0xe: {  	s7 =	sshrl.u32 s24, $0x2;
	s24 =	smul.u32 $0x500, s13;
	s5 =	sshrl.u32 s2, $0x3  }
0xf: {  	s2 =	sshll.u32 s2, $0xB;
	s0 =	ssub.s32 s0, s8;
	s8 =	sadd.s32 s7, s3  }
0x10: {  	s22 =	sshrl.u32 s12, $0x2;
	s5 =	smul.u32 $0x13C00, s5;
	s2 =	sadd.s32 s2, s4  }
0x11: {  	s7 =	simm.s32 $0x1E800;
	s0 =	smax.u32 s0, $0x1;
	s2 =	sadd.s32 $0x3800, s2  }
0x12: {  	[dreg:$0x6] =	wrdreg s0;
	s0 =	smul.u32 $0xA000, s19;
	s5 =	sor.u32 s6, s5  }
0x13: {  	[dreg:$0x5] =	wrdreg s2;
	s2 =	smul.u32 $0xA000, s18;
	s6 =	sshrl.u32 s25, $0x2  }
0x14: {  	s25 =	sshrl.u32 s16, $0x2;
	s18 =	smul.u32 $0x500, s18;
	s16 =	simm.s32 $0x7380  }
0x15: {  	s5 =	sshrl.u32 s5, $0x3;
	s9 =	sadd.s32 s6, s3;
	s6 =	smul.u32 $0x500, s10  }
0x16: {  	s10 =	sadd.s32 s22, s3;
	s12 =	sadd.s32 s25, s3;
	s0 =	sshrl.u32 s0, $0x2  }
0x17: {  	s5 =	sadd.s32 s5, s4;
	s4 =	sadd.s32 s23, s4;
	s23 =	sshrl.u32 s14, $0x2  }
0x18: {  	s2 =	sshrl.u32 s2, $0x2;
	s5 =	sadd.s32 $0x13800, s5;
	s4 =	sadd.s32 $0x1D600, s4  }
0x19: {  	[dreg:$0x4] =	wrdreg s5;
	s5 =	sshrl.u32 s26, $0x2;
	s26 =	smul.u32 $0x500, s15  }
0x1a: {  	s15 =	sadd.s32 s0, s3;
	s0 =	smul.u32 $0x500, s19;
	s19 =	sadd.s32 s20, s4  }
0x1b: {  	s11 =	sadd.s32 s23, s3;
	s20 =	sadd.s32 s6, s4;
	[dreg:$0x7] =	wrdreg s19  }
0x1c: {  	s14 =	sadd.s32 s2, s3;
	s22 =	sadd.s32 s21, s4;
	[dreg:$0x8] =	wrdreg s20  }
0x1d: {  	s2 =	simm.s32 $0x18;
	s23 =	sadd.s32 s24, s4;
	[dreg:$0x9] =	wrdreg s22  }
0x1e: {  	s25 =	sadd.s32 s17, s4;
	s6 =	simm.s32 $0x1E000;
	[dreg:$0xa] =	wrdreg s23  }
0x1f: {  	s17 =	simm.s32 $0x50;
	s13 =	sadd.s32 s5, s3;
	[dreg:$0xc] =	wrdreg s25  }
0x20: {  	s25 =	simm.s32 $0x10;
	s5 =	simm.s32 $0x1D400;
	s24 =	sadd.s32 s26, s4  }
0x21: {  	s26 =	sadd.s32 s18, s4;
	s0 =	sadd.s32 @!p0 s0, s4;
	[dreg:$0xb] =	wrdreg s24  }
0x22: {  	s4 =	simm.s32 $0x1C800;
	s18 =	simm.s32 $0x0;
	[dreg:$0xd] =	wrdreg s26  }
0x23: {  	v0 =	vimm.f32 $0.0e+00;
	[dreg:$0xe] =	wrdreg s0;
	s26 =	simm.s32 $0x7F80;
	s0 =	simm.s32 $0x8780  }
.LBB2_1:
0x24: {  	s19 =	simm.s32 $0x0  }
0x25: {  	s20 =	rddreg [dreg:$0x4];
	s21 =	simm.s32 $0x80;
	s22 =	simm.s32 $0x400  }
0x26: {  	[tilespmem:s19], [sflag:$0x1] =	stream.strided.gather [hbm4b:s20+s21], $0x2780, s22, s21, $0x38;
	[tilespmem:$0x1F000] =	vst v63  }
0x27: {  	s23 =	rddreg [dreg:$0x5];
	s24 =	simm.s32 $0x2780  }
0x28: {  	[tilespmem:s24], [sflag:$0x2] =	stream.linear.gather [hbm4b:s23+s19], $0x3E80, $0x38;
	[tilespmem:$0x1F000] =	vst v63  }
0x29: {  	s20 =	simm.s32 $0x3C0;
	s19 =	simm.s32 $0x70  }
.LBB2_2:
0x2a: {  	p1 =	sne.s32 s20, $0x9FC0;
	[tilespmem:s19+$0x6780] =	vst v0  }
0x2b: {  	[tilespmem:s19+$0x6710] =	vst v0  }
0x2c: {  	[tilespmem:s19+$0x6720] =	vst v0  }
.Ltmp0:
0x2d: {  	[tilespmem:s19+$0x6730] =	vst v0;
	(pc) =	sbr.rel @p1 .LBB2_2-.Ltmp0, $4  }
0x2e: {  	[tilespmem:s19+$0x6740] =	vst v0  }
0x2f: {  	[tilespmem:s19+$0x6750] =	vst v0  }
0x30: {  	[tilespmem:s19+$0x6760] =	vst v0  }
0x31: {  	[tilespmem:s19+$0x6770] =	vst v0;
	s19 =	sshra.s32 s20, $0x2;
	s20 =	sadd.s32 $0x200, s20  }
0x32: {  	[tilespmem:s19+$0x6780] =	vst v0  }
0x33: {  	[tilespmem:s19+$0x6710] =	vst v0  }
0x34: {  	[tilespmem:s19+$0x6720] =	vst v0  }
0x35: {  	[tilespmem:s19+$0x6730] =	vst v0  }
0x36: {  	[tilespmem:s19+$0x6740] =	vst v0  }
0x37: {  	[tilespmem:s19+$0x6750] =	vst v0  }
0x38: {  	[tilespmem:s19+$0x6760] =	vst v0  }
0x39: {  	[tilespmem:s19+$0x6770] =	vst v0  }
0x3a: {  	[spmem:s8] =	stream.linear.scatter [tilespmem:s28], [sflag:$0x3], $0x2800, $0x38;
	[tilespmem:$0x1F000] =	vst v63  }
0x3b: {  	_ =	swait.ge [sflag:s29], $0x2800  }
0x3c: {  	[sflag:s29] =	ssyncset.done $0x0  }
0x3d: {  	[sflag:s29] =	ssyncadd.s32 $0xFFFFD800  }
0x3e: {  	[spmem:s9] =	stream.linear.scatter [tilespmem:s28], [sflag:$0x3], $0x2800, $0x38;
	[tilespmem:$0x1F000] =	vst v63  }
0x3f: {  	_ =	swait.ge [sflag:s29], $0x2800  }
0x40: {  	[sflag:s29] =	ssyncset.done $0x0  }
0x41: {  	[sflag:s29] =	ssyncadd.s32 $0xFFFFD800  }
0x42: {  	[spmem:s10] =	stream.linear.scatter [tilespmem:s28], [sflag:$0x3], $0x2800, $0x38;
	[tilespmem:$0x1F000] =	vst v63  }
0x43: {  	_ =	swait.ge [sflag:s29], $0x2800  }
0x44: {  	[sflag:s29] =	ssyncset.done $0x0  }
0x45: {  	[sflag:s29] =	ssyncadd.s32 $0xFFFFD800  }
0x46: {  	[spmem:s11] =	stream.linear.scatter [tilespmem:s28], [sflag:$0x3], $0x2800, $0x38;
	[tilespmem:$0x1F000] =	vst v63  }
0x47: {  	_ =	swait.ge [sflag:s29], $0x2800  }
0x48: {  	[sflag:s29] =	ssyncset.done $0x0  }
0x49: {  	[sflag:s29] =	ssyncadd.s32 $0xFFFFD800  }
0x4a: {  	[spmem:s12] =	stream.linear.scatter [tilespmem:s28], [sflag:$0x3], $0x2800, $0x38;
	[tilespmem:$0x1F000] =	vst v63  }
0x4b: {  	_ =	swait.ge [sflag:s29], $0x2800  }
0x4c: {  	[sflag:s29] =	ssyncset.done $0x0  }
0x4d: {  	[sflag:s29] =	ssyncadd.s32 $0xFFFFD800  }
0x4e: {  	[spmem:s13] =	stream.linear.scatter [tilespmem:s28], [sflag:$0x3], $0x2800, $0x38;
	[tilespmem:$0x1F000] =	vst v63  }
0x4f: {  	_ =	swait.ge [sflag:s29], $0x2800  }
0x50: {  	[sflag:s29] =	ssyncset.done $0x0  }
0x51: {  	[sflag:s29] =	ssyncadd.s32 $0xFFFFD800  }
0x52: {  	[spmem:s14] =	stream.linear.scatter [tilespmem:s28], [sflag:$0x3], $0x2800, $0x38;
	[tilespmem:$0x1F000] =	vst v63  }
0x53: {  	_ =	swait.ge [sflag:s29], $0x2800  }
0x54: {  	[sflag:s29] =	ssyncset.done $0x0  }
0x55: {  	s19 =	simm.s32 @!p0 $0x6780;
	[sflag:s29] =	ssyncadd.s32 $0xFFFFD800  }
0x56: {  	[spmem:s15] =	stream.linear.scatter @!p0 [tilespmem:s19], [sflag:$0x3], $0x2800, $0x38;
	[tilespmem:$0x1F000] =	vst v63  }
0x57: {  	s19 =	simm.s32 @!p0 $0x3  }
0x58: {  	_ =	swait.ge @!p0 [sflag:s19], $0x2800  }
0x59: {  	[sflag:s19] =	ssyncset.done @!p0 $0x0  }
0x5a: {  	[sflag:s19] =	ssyncadd.s32 @!p0 $0xFFFFD800  }
0x5b: {  	_ =	swait.ge [sflag:s30], $0x2780  }
0x5c: {  	[sflag:s30] =	ssyncset.done $0x0  }
0x5d: {  	[sflag:s30] =	ssyncadd.s32 $0xFFFFD880  }
0x5e: {  	_ =	swait.ge [sflag:s31], $0x3E80  }
0x5f: {  	[sflag:s31] =	ssyncset.done $0x0  }
0x60: {  	[sflag:s31] =	ssyncadd.s32 $0xFFFFC180  }
0x61: {  	s22 =	simm.s32 $0x0;
	[bflag:$0x0] =	sbarrier.arrive $0xFFFF  }
0x62: {  	[tilespmem:s28], [sflag:$0x1] =	stream.indirect.gather [hbm4b:s1+s2], $0x80, s22, s2, $0xb8;
	[tilespmem:$0x1F000] =	vst v63  }
0x63: {  	_ = 	snop  }
0x64: {  	[tilespmem:s16], [sflag:$0x1] =	stream.indirect.gather [hbm4b:s1+s2], $0x80, s2, s2, $0xb8;
	[tilespmem:$0x1F000] =	vst v63  }
0x65: {  	s23 =	simm.s32 $0x30  }
0x66: {  	[tilespmem:s26], [sflag:$0x1] =	stream.indirect.gather [hbm4b:s1+s25], $0x80, s23, s25, $0xb8;
	[tilespmem:$0x1F000] =	vst v63  }
0x67: {  	s24 =	simm.s32 $0x40  }
0x68: {  	[tilespmem:s0], [sflag:$0x1] =	stream.indirect.gather [hbm4b:s1+s25], $0x80, s24, s25, $0xb8;
	[tilespmem:$0x1F000] =	vst v63  }
0x69: {  	s20 =	simm.s32 $0x50  }
0x6a: {  	[tilespmem:s4], [sflag:$0x2] =	stream.indirect.gather [hbm4b:s1+s2], $0x80, s20, s2, $0xb8;
	[tilespmem:$0x1F000] =	vst v63  }
0x6b: {  	s21 =	simm.s32 $0x68  }
0x6c: {  	[tilespmem:s5], [sflag:$0x2] =	stream.indirect.gather [hbm4b:s1+s2], $0x80, s21, s2, $0xb8;
	[tilespmem:$0x1F000] =	vst v63  }
0x6d: {  	s22 =	simm.s32 $0x80  }
0x6e: {  	[tilespmem:s6], [sflag:$0x2] =	stream.indirect.gather [hbm4b:s1+s25], $0x80, s22, s25, $0xb8;
	[tilespmem:$0x1F000] =	vst v63  }
0x6f: {  	s23 =	simm.s32 $0x90  }
0x70: {  	[tilespmem:s7], [sflag:$0x2] =	stream.indirect.gather [hbm4b:s1+s25], $0x80, s23, s25, $0xb8;
	[tilespmem:$0x1F000] =	vst v63  }
0x71: {  	_ =	swait.ge [sflag:s30], $0x2800  }
0x72: {  	[sflag:s30] =	ssyncset.done $0x0  }
0x73: {  	s24 =	simm.s32 $0x2780;
	[sflag:s30] =	ssyncadd.s32 $0xFFFFD800  }
0x74: {  	[spmem:s3] =	stream.indirect.scatter.add.f32 [tilespmem:s28], [sflag:$0x3], $0x80, s24, s17, $0xb8;
	[tilespmem:$0x1F000] =	vst v63  }
0x75: {  	_ =	swait.ge [sflag:s29], $0x2800  }
0x76: {  	[sflag:s29] =	ssyncset.done $0x0  }
0x77: {  	s20 =	simm.s32 $0xA0;
	[sflag:s29] =	ssyncadd.s32 $0xFFFFD800  }
0x78: {  	[tilespmem:s28], [sflag:$0x1] =	stream.indirect.gather [hbm4b:s1+s2], $0x80, s20, s2, $0xb8;
	[tilespmem:$0x1F000] =	vst v63  }
0x79: {  	s21 =	simm.s32 $0xB8  }
0x7a: {  	[tilespmem:s16], [sflag:$0x1] =	stream.indirect.gather [hbm4b:s1+s2], $0x80, s21, s2, $0xb8;
	[tilespmem:$0x1F000] =	vst v63  }
0x7b: {  	s22 =	simm.s32 $0xD0  }
0x7c: {  	[tilespmem:s26], [sflag:$0x1] =	stream.indirect.gather [hbm4b:s1+s25], $0x80, s22, s25, $0xb8;
	[tilespmem:$0x1F000] =	vst v63  }
0x7d: {  	s23 =	simm.s32 $0xE0  }
0x7e: {  	[tilespmem:s0], [sflag:$0x1] =	stream.indirect.gather [hbm4b:s1+s25], $0x80, s23, s25, $0xb8;
	[tilespmem:$0x1F000] =	vst v63  }
0x7f: {  	_ =	swait.ge [sflag:s31], $0x2800  }
0x80: {  	[sflag:s31] =	ssyncset.done $0x0  }
0x81: {  	s24 =	simm.s32 $0x2800;
	[sflag:s31] =	ssyncadd.s32 $0xFFFFD800  }
0x82: {  	[spmem:s3] =	stream.indirect.scatter.add.f32 [tilespmem:s4], [sflag:$0x3], $0x80, s24, s17, $0xb8;
	[tilespmem:$0x1F000] =	vst v63  }
0x83: {  	s19 =	simm.s32 $0x2880;
	_ =	swait.ge [sflag:s29], $0x2800  }
0x84: {  	s20 =	simm.s32 $0xA0;
	s21 =	simm.s32 $0x500;
	[sflag:s29] =	ssyncset.done $0x0  }
.LBB2_4:
0x85: {  	s22 =	sadd.s32 $0x50, s20  }
0x86: {  	[sflag:s29] =	ssyncadd.s32 $0xFFFFD800;
	s23 =	smov.u32 s21;
	s24 =	sadd.s32 $0x280, s21  }
0x87: {  	[tilespmem:s4], [sflag:$0x2] =	stream.indirect.gather [hbm4b:s1+s2], $0x80, s22, s2, $0xb8;
	[tilespmem:$0x1F000] =	vst v63  }
0x88: {  	p1 =	sne.s32 s21, $0x9880;
	s21 =	sadd.s32 $0x68, s20  }
0x89: {  	[tilespmem:s5], [sflag:$0x2] =	stream.indirect.gather [hbm4b:s1+s2], $0x80, s21, s2, $0xb8;
	[tilespmem:$0x1F000] =	vst v63  }
0x8a: {  	s21 =	sadd.s32 $0x80, s20  }
0x8b: {  	[tilespmem:s6], [sflag:$0x2] =	stream.indirect.gather [hbm4b:s1+s25], $0x80, s21, s25, $0xb8;
	[tilespmem:$0x1F000] =	vst v63  }
0x8c: {  	s21 =	sadd.s32 $0x90, s20  }
0x8d: {  	[tilespmem:s7], [sflag:$0x2] =	stream.indirect.gather [hbm4b:s1+s25], $0x80, s21, s25, $0xb8;
	[tilespmem:$0x1F000] =	vst v63  }
0x8e: {  	_ =	swait.ge [sflag:s30], $0x2800  }
0x8f: {  	[sflag:s30] =	ssyncset.done $0x0  }
0x90: {  	[sflag:s30] =	ssyncadd.s32 $0xFFFFD800  }
0x91: {  	[spmem:s3] =	stream.indirect.scatter.add.f32 [tilespmem:s28], [sflag:$0x3], $0x80, s19, s17, $0xb8;
	[tilespmem:$0x1F000] =	vst v63  }
0x92: {  	_ =	swait.ge [sflag:s29], $0x2800  }
0x93: {  	[sflag:s29] =	ssyncset.done $0x0  }
0x94: {  	s21 =	sadd.s32 $0xA0, s20;
	[sflag:s29] =	ssyncadd.s32 $0xFFFFD800  }
0x95: {  	[tilespmem:s28], [sflag:$0x1] =	stream.indirect.gather [hbm4b:s1+s2], $0x80, s21, s2, $0xb8;
	[tilespmem:$0x1F000] =	vst v63  }
0x96: {  	s21 =	sadd.s32 $0xB8, s20  }
0x97: {  	[tilespmem:s16], [sflag:$0x1] =	stream.indirect.gather [hbm4b:s1+s2], $0x80, s21, s2, $0xb8;
	[tilespmem:$0x1F000] =	vst v63  }
0x98: {  	s21 =	sadd.s32 $0xD0, s20  }
0x99: {  	[tilespmem:s26], [sflag:$0x1] =	stream.indirect.gather [hbm4b:s1+s25], $0x80, s21, s25, $0xb8;
	[tilespmem:$0x1F000] =	vst v63  }
0x9a: {  	s20 =	sadd.s32 $0xE0, s20  }
0x9b: {  	[tilespmem:s0], [sflag:$0x1] =	stream.indirect.gather [hbm4b:s1+s25], $0x80, s20, s25, $0xb8;
	[tilespmem:$0x1F000] =	vst v63  }
0x9c: {  	_ =	swait.ge [sflag:s31], $0x2800  }
.Ltmp1:
0x9d: {  	[sflag:s31] =	ssyncset.done $0x0;
	(pc) =	sbr.rel @p1 .LBB2_4-.Ltmp1, $4  }
0x9e: {  	s20 =	sadd.s32 $0x80, s19;
	[sflag:s31] =	ssyncadd.s32 $0xFFFFD800  }
0x9f: {  	[spmem:s3] =	stream.indirect.scatter.add.f32 [tilespmem:s4], [sflag:$0x3], $0x80, s20, s17, $0xb8;
	[tilespmem:$0x1F000] =	vst v63  }
0xa0: {  	s21 =	smov.u32 s24;
	_ =	swait.ge [sflag:s29], $0x2800  }
0xa1: {  	s19 =	sadd.s32 $0x100, s19;
	s20 =	sshra.s32 s23, $0x2;
	[sflag:s29] =	ssyncset.done $0x0  }
0xa2: {  	s21 =	sadd.s32 $0x50, s20;
	[sflag:s29] =	ssyncadd.s32 $0xFFFFD800  }
0xa3: {  	[tilespmem:s4], [sflag:$0x2] =	stream.indirect.gather [hbm4b:s1+s2], $0x80, s21, s2, $0xb8;
	[tilespmem:$0x1F000] =	vst v63  }
0xa4: {  	s22 =	sadd.s32 $0x68, s20  }
0xa5: {  	[tilespmem:s5], [sflag:$0x2] =	stream.indirect.gather [hbm4b:s1+s2], $0x80, s22, s2, $0xb8;
	[tilespmem:$0x1F000] =	vst v63  }
0xa6: {  	s23 =	sadd.s32 $0x80, s20  }
0xa7: {  	[tilespmem:s6], [sflag:$0x2] =	stream.indirect.gather [hbm4b:s1+s25], $0x80, s23, s25, $0xb8;
	[tilespmem:$0x1F000] =	vst v63  }
0xa8: {  	s24 =	sadd.s32 $0x90, s20  }
0xa9: {  	[tilespmem:s7], [sflag:$0x2] =	stream.indirect.gather [hbm4b:s1+s25], $0x80, s24, s25, $0xb8;
	[tilespmem:$0x1F000] =	vst v63  }
0xaa: {  	_ =	swait.ge [sflag:s30], $0x2800  }
0xab: {  	[sflag:s30] =	ssyncset.done $0x0  }
0xac: {  	[sflag:s30] =	ssyncadd.s32 $0xFFFFD800  }
0xad: {  	[spmem:s3] =	stream.indirect.scatter.add.f32 [tilespmem:s28], [sflag:$0x3], $0x80, s19, s17, $0xb8;
	[tilespmem:$0x1F000] =	vst v63  }
0xae: {  	_ =	swait.ge [sflag:s29], $0x2800  }
0xaf: {  	[sflag:s29] =	ssyncset.done $0x0  }
0xb0: {  	s22 =	sadd.s32 $0xA0, s20;
	[sflag:s29] =	ssyncadd.s32 $0xFFFFD800  }
0xb1: {  	[tilespmem:s28], [sflag:$0x1] =	stream.indirect.gather [hbm4b:s1+s2], $0x80, s22, s2, $0xb8;
	[tilespmem:$0x1F000] =	vst v63  }
0xb2: {  	s23 =	sadd.s32 $0xB8, s20  }
0xb3: {  	[tilespmem:s16], [sflag:$0x1] =	stream.indirect.gather [hbm4b:s1+s2], $0x80, s23, s2, $0xb8;
	[tilespmem:$0x1F000] =	vst v63  }
0xb4: {  	s24 =	sadd.s32 $0xD0, s20  }
0xb5: {  	[tilespmem:s26], [sflag:$0x1] =	stream.indirect.gather [hbm4b:s1+s25], $0x80, s24, s25, $0xb8;
	[tilespmem:$0x1F000] =	vst v63  }
0xb6: {  	s22 =	sadd.s32 $0xE0, s20  }
0xb7: {  	[tilespmem:s0], [sflag:$0x1] =	stream.indirect.gather [hbm4b:s1+s25], $0x80, s22, s25, $0xb8;
	[tilespmem:$0x1F000] =	vst v63  }
0xb8: {  	_ =	swait.ge [sflag:s31], $0x2800  }
0xb9: {  	[sflag:s31] =	ssyncset.done $0x0  }
0xba: {  	s23 =	sadd.s32 $0x80, s19;
	[sflag:s31] =	ssyncadd.s32 $0xFFFFD800  }
0xbb: {  	[spmem:s3] =	stream.indirect.scatter.add.f32 [tilespmem:s4], [sflag:$0x3], $0x80, s23, s17, $0xb8;
	[tilespmem:$0x1F000] =	vst v63  }
0xbc: {  	_ =	swait.ge [sflag:s29], $0x2800  }
0xbd: {  	[sflag:s29] =	ssyncset.done $0x0  }
0xbe: {  	[sflag:s29] =	ssyncadd.s32 $0xFFFFD800  }
0xbf: {  	_ =	swait.ge [sflag:s30], $0x2800  }
0xc0: {  	[sflag:s30] =	ssyncset.done $0x0  }
0xc1: {  	s24 =	simm.s32 $0x6580;
	[sflag:s30] =	ssyncadd.s32 $0xFFFFD800  }
0xc2: {  	[spmem:s3] =	stream.indirect.scatter.add.f32 [tilespmem:s28], [sflag:$0x3], $0x80, s24, s17, $0xb8;
	[tilespmem:$0x1F000] =	vst v63  }
0xc3: {  	_ =	swait.ge [sflag:s29], $0x2800  }
0xc4: {  	[sflag:s29] =	ssyncset.done $0x0  }
0xc5: {  	s20 =	stileid.u32;
	[sflag:s29] =	ssyncadd.s32 $0xFFFFD800  }
0xc6: {  	s19 =	sshll.u32 s20, $0x6;
	[bflag:$0x0] =	sbarrier.arrive $0xFFFF  }
0xc7: {  	s21 =	sshrl.u32 s8, $0x3;
	s19 =	sor.u32 $0x1C03, s19;
	s22 =	rddreg [dreg:$0x7]  }
0xc8: {  	[hbm:s22], [sflag:s19] =	dma.local [spmem:s21], $0x500  }
0xc9: {  	_ =	swait.ge [sflag:s29], $0x500  }
0xca: {  	[sflag:s29] =	ssyncset.done $0x0  }
0xcb: {  	s23 =	sshrl.u32 s9, $0x3;
	s24 =	rddreg [dreg:$0x8];
	[sflag:s29] =	ssyncadd.s32 $0xFFFFFB00  }
0xcc: {  	[hbm:s24], [sflag:s19] =	dma.local [spmem:s23], $0x500  }
0xcd: {  	_ =	swait.ge [sflag:s29], $0x500  }
0xce: {  	[sflag:s29] =	ssyncset.done $0x0  }
0xcf: {  	s21 =	sshrl.u32 s10, $0x3;
	s22 =	rddreg [dreg:$0x9];
	[sflag:s29] =	ssyncadd.s32 $0xFFFFFB00  }
0xd0: {  	[hbm:s22], [sflag:s19] =	dma.local [spmem:s21], $0x500  }
0xd1: {  	_ =	swait.ge [sflag:s29], $0x500  }
0xd2: {  	[sflag:s29] =	ssyncset.done $0x0  }
0xd3: {  	s23 =	sshrl.u32 s11, $0x3;
	s24 =	rddreg [dreg:$0xa];
	[sflag:s29] =	ssyncadd.s32 $0xFFFFFB00  }
0xd4: {  	[hbm:s24], [sflag:s19] =	dma.local [spmem:s23], $0x500  }
0xd5: {  	_ =	swait.ge [sflag:s29], $0x500  }
0xd6: {  	[sflag:s29] =	ssyncset.done $0x0  }
0xd7: {  	s21 =	sshrl.u32 s12, $0x3;
	s22 =	rddreg [dreg:$0xb];
	[sflag:s29] =	ssyncadd.s32 $0xFFFFFB00  }
0xd8: {  	[hbm:s22], [sflag:s19] =	dma.local [spmem:s21], $0x500  }
0xd9: {  	_ =	swait.ge [sflag:s29], $0x500  }
0xda: {  	[sflag:s29] =	ssyncset.done $0x0  }
0xdb: {  	s23 =	sshrl.u32 s13, $0x3;
	s24 =	rddreg [dreg:$0xc];
	[sflag:s29] =	ssyncadd.s32 $0xFFFFFB00  }
0xdc: {  	[hbm:s24], [sflag:s19] =	dma.local [spmem:s23], $0x500  }
0xdd: {  	_ =	swait.ge [sflag:s29], $0x500  }
0xde: {  	[sflag:s29] =	ssyncset.done $0x0  }
0xdf: {  	s22 =	sshrl.u32 s14, $0x3;
	s23 =	rddreg [dreg:$0xd];
	[sflag:s29] =	ssyncadd.s32 $0xFFFFFB00  }
0xe0: {  	[hbm:s23], [sflag:s19] =	dma.local [spmem:s22], $0x500  }
0xe1: {  	_ =	swait.ge [sflag:s29], $0x500  }
0xe2: {  	[sflag:s29] =	ssyncset.done $0x0  }
0xe3: {  	s20 =	sshrl.u32 @!p0 s15, $0x3;
	s21 =	rddreg [dreg:$0xe];
	[sflag:s29] =	ssyncadd.s32 $0xFFFFFB00  }
0xe4: {  	[hbm:s21], [sflag:s19] =	dma.local @!p0 [spmem:s20], $0x500  }
0xe5: {  	s19 =	simm.s32 @!p0 $0x3  }
0xe6: {  	_ =	swait.ge @!p0 [sflag:s19], $0x500  }
0xe7: {  	s18 =	sadd.s32 $0x1, s18;
	s24 =	rddreg [dreg:$0x6]  }
0xe8: {  	p1 =	sne.s32 s18, s24  }
.Ltmp2:
0xe9: {  	_ = 	snop;
	(pc) =	sbr.rel @p1 .LBB2_1-.Ltmp2, $3  }
0xea: {  	_ =	sdelay $0x1  }
0xeb: {  	[sflag:s19] =	ssyncset.done @!p0 $0x0  }
0xec: {  	[sflag:s19] =	ssyncadd.s32 @!p0 $0xFFFFFB00  }
0xed: {  	_ =	sfence.sel $0x180000  }
0xee: {  	[bflag:$0x0] =	sbarrier.arrive $0xFFFF  }
0xef: {  	_ =	strace $0x90000047  }
0xf0: {  	s0 =	stileid.u32;
	[bflag:$0x2] =	sbarrier.arrive $0xFFFF  }
0xf1: {  	p0 =	sne.s32 s0, $0x0;
	s0 =	rddreg [dreg:$0x3]  }
0xf2: {  	s0 =	sadd.s32 @!p0 $0x100000, s0  }
0xf3: {  	[sflag:s0] =	ssyncadd.tile.s32 @!p0 $0x1;
	_ =	shalt  }
.Lfunc_end2:
_tile_overlayer_lowered:
.L_overlay_start_2:
0xf4: {  	(tag) =	ssettag $0x2  }
0xf5: {  	s0 =	rddreg [dreg:$0x0];
	s2 =	stileid.u32  }
0xf6: {  	s1 =	rddreg [dreg:$0x1];
	p0 =	sne.s32 s2, $0x0  }
0xf7: {  	s3 =	rddreg [dreg:$0x2];
	[bflag:$0x3] =	sbarrier.arrive $0xFFFF;
	s2 =	simm.s32 @!p0 $0x1C03  }
0xf8: {  	[timem:s3], [sflag:s2] =	dma.local @!p0 [hbm:s0], s1  }
0xf9: {  	s0 =	simm.s32 @!p0 $0x3  }
0xfa: {  	_ =	swait.ge @!p0 [sflag:s0], s1  }
0xfb: {  	s1 =	ssub.s32 @!p0 $0x0, s1;
	[sflag:s0] =	ssyncset.done @!p0 $0x0  }
0xfc: {  	[sflag:s0] =	ssyncadd.s32 @!p0 s1  }
0xfd: {  	[bflag:$0x3] =	sbarrier.arrive $0xFFFF  }
0xfe: {  	_ =	shalt  }

</sc_bundles>
